<compile_context>
chip_gen: v7x
topology: tpu7x:2x2x1
jax: 0.10.2.dev20260603
libtpu: 0.0.44.dev20260713+nightly
codegen_flags: <defaults>
</compile_context>

<pallas_src>
import functools

import jax
import jax.numpy as jnp
from jax import lax
from jax.experimental import pallas as pl
from jax.experimental.pallas import tpu as pltpu
from jax.experimental.pallas import tpu_sc as plsc

D = 128
NC = 2
NS = 16
NW = NC * NS
GRP = 128


def _cdiv(a, b):
    return (a + b - 1) // b


def _tc_precompute(h, W1a, W1b, b1):
    n = h.shape[0]

    def body(h_ref, wa_ref, wb_ref, b1_ref, p_ref, q_ref):
        hv = h_ref[...]
        p_ref[...] = jnp.dot(hv, wa_ref[...],
                             preferred_element_type=jnp.float32) + b1_ref[...]
        q_ref[...] = jnp.dot(hv, wb_ref[...],
                             preferred_element_type=jnp.float32)

    return pl.pallas_call(
        body,
        out_shape=(jax.ShapeDtypeStruct((n, D), jnp.float32),
                   jax.ShapeDtypeStruct((n, D), jnp.float32)),
    )(h, W1a, W1b, b1.reshape(1, D))


def _sc_gather(P, Q, ei2d, ej2d, e_pad):
    ng = ei2d.shape[0] // NW
    mesh = plsc.VectorSubcoreMesh(core_axis_name="c", subcore_axis_name="s")

    @functools.partial(
        pl.kernel,
        out_type=jax.ShapeDtypeStruct((e_pad, D), jnp.float32),
        mesh=mesh,
        compiler_params=pltpu.CompilerParams(use_tc_tiling_on_sc=False),
        scratch_types=[
            pltpu.VMEM((ng, GRP), jnp.int32),
            pltpu.VMEM((ng, GRP), jnp.int32),
            pltpu.VMEM((GRP, D), jnp.float32),
            pltpu.VMEM((GRP, D), jnp.float32),
            pltpu.VMEM((GRP, D), jnp.float32),
            pltpu.VMEM((GRP, D), jnp.float32),
            pltpu.VMEM((GRP, D), jnp.float32),
            pltpu.VMEM((GRP, D), jnp.float32),
            pltpu.SemaphoreType.DMA,
            pltpu.SemaphoreType.DMA,
            pltpu.SemaphoreType.DMA,
            pltpu.SemaphoreType.DMA,
            pltpu.SemaphoreType.DMA,
            pltpu.SemaphoreType.DMA,
        ],
    )
    def k(p_hbm, q_hbm, ei_hbm, ej_hbm, g_hbm, ia_v, ib_v,
          ba0, ba1, bb0, bb1, bo0, bo1,
          sa0, sa1, sb0, sb1, sw0, sw1):
        wid = lax.axis_index("c") * NS + lax.axis_index("s")
        rbase = wid * ng
        pltpu.sync_copy(ei_hbm.at[pl.ds(rbase, ng)], ia_v)
        pltpu.sync_copy(ej_hbm.at[pl.ds(rbase, ng)], ib_v)
        ebase = rbase * GRP
        bufs_a = (ba0, ba1)
        bufs_b = (bb0, bb1)
        bufs_o = (bo0, bo1)
        sems_a = (sa0, sa1)
        sems_b = (sb0, sb1)
        sems_w = (sw0, sw1)

        for b in range(2):
            pltpu.async_copy(p_hbm.at[ia_v.at[b]], bufs_a[b], sems_a[b])
            pltpu.async_copy(q_hbm.at[ib_v.at[b]], bufs_b[b], sems_b[b])

        def j2_loop(j2, carry):
            for b in range(2):
                j = j2 * 2 + b
                pltpu.make_async_copy(p_hbm.at[ia_v.at[j]], bufs_a[b],
                                      sems_a[b]).wait()
                pltpu.make_async_copy(q_hbm.at[ib_v.at[j]], bufs_b[b],
                                      sems_b[b]).wait()
                @pl.when(j2 > 0)
                def _():
                    pltpu.make_async_copy(
                        bufs_o[b], g_hbm.at[pl.ds(0, GRP)],
                        sems_w[b]).wait()

                def row(r4, c2):
                    for dr in range(4):
                        r = r4 * 4 + dr
                        for c in range(D // 16):
                            sl = pl.ds(c * 16, 16)
                            bufs_o[b][r, sl] = (bufs_a[b][r, sl]
                                                + bufs_b[b][r, sl])
                    return c2

                lax.fori_loop(0, GRP // 4, row, 0)
                pltpu.async_copy(bufs_o[b],
                                 g_hbm.at[pl.ds(ebase + j * GRP, GRP)],
                                 sems_w[b])
                @pl.when(j + 2 < ng)
                def _():
                    pltpu.async_copy(p_hbm.at[ia_v.at[j + 2]], bufs_a[b],
                                     sems_a[b])
                    pltpu.async_copy(q_hbm.at[ib_v.at[j + 2]], bufs_b[b],
                                     sems_b[b])
            return carry

        lax.fori_loop(0, ng // 2, j2_loop, 0)
        for b in range(2):
            pltpu.make_async_copy(bufs_o[b], g_hbm.at[pl.ds(0, GRP)],
                                  sems_w[b]).wait()

    return k(P, Q, ei2d, ej2d)


def _tc_mlp(G, d2p, u1p, u2p, u3p, w1c, g, beta, W2, b2,
            WaCat, baCat, WbBd, bbRow, blk, off_blk=0):
    e_pad = G.shape[0]
    grid = e_pad // blk

    n_real = d2p.shape[0] // blk
    def body(g_ref, d2_ref, u1_ref, u2_ref, u3_ref, w1c_ref, gam_ref,
             beta_ref, w2_ref, b2_ref, wa_ref, ba_ref, wb_ref, bb_ref,
             out_ref):
        t = g_ref[...] + d2_ref[...] * w1c_ref[...]
        a = t * jax.nn.sigmoid(t)
        cone = jnp.full((D, 1), 1.0 / D, jnp.float32)
        mu = jnp.dot(a, cone, preferred_element_type=jnp.float32)
        msq = jnp.dot(a * a, cone, preferred_element_type=jnp.float32)
        var = msq - mu * mu
        an = (a - mu) * lax.rsqrt(var + 1e-5) * gam_ref[...] + beta_ref[...]
        m2 = jnp.dot(an, w2_ref[...], preferred_element_type=jnp.float32)
        m2 = m2 + b2_ref[...]
        m2 = m2 * jax.nn.sigmoid(m2)
        q = jnp.dot(m2, wa_ref[...], preferred_element_type=jnp.float32)
        q = q + ba_ref[...]
        q = q * jax.nn.sigmoid(q)
        s = jnp.dot(q, wb_ref[...], preferred_element_type=jnp.float32)
        s = s + bb_ref[...]
        m3 = (u1_ref[...] * s[:, 0:1] + u2_ref[...] * s[:, 1:2]
              + u3_ref[...] * s[:, 2:3])
        out_ref[...] = jnp.concatenate(
            [m3, jnp.zeros((blk, 5), jnp.float32)], axis=-1)

    edge_spec = lambda w: pl.BlockSpec((blk, w), lambda i: (i, 0))
    clamped = lambda w: pl.BlockSpec(
        (blk, w), lambda i: (jnp.minimum(off_blk + i, n_real - 1), 0))
    full = lambda shp: pl.BlockSpec(shp, lambda i: (0,) * len(shp))
    return pl.pallas_call(
        body,
        grid=(grid,),
        in_specs=[
            edge_spec(D), clamped(1), clamped(3), clamped(3), clamped(3),
            full((1, D)), full((1, D)), full((1, D)),
            full((D, D)), full((1, D)),
            full((D, 3 * D)), full((1, 3 * D)),
            full((3 * D, 8)), full((1, 8)),
        ],
        out_specs=edge_spec(8),
        out_shape=jax.ShapeDtypeStruct((e_pad, 8), jnp.float32),
    )(G, d2p, u1p, u2p, u3p, w1c.reshape(1, D), g.reshape(1, D),
      beta.reshape(1, D), W2, b2.reshape(1, D),
      WaCat, baCat, WbBd, bbRow)


def _sc_scatter(msg, ei2d, init, nacc):
    ng = ei2d.shape[0] // NW
    ew = ng * GRP
    mesh = plsc.VectorSubcoreMesh(core_axis_name="c", subcore_axis_name="s")

    @functools.partial(
        pl.kernel,
        out_type=jax.ShapeDtypeStruct((NC, nacc, 8), jnp.float32),
        mesh=mesh,
        compiler_params=pltpu.CompilerParams(use_tc_tiling_on_sc=False),
        scratch_types=[
            pltpu.VMEM((ew, 8), jnp.float32),
            pltpu.VMEM((ng, GRP), jnp.int32),
            pltpu.VMEM_SHARED((nacc, 8), jnp.float32),
        ],
    )
    def k(msg_hbm, ei_hbm, init_hbm, out_hbm, msg_v, idx_v, acc_sh):
        cid = lax.axis_index("c")
        sid = lax.axis_index("s")
        wid = cid * NS + sid
        rbase = wid * ng

        @pl.when(sid == 0)
        def _():
            pltpu.sync_copy(init_hbm.at[cid], acc_sh)

        pltpu.sync_copy(msg_hbm.at[pl.ds(rbase * GRP, ew)], msg_v)
        pltpu.sync_copy(ei_hbm.at[pl.ds(rbase, ng)], idx_v)
        plsc.subcore_barrier()

        def grp(j, carry):
            pltpu.sync_copy(msg_v.at[pl.ds(j * GRP, GRP)],
                            acc_sh.at[idx_v.at[j]], add=True)
            return carry

        lax.fori_loop(0, ng, grp, 0)
        plsc.subcore_barrier()

        @pl.when(sid == 0)
        def _():
            pltpu.sync_copy(acc_sh, out_hbm.at[cid])

    return k(msg, ei2d, init)


def kernel(h, x, e, u1, u2, u3, d2, W1, b1, g, beta, W2, b2,
           Wa1, ba1, Wb1, bb1, Wa2, ba2, Wb2, bb2, Wa3, ba3, Wb3, bb3):
    n = h.shape[0]
    e_num = e.shape[1]
    e_pad = _cdiv(e_num, NW * GRP * 8) * NW * GRP * 8
    pad = e_pad - e_num
    nacc = _cdiv(n + 1, NS) * NS

    ei = e[0].astype(jnp.int32)
    ej = e[1].astype(jnp.int32)
    ei_p = jnp.concatenate([ei, jnp.full((pad,), n, jnp.int32)])
    ej_p = jnp.concatenate([ej, jnp.zeros((pad,), jnp.int32)])
    ei_g = jnp.concatenate([ei, jnp.zeros((pad,), jnp.int32)])
    ei2d_s = ei_p.reshape(e_pad // GRP, GRP)
    ei2d_g = ei_g.reshape(e_pad // GRP, GRP)
    ej2d = ej_p.reshape(e_pad // GRP, GRP)

    blk = 2560
    if e_num % blk or e_pad % blk:
        blk = 0
        for cand in (2048, 1280, 1024, 640, 512, 256, 128):
            if e_num % cand == 0 and e_pad % cand == 0:
                blk = cand
                break
        assert blk, "no common block size for edge MLP"

    W1a = W1[:D]
    W1b = W1[D:2 * D]
    w1c = W1[2 * D]

    P, Q = _tc_precompute(h, W1a, W1b, b1)
    WaCat = jnp.concatenate([Wa1, Wa2, Wa3], axis=1)
    baCat = jnp.concatenate([ba1, ba2, ba3]).reshape(1, 3 * D)
    WbBd = jnp.zeros((3 * D, 8), jnp.float32)
    WbBd = WbBd.at[0:D, 0].set(Wb1[:, 0])
    WbBd = WbBd.at[D:2 * D, 1].set(Wb2[:, 0])
    WbBd = WbBd.at[2 * D:3 * D, 2].set(Wb3[:, 0])
    bbRow = jnp.zeros((1, 8), jnp.float32)
    bbRow = bbRow.at[0, 0].set(bb1[0]).at[0, 1].set(bb2[0]).at[0, 2].set(bb3[0])
    G = _sc_gather(P, Q, ei2d_g, ej2d, e_pad)
    msg = _tc_mlp(G, d2, u1, u2, u3, w1c, g, beta, W2, b2,
                  WaCat, baCat, WbBd, bbRow, blk=blk)
    xpad = jnp.zeros((NC, nacc, 8), jnp.float32)
    xpad = xpad.at[0, :n, :3].set(x)
    partials = _sc_scatter(msg, ei2d_s, xpad, nacc)
    return partials[0, :n, :3] + partials[1, :n, :3]

# --- scband reference (transcript-rebuilt; emitter-appended) ---
"""Pipeline reference for scband-complete-local-frame-equivariant-update-layer-36893769072777 (READ-ONLY COPY).

The authoritative reference and input builder live on the scoring server;
editing this copy changes nothing except your own understanding.
"""

import jax, jax.numpy as jnp
import numpy as np

N, E, D = 10000, 320000, 128

def silu(x):
    return x * jax.nn.sigmoid(x)

def layer_norm(x, g, b, eps=1e-5):
    m = jnp.mean(x, axis=-1, keepdims=True)
    v = jnp.var(x, axis=-1, keepdims=True)
    return (x - m) / jnp.sqrt(v + eps) * g + b

def setup_inputs(seed: int = 0) -> dict:
    key = jax.random.key(seed)
    ks = jax.random.split(key, 24)
    h = jax.random.normal(ks[0], (N, D), dtype=jnp.float32)
    x = jax.random.normal(ks[1], (N, 3), dtype=jnp.float32)
    e = jax.random.randint(ks[2], (2, E), 0, N)
    u1 = jax.random.normal(ks[3], (E, 3), dtype=jnp.float32)
    u2 = jax.random.normal(ks[4], (E, 3), dtype=jnp.float32)
    u3 = jax.random.normal(ks[5], (E, 3), dtype=jnp.float32)
    d2 = jax.random.uniform(ks[6], (E, 1), dtype=jnp.float32)
    s = 0.05
    W1 = jax.random.normal(ks[7], (2 * D + 1, D), dtype=jnp.float32) * s
    b1 = jnp.zeros((D,), dtype=jnp.float32)
    g = jnp.ones((D,), dtype=jnp.float32)
    beta = jnp.zeros((D,), dtype=jnp.float32)
    W2 = jax.random.normal(ks[8], (D, D), dtype=jnp.float32) * s
    b2 = jnp.zeros((D,), dtype=jnp.float32)
    Wa1 = jax.random.normal(ks[9], (D, D), dtype=jnp.float32) * s
    ba1 = jnp.zeros((D,), dtype=jnp.float32)
    Wb1 = jax.random.normal(ks[10], (D, 1), dtype=jnp.float32) * s
    bb1 = jnp.zeros((1,), dtype=jnp.float32)
    Wa2 = jax.random.normal(ks[11], (D, D), dtype=jnp.float32) * s
    ba2 = jnp.zeros((D,), dtype=jnp.float32)
    Wb2 = jax.random.normal(ks[12], (D, 1), dtype=jnp.float32) * s
    bb2 = jnp.zeros((1,), dtype=jnp.float32)
    Wa3 = jax.random.normal(ks[13], (D, D), dtype=jnp.float32) * s
    ba3 = jnp.zeros((D,), dtype=jnp.float32)
    Wb3 = jax.random.normal(ks[14], (D, 1), dtype=jnp.float32) * s
    bb3 = jnp.zeros((1,), dtype=jnp.float32)
    return {"h": h, "x": x, "e": e, "u1": u1, "u2": u2, "u3": u3, "d2": d2,
            "W1": W1, "b1": b1, "g": g, "beta": beta, "W2": W2, "b2": b2,
            "Wa1": Wa1, "ba1": ba1, "Wb1": Wb1, "bb1": bb1,
            "Wa2": Wa2, "ba2": ba2, "Wb2": Wb2, "bb2": bb2,
            "Wa3": Wa3, "ba3": ba3, "Wb3": Wb3, "bb3": bb3}

def reference(h, x, e, u1, u2, u3, d2, W1, b1, g, beta, W2, b2,
              Wa1, ba1, Wb1, bb1, Wa2, ba2, Wb2, bb2, Wa3, ba3, Wb3, bb3):
    ei = e[0]
    ej = e[1]
    hi = jnp.take(h, ei, axis=0)
    hj = jnp.take(h, ej, axis=0)
    m = jnp.concatenate((hi, hj, d2), axis=-1)
    m = silu(m @ W1 + b1)
    m = layer_norm(m, g, beta)
    m = silu(m @ W2 + b2)
    s1 = silu(m @ Wa1 + ba1) @ Wb1 + bb1
    s2 = silu(m @ Wa2 + ba2) @ Wb2 + bb2
    s3 = silu(m @ Wa3 + ba3) @ Wb3 + bb3
    msg = u1 * s1 + u2 * s2 + u3 * s3
    agg = jnp.zeros_like(x).at[ei].add(msg)
    return x + agg

if __name__ == "__main__":
    import jax
    _d = setup_inputs()
    print(jax.jit(kernel)(*tuple(_d.values())))

</pallas_src>

<mosaic_0001>
#map = affine_map<(d0, d1) -> (0, 0)>
module attributes {stable_mosaic.version = 14 : i64} {
  func.func @k(%arg0: i32, %arg1: i32, %arg2: memref<10000x128xf32, #tpu.memory_space<hbm>>, %arg3: memref<10000x128xf32, #tpu.memory_space<hbm>>, %arg4: memref<2560x128xi32, #tpu.memory_space<hbm>>, %arg5: memref<2560x128xi32, #tpu.memory_space<hbm>>, %arg6: memref<327680x128xf32, #tpu.memory_space<hbm>>, %arg7: memref<80x128xi32, #tpu.memory_space<vmem>>, %arg8: memref<80x128xi32, #tpu.memory_space<vmem>>, %arg9: memref<128x128xf32, #tpu.memory_space<vmem>>, %arg10: memref<128x128xf32, #tpu.memory_space<vmem>>, %arg11: memref<128x128xf32, #tpu.memory_space<vmem>>, %arg12: memref<128x128xf32, #tpu.memory_space<vmem>>, %arg13: memref<128x128xf32, #tpu.memory_space<vmem>>, %arg14: memref<128x128xf32, #tpu.memory_space<vmem>>, %arg15: memref<!tpu.dma_semaphore, #tpu.memory_space<semaphore_mem>>, %arg16: memref<!tpu.dma_semaphore, #tpu.memory_space<semaphore_mem>>, %arg17: memref<!tpu.dma_semaphore, #tpu.memory_space<semaphore_mem>>, %arg18: memref<!tpu.dma_semaphore, #tpu.memory_space<semaphore_mem>>, %arg19: memref<!tpu.dma_semaphore, #tpu.memory_space<semaphore_mem>>, %arg20: memref<!tpu.dma_semaphore, #tpu.memory_space<semaphore_mem>>) attributes {dimension_semantics = [#tpu.dimension_semantics<core_parallel>, #tpu.dimension_semantics<subcore_parallel>], iteration_bounds = array<i64: 2, 16>, scalar_prefetch = 0 : i64, scratch_operands = 14 : i64, tpu.core_type = #tpu.core_type<sc_vector_subcore>, window_params = [{transform_indices = #map}, {transform_indices = #map}, {transform_indices = #map}, {transform_indices = #map}, {transform_indices = #map}]} {
    %mul3A = arith.constant 16 : i32
    %mul3A_0 = arith.muli %arg0, %mul3A : i32
    %add3A = arith.addi %mul3A_0, %arg1 : i32
    %mul3A_1 = arith.constant 80 : i32
    %mul3A_2 = arith.muli %add3A, %mul3A_1 : i32
    "tpu.region"() ({
      %run_scoped3A = tpu.sem_alloc : memref<!tpu.dma_semaphore, #tpu.memory_space<semaphore_mem>>
      %dma_start3A_48 = arith.constant 0 : i32
      %dma_start3A_49 = tpu.memref_slice %arg4[%mul3A_2, %dma_start3A_48] : memref<2560x128xi32, #tpu.memory_space<hbm>> -> memref<80x128xi32, #tpu.memory_space<hbm>>
      %dma_start3A_50 = arith.constant 0 : i32
      %dma_start3A_51 = tpu.memref_slice %arg4[%mul3A_2, %dma_start3A_50] : memref<2560x128xi32, #tpu.memory_space<hbm>> -> memref<80x128xi32, #tpu.memory_space<hbm>>
      tpu.enqueue_dma source(%dma_start3A_51 : memref<80x128xi32, #tpu.memory_space<hbm>>) target(%arg7 : memref<80x128xi32, #tpu.memory_space<vmem>>) target_semaphore(%run_scoped3A : memref<!tpu.dma_semaphore, #tpu.memory_space<semaphore_mem>>)
      %dma_wait3A_52 = arith.constant 0 : i32
      %dma_wait3A_53 = tpu.memref_slice %arg4[%mul3A_2, %dma_wait3A_52] : memref<2560x128xi32, #tpu.memory_space<hbm>> -> memref<80x128xi32, #tpu.memory_space<hbm>>
      %dma_wait3A_54 = arith.constant 0 : i32
      %dma_wait3A_55 = tpu.memref_slice %arg4[%mul3A_2, %dma_wait3A_54] : memref<2560x128xi32, #tpu.memory_space<hbm>> -> memref<80x128xi32, #tpu.memory_space<hbm>>
      tpu.wait_dma2 semaphore(%run_scoped3A : memref<!tpu.dma_semaphore, #tpu.memory_space<semaphore_mem>>) src(%dma_wait3A_55 : memref<80x128xi32, #tpu.memory_space<hbm>>) dst(%arg7 : memref<80x128xi32, #tpu.memory_space<vmem>>)
      tpu.yield
    }) : () -> ()
    "tpu.region"() ({
      %run_scoped3A = tpu.sem_alloc : memref<!tpu.dma_semaphore, #tpu.memory_space<semaphore_mem>>
      %dma_start3A_48 = arith.constant 0 : i32
      %dma_start3A_49 = tpu.memref_slice %arg5[%mul3A_2, %dma_start3A_48] : memref<2560x128xi32, #tpu.memory_space<hbm>> -> memref<80x128xi32, #tpu.memory_space<hbm>>
      %dma_start3A_50 = arith.constant 0 : i32
      %dma_start3A_51 = tpu.memref_slice %arg5[%mul3A_2, %dma_start3A_50] : memref<2560x128xi32, #tpu.memory_space<hbm>> -> memref<80x128xi32, #tpu.memory_space<hbm>>
      tpu.enqueue_dma source(%dma_start3A_51 : memref<80x128xi32, #tpu.memory_space<hbm>>) target(%arg8 : memref<80x128xi32, #tpu.memory_space<vmem>>) target_semaphore(%run_scoped3A : memref<!tpu.dma_semaphore, #tpu.memory_space<semaphore_mem>>)
      %dma_wait3A_52 = arith.constant 0 : i32
      %dma_wait3A_53 = tpu.memref_slice %arg5[%mul3A_2, %dma_wait3A_52] : memref<2560x128xi32, #tpu.memory_space<hbm>> -> memref<80x128xi32, #tpu.memory_space<hbm>>
      %dma_wait3A_54 = arith.constant 0 : i32
      %dma_wait3A_55 = tpu.memref_slice %arg5[%mul3A_2, %dma_wait3A_54] : memref<2560x128xi32, #tpu.memory_space<hbm>> -> memref<80x128xi32, #tpu.memory_space<hbm>>
      tpu.wait_dma2 semaphore(%run_scoped3A : memref<!tpu.dma_semaphore, #tpu.memory_space<semaphore_mem>>) src(%dma_wait3A_55 : memref<80x128xi32, #tpu.memory_space<hbm>>) dst(%arg8 : memref<80x128xi32, #tpu.memory_space<vmem>>)
      tpu.yield
    }) : () -> ()
    %mul3A_3 = arith.constant 128 : i32
    %mul3A_4 = arith.muli %mul3A_2, %mul3A_3 : i32
    %dma_start3A = arith.constant 0 : i32
    %dma_start3A_5 = arith.constant 0 : i32
    %dma_start3A_6 = tpu.memref_slice %arg7[%dma_start3A, %dma_start3A_5] : memref<80x128xi32, #tpu.memory_space<vmem>> -> memref<1x128xi32, #tpu.memory_space<vmem>>
    %dma_start3A_7 = tpu.memref_squeeze %dma_start3A_6 : memref<1x128xi32, #tpu.memory_space<vmem>> -> memref<128xi32, #tpu.memory_space<vmem>>
    %dma_start3A_8 = arith.constant 0 : i32
    %dma_start3A_9 = arith.constant 0 : i32
    %dma_start3A_10 = tpu.memref_slice %arg2[%dma_start3A_8, %dma_start3A_9] : memref<10000x128xf32, #tpu.memory_space<hbm>> -> memref<10000x128xf32, #tpu.memory_space<hbm>>
    tpu.enqueue_indirect_dma source(%dma_start3A_10 : memref<10000x128xf32, #tpu.memory_space<hbm>>) target(%arg9 : memref<128x128xf32, #tpu.memory_space<vmem>>) offsets(%dma_start3A_7 : memref<128xi32, #tpu.memory_space<vmem>>) semaphore(%arg15 : memref<!tpu.dma_semaphore, #tpu.memory_space<semaphore_mem>>)
    %dma_start3A_11 = arith.constant 0 : i32
    %dma_start3A_12 = arith.constant 0 : i32
    %dma_start3A_13 = tpu.memref_slice %arg8[%dma_start3A_11, %dma_start3A_12] : memref<80x128xi32, #tpu.memory_space<vmem>> -> memref<1x128xi32, #tpu.memory_space<vmem>>
    %dma_start3A_14 = tpu.memref_squeeze %dma_start3A_13 : memref<1x128xi32, #tpu.memory_space<vmem>> -> memref<128xi32, #tpu.memory_space<vmem>>
    %dma_start3A_15 = arith.constant 0 : i32
    %dma_start3A_16 = arith.constant 0 : i32
    %dma_start3A_17 = tpu.memref_slice %arg3[%dma_start3A_15, %dma_start3A_16] : memref<10000x128xf32, #tpu.memory_space<hbm>> -> memref<10000x128xf32, #tpu.memory_space<hbm>>
    tpu.enqueue_indirect_dma source(%dma_start3A_17 : memref<10000x128xf32, #tpu.memory_space<hbm>>) target(%arg11 : memref<128x128xf32, #tpu.memory_space<vmem>>) offsets(%dma_start3A_14 : memref<128xi32, #tpu.memory_space<vmem>>) semaphore(%arg17 : memref<!tpu.dma_semaphore, #tpu.memory_space<semaphore_mem>>)
    %dma_start3A_18 = arith.constant 1 : i32
    %dma_start3A_19 = arith.constant 0 : i32
    %dma_start3A_20 = tpu.memref_slice %arg7[%dma_start3A_18, %dma_start3A_19] : memref<80x128xi32, #tpu.memory_space<vmem>> -> memref<1x128xi32, #tpu.memory_space<vmem>>
    %dma_start3A_21 = tpu.memref_squeeze %dma_start3A_20 : memref<1x128xi32, #tpu.memory_space<vmem>> -> memref<128xi32, #tpu.memory_space<vmem>>
    %dma_start3A_22 = arith.constant 0 : i32
    %dma_start3A_23 = arith.constant 0 : i32
    %dma_start3A_24 = tpu.memref_slice %arg2[%dma_start3A_22, %dma_start3A_23] : memref<10000x128xf32, #tpu.memory_space<hbm>> -> memref<10000x128xf32, #tpu.memory_space<hbm>>
    tpu.enqueue_indirect_dma source(%dma_start3A_24 : memref<10000x128xf32, #tpu.memory_space<hbm>>) target(%arg10 : memref<128x128xf32, #tpu.memory_space<vmem>>) offsets(%dma_start3A_21 : memref<128xi32, #tpu.memory_space<vmem>>) semaphore(%arg16 : memref<!tpu.dma_semaphore, #tpu.memory_space<semaphore_mem>>)
    %dma_start3A_25 = arith.constant 1 : i32
    %dma_start3A_26 = arith.constant 0 : i32
    %dma_start3A_27 = tpu.memref_slice %arg8[%dma_start3A_25, %dma_start3A_26] : memref<80x128xi32, #tpu.memory_space<vmem>> -> memref<1x128xi32, #tpu.memory_space<vmem>>
    %dma_start3A_28 = tpu.memref_squeeze %dma_start3A_27 : memref<1x128xi32, #tpu.memory_space<vmem>> -> memref<128xi32, #tpu.memory_space<vmem>>
    %dma_start3A_29 = arith.constant 0 : i32
    %dma_start3A_30 = arith.constant 0 : i32
    %dma_start3A_31 = tpu.memref_slice %arg3[%dma_start3A_29, %dma_start3A_30] : memref<10000x128xf32, #tpu.memory_space<hbm>> -> memref<10000x128xf32, #tpu.memory_space<hbm>>
    tpu.enqueue_indirect_dma source(%dma_start3A_31 : memref<10000x128xf32, #tpu.memory_space<hbm>>) target(%arg12 : memref<128x128xf32, #tpu.memory_space<vmem>>) offsets(%dma_start3A_28 : memref<128xi32, #tpu.memory_space<vmem>>) semaphore(%arg18 : memref<!tpu.dma_semaphore, #tpu.memory_space<semaphore_mem>>)
    %scan3A = arith.constant 0 : i32
    %scan3A_32 = arith.constant 0 : i32
    %scan3A_33 = arith.constant 40 : i32
    %scan3A_34 = arith.addi %scan3A_32, %scan3A_33 : i32
    %scan3A_35 = arith.constant 1 : i32
    scf.for %scan3A_48 = %scan3A_32 to %scan3A_34 step %scan3A_35  : i32 {
      %mul3A_49 = arith.constant 2 : i32
      %mul3A_50 = arith.muli %scan3A_48, %mul3A_49 : i32
      %add3A_51 = arith.constant 0 : i32
      %add3A_52 = arith.addi %mul3A_50, %add3A_51 : i32
      %dma_wait3A_53 = arith.constant 0 : i32
      %dma_wait3A_54 = tpu.memref_slice %arg7[%add3A_52, %dma_wait3A_53] : memref<80x128xi32, #tpu.memory_space<vmem>> -> memref<1x128xi32, #tpu.memory_space<vmem>>
      %dma_wait3A_55 = tpu.memref_squeeze %dma_wait3A_54 : memref<1x128xi32, #tpu.memory_space<vmem>> -> memref<128xi32, #tpu.memory_space<vmem>>
      %dma_wait3A_56 = arith.constant 0 : i32
      %dma_wait3A_57 = arith.constant 0 : i32
      %dma_wait3A_58 = tpu.memref_slice %arg2[%dma_wait3A_56, %dma_wait3A_57] : memref<10000x128xf32, #tpu.memory_space<hbm>> -> memref<10000x128xf32, #tpu.memory_space<hbm>>
      tpu.wait_indirect_dma semaphore(%arg15 : memref<!tpu.dma_semaphore, #tpu.memory_space<semaphore_mem>>) src(%dma_wait3A_58 : memref<10000x128xf32, #tpu.memory_space<hbm>>) dst(%arg9 : memref<128x128xf32, #tpu.memory_space<vmem>>)
      %dma_wait3A_59 = arith.constant 0 : i32
      %dma_wait3A_60 = tpu.memref_slice %arg8[%add3A_52, %dma_wait3A_59] : memref<80x128xi32, #tpu.memory_space<vmem>> -> memref<1x128xi32, #tpu.memory_space<vmem>>
      %dma_wait3A_61 = tpu.memref_squeeze %dma_wait3A_60 : memref<1x128xi32, #tpu.memory_space<vmem>> -> memref<128xi32, #tpu.memory_space<vmem>>
      %dma_wait3A_62 = arith.constant 0 : i32
      %dma_wait3A_63 = arith.constant 0 : i32
      %dma_wait3A_64 = tpu.memref_slice %arg3[%dma_wait3A_62, %dma_wait3A_63] : memref<10000x128xf32, #tpu.memory_space<hbm>> -> memref<10000x128xf32, #tpu.memory_space<hbm>>
      tpu.wait_indirect_dma semaphore(%arg17 : memref<!tpu.dma_semaphore, #tpu.memory_space<semaphore_mem>>) src(%dma_wait3A_64 : memref<10000x128xf32, #tpu.memory_space<hbm>>) dst(%arg11 : memref<128x128xf32, #tpu.memory_space<vmem>>)
      %gt3A = arith.constant 0 : i32
      %gt3A_65 = arith.cmpi sgt, %scan3A_48, %gt3A : i32
      %convert_element_type3A = arith.extui %gt3A_65 : i1 to i32
      %cond3A = arith.constant 0 : i32
      %cond3A_66 = arith.cmpi ne, %convert_element_type3A, %cond3A : i32
      scf.if %cond3A_66 {
        %dma_wait3A_127 = arith.constant 0 : i32
        %dma_wait3A_128 = arith.constant 0 : i32
        %dma_wait3A_129 = tpu.memref_slice %arg6[%dma_wait3A_127, %dma_wait3A_128] : memref<327680x128xf32, #tpu.memory_space<hbm>> -> memref<128x128xf32, #tpu.memory_space<hbm>>
        %dma_wait3A_130 = arith.constant 0 : i32
        %dma_wait3A_131 = arith.constant 0 : i32
        %dma_wait3A_132 = tpu.memref_slice %arg6[%dma_wait3A_130, %dma_wait3A_131] : memref<327680x128xf32, #tpu.memory_space<hbm>> -> memref<128x128xf32, #tpu.memory_space<hbm>>
        tpu.wait_dma2 semaphore(%arg19 : memref<!tpu.dma_semaphore, #tpu.memory_space<semaphore_mem>>) src(%arg13 : memref<128x128xf32, #tpu.memory_space<vmem>>) dst(%dma_wait3A_132 : memref<128x128xf32, #tpu.memory_space<hbm>>)
      } else {
      }
      %scan3A_67 = arith.constant 0 : i32
      %scan3A_68 = arith.constant 0 : i32
      %scan3A_69 = arith.constant 32 : i32
      %scan3A_70 = arith.addi %scan3A_68, %scan3A_69 : i32
      %scan3A_71 = arith.constant 1 : i32
      scf.for %scan3A_127 = %scan3A_68 to %scan3A_70 step %scan3A_71  : i32 {
        %mul3A_128 = arith.constant 4 : i32
        %mul3A_129 = arith.muli %scan3A_127, %mul3A_128 : i32
        %add3A_130 = arith.constant 0 : i32
        %add3A_131 = arith.addi %mul3A_129, %add3A_130 : i32
        %get3A = arith.index_cast %add3A_131 : i32 to index
        %get3A_132 = arith.constant 0 : index
        %get3A_133 = tpu.vector_load %arg9[%get3A, %get3A_132] {strides = array<i32>} : memref<128x128xf32, #tpu.memory_space<vmem>>, vector<1x16xf32>,
        %get3A_134 = vector.shape_cast %get3A_133 : vector<1x16xf32> to vector<16xf32>
        %get3A_135 = arith.index_cast %add3A_131 : i32 to index
        %get3A_136 = arith.constant 0 : index
        %get3A_137 = tpu.vector_load %arg11[%get3A_135, %get3A_136] {strides = array<i32>} : memref<128x128xf32, #tpu.memory_space<vmem>>, vector<1x16xf32>,
        %get3A_138 = vector.shape_cast %get3A_137 : vector<1x16xf32> to vector<16xf32>
        %add3A_139 = arith.addf %get3A_134, %get3A_138 : vector<16xf32>
        %swap3A = arith.index_cast %add3A_131 : i32 to index
        %swap3A_140 = arith.constant 0 : index
        %swap3A_141 = tpu.vector_load %arg13[%swap3A, %swap3A_140] {strides = array<i32>} : memref<128x128xf32, #tpu.memory_space<vmem>>, vector<1x16xf32>,
        %swap3A_142 = vector.shape_cast %swap3A_141 : vector<1x16xf32> to vector<16xf32>
        %swap3A_143 = vector.shape_cast %add3A_139 : vector<16xf32> to vector<1x16xf32>
        tpu.vector_store %arg13[%swap3A, %swap3A_140], %swap3A_143 {strides = array<i32>} : memref<128x128xf32, #tpu.memory_space<vmem>>, vector<1x16xf32>,
        %get3A_144 = arith.index_cast %add3A_131 : i32 to index
        %get3A_145 = arith.constant 16 : index
        %get3A_146 = tpu.vector_load %arg9[%get3A_144, %get3A_145] {strides = array<i32>} : memref<128x128xf32, #tpu.memory_space<vmem>>, vector<1x16xf32>,
        %get3A_147 = vector.shape_cast %get3A_146 : vector<1x16xf32> to vector<16xf32>
        %get3A_148 = arith.index_cast %add3A_131 : i32 to index
        %get3A_149 = arith.constant 16 : index
        %get3A_150 = tpu.vector_load %arg11[%get3A_148, %get3A_149] {strides = array<i32>} : memref<128x128xf32, #tpu.memory_space<vmem>>, vector<1x16xf32>,
        %get3A_151 = vector.shape_cast %get3A_150 : vector<1x16xf32> to vector<16xf32>
        %add3A_152 = arith.addf %get3A_147, %get3A_151 : vector<16xf32>
        %swap3A_153 = arith.index_cast %add3A_131 : i32 to index
        %swap3A_154 = arith.constant 16 : index
        %swap3A_155 = tpu.vector_load %arg13[%swap3A_153, %swap3A_154] {strides = array<i32>} : memref<128x128xf32, #tpu.memory_space<vmem>>, vector<1x16xf32>,
        %swap3A_156 = vector.shape_cast %swap3A_155 : vector<1x16xf32> to vector<16xf32>
        %swap3A_157 = vector.shape_cast %add3A_152 : vector<16xf32> to vector<1x16xf32>
        tpu.vector_store %arg13[%swap3A_153, %swap3A_154], %swap3A_157 {strides = array<i32>} : memref<128x128xf32, #tpu.memory_space<vmem>>, vector<1x16xf32>,
        %get3A_158 = arith.index_cast %add3A_131 : i32 to index
        %get3A_159 = arith.constant 32 : index
        %get3A_160 = tpu.vector_load %arg9[%get3A_158, %get3A_159] {strides = array<i32>} : memref<128x128xf32, #tpu.memory_space<vmem>>, vector<1x16xf32>,
        %get3A_161 = vector.shape_cast %get3A_160 : vector<1x16xf32> to vector<16xf32>
        %get3A_162 = arith.index_cast %add3A_131 : i32 to index
        %get3A_163 = arith.constant 32 : index
        %get3A_164 = tpu.vector_load %arg11[%get3A_162, %get3A_163] {strides = array<i32>} : memref<128x128xf32, #tpu.memory_space<vmem>>, vector<1x16xf32>,
        %get3A_165 = vector.shape_cast %get3A_164 : vector<1x16xf32> to vector<16xf32>
        %add3A_166 = arith.addf %get3A_161, %get3A_165 : vector<16xf32>
        %swap3A_167 = arith.index_cast %add3A_131 : i32 to index
        %swap3A_168 = arith.constant 32 : index
        %swap3A_169 = tpu.vector_load %arg13[%swap3A_167, %swap3A_168] {strides = array<i32>} : memref<128x128xf32, #tpu.memory_space<vmem>>, vector<1x16xf32>,
        %swap3A_170 = vector.shape_cast %swap3A_169 : vector<1x16xf32> to vector<16xf32>
        %swap3A_171 = vector.shape_cast %add3A_166 : vector<16xf32> to vector<1x16xf32>
        tpu.vector_store %arg13[%swap3A_167, %swap3A_168], %swap3A_171 {strides = array<i32>} : memref<128x128xf32, #tpu.memory_space<vmem>>, vector<1x16xf32>,
        %get3A_172 = arith.index_cast %add3A_131 : i32 to index
        %get3A_173 = arith.constant 48 : index
        %get3A_174 = tpu.vector_load %arg9[%get3A_172, %get3A_173] {strides = array<i32>} : memref<128x128xf32, #tpu.memory_space<vmem>>, vector<1x16xf32>,
        %get3A_175 = vector.shape_cast %get3A_174 : vector<1x16xf32> to vector<16xf32>
        %get3A_176 = arith.index_cast %add3A_131 : i32 to index
        %get3A_177 = arith.constant 48 : index
        %get3A_178 = tpu.vector_load %arg11[%get3A_176, %get3A_177] {strides = array<i32>} : memref<128x128xf32, #tpu.memory_space<vmem>>, vector<1x16xf32>,
        %get3A_179 = vector.shape_cast %get3A_178 : vector<1x16xf32> to vector<16xf32>
        %add3A_180 = arith.addf %get3A_175, %get3A_179 : vector<16xf32>
        %swap3A_181 = arith.index_cast %add3A_131 : i32 to index
        %swap3A_182 = arith.constant 48 : index
        %swap3A_183 = tpu.vector_load %arg13[%swap3A_181, %swap3A_182] {strides = array<i32>} : memref<128x128xf32, #tpu.memory_space<vmem>>, vector<1x16xf32>,
        %swap3A_184 = vector.shape_cast %swap3A_183 : vector<1x16xf32> to vector<16xf32>
        %swap3A_185 = vector.shape_cast %add3A_180 : vector<16xf32> to vector<1x16xf32>
        tpu.vector_store %arg13[%swap3A_181, %swap3A_182], %swap3A_185 {strides = array<i32>} : memref<128x128xf32, #tpu.memory_space<vmem>>, vector<1x16xf32>,
        %get3A_186 = arith.index_cast %add3A_131 : i32 to index
        %get3A_187 = arith.constant 64 : index
        %get3A_188 = tpu.vector_load %arg9[%get3A_186, %get3A_187] {strides = array<i32>} : memref<128x128xf32, #tpu.memory_space<vmem>>, vector<1x16xf32>,
        %get3A_189 = vector.shape_cast %get3A_188 : vector<1x16xf32> to vector<16xf32>
        %get3A_190 = arith.index_cast %add3A_131 : i32 to index
        %get3A_191 = arith.constant 64 : index
        %get3A_192 = tpu.vector_load %arg11[%get3A_190, %get3A_191] {strides = array<i32>} : memref<128x128xf32, #tpu.memory_space<vmem>>, vector<1x16xf32>,
        %get3A_193 = vector.shape_cast %get3A_192 : vector<1x16xf32> to vector<16xf32>
        %add3A_194 = arith.addf %get3A_189, %get3A_193 : vector<16xf32>
        %swap3A_195 = arith.index_cast %add3A_131 : i32 to index
        %swap3A_196 = arith.constant 64 : index
        %swap3A_197 = tpu.vector_load %arg13[%swap3A_195, %swap3A_196] {strides = array<i32>} : memref<128x128xf32, #tpu.memory_space<vmem>>, vector<1x16xf32>,
        %swap3A_198 = vector.shape_cast %swap3A_197 : vector<1x16xf32> to vector<16xf32>
        %swap3A_199 = vector.shape_cast %add3A_194 : vector<16xf32> to vector<1x16xf32>
        tpu.vector_store %arg13[%swap3A_195, %swap3A_196], %swap3A_199 {strides = array<i32>} : memref<128x128xf32, #tpu.memory_space<vmem>>, vector<1x16xf32>,
        %get3A_200 = arith.index_cast %add3A_131 : i32 to index
        %get3A_201 = arith.constant 80 : index
        %get3A_202 = tpu.vector_load %arg9[%get3A_200, %get3A_201] {strides = array<i32>} : memref<128x128xf32, #tpu.memory_space<vmem>>, vector<1x16xf32>,
        %get3A_203 = vector.shape_cast %get3A_202 : vector<1x16xf32> to vector<16xf32>
        %get3A_204 = arith.index_cast %add3A_131 : i32 to index
        %get3A_205 = arith.constant 80 : index
        %get3A_206 = tpu.vector_load %arg11[%get3A_204, %get3A_205] {strides = array<i32>} : memref<128x128xf32, #tpu.memory_space<vmem>>, vector<1x16xf32>,
        %get3A_207 = vector.shape_cast %get3A_206 : vector<1x16xf32> to vector<16xf32>
        %add3A_208 = arith.addf %get3A_203, %get3A_207 : vector<16xf32>
        %swap3A_209 = arith.index_cast %add3A_131 : i32 to index
        %swap3A_210 = arith.constant 80 : index
        %swap3A_211 = tpu.vector_load %arg13[%swap3A_209, %swap3A_210] {strides = array<i32>} : memref<128x128xf32, #tpu.memory_space<vmem>>, vector<1x16xf32>,
        %swap3A_212 = vector.shape_cast %swap3A_211 : vector<1x16xf32> to vector<16xf32>
        %swap3A_213 = vector.shape_cast %add3A_208 : vector<16xf32> to vector<1x16xf32>
        tpu.vector_store %arg13[%swap3A_209, %swap3A_210], %swap3A_213 {strides = array<i32>} : memref<128x128xf32, #tpu.memory_space<vmem>>, vector<1x16xf32>,
        %get3A_214 = arith.index_cast %add3A_131 : i32 to index
        %get3A_215 = arith.constant 96 : index
        %get3A_216 = tpu.vector_load %arg9[%get3A_214, %get3A_215] {strides = array<i32>} : memref<128x128xf32, #tpu.memory_space<vmem>>, vector<1x16xf32>,
        %get3A_217 = vector.shape_cast %get3A_216 : vector<1x16xf32> to vector<16xf32>
        %get3A_218 = arith.index_cast %add3A_131 : i32 to index
        %get3A_219 = arith.constant 96 : index
        %get3A_220 = tpu.vector_load %arg11[%get3A_218, %get3A_219] {strides = array<i32>} : memref<128x128xf32, #tpu.memory_space<vmem>>, vector<1x16xf32>,
        %get3A_221 = vector.shape_cast %get3A_220 : vector<1x16xf32> to vector<16xf32>
        %add3A_222 = arith.addf %get3A_217, %get3A_221 : vector<16xf32>
        %swap3A_223 = arith.index_cast %add3A_131 : i32 to index
        %swap3A_224 = arith.constant 96 : index
        %swap3A_225 = tpu.vector_load %arg13[%swap3A_223, %swap3A_224] {strides = array<i32>} : memref<128x128xf32, #tpu.memory_space<vmem>>, vector<1x16xf32>,
        %swap3A_226 = vector.shape_cast %swap3A_225 : vector<1x16xf32> to vector<16xf32>
        %swap3A_227 = vector.shape_cast %add3A_222 : vector<16xf32> to vector<1x16xf32>
        tpu.vector_store %arg13[%swap3A_223, %swap3A_224], %swap3A_227 {strides = array<i32>} : memref<128x128xf32, #tpu.memory_space<vmem>>, vector<1x16xf32>,
        %get3A_228 = arith.index_cast %add3A_131 : i32 to index
        %get3A_229 = arith.constant 112 : index
        %get3A_230 = tpu.vector_load %arg9[%get3A_228, %get3A_229] {strides = array<i32>} : memref<128x128xf32, #tpu.memory_space<vmem>>, vector<1x16xf32>,
        %get3A_231 = vector.shape_cast %get3A_230 : vector<1x16xf32> to vector<16xf32>
        %get3A_232 = arith.index_cast %add3A_131 : i32 to index
        %get3A_233 = arith.constant 112 : index
        %get3A_234 = tpu.vector_load %arg11[%get3A_232, %get3A_233] {strides = array<i32>} : memref<128x128xf32, #tpu.memory_space<vmem>>, vector<1x16xf32>,
        %get3A_235 = vector.shape_cast %get3A_234 : vector<1x16xf32> to vector<16xf32>
        %add3A_236 = arith.addf %get3A_231, %get3A_235 : vector<16xf32>
        %swap3A_237 = arith.index_cast %add3A_131 : i32 to index
        %swap3A_238 = arith.constant 112 : index
        %swap3A_239 = tpu.vector_load %arg13[%swap3A_237, %swap3A_238] {strides = array<i32>} : memref<128x128xf32, #tpu.memory_space<vmem>>, vector<1x16xf32>,
        %swap3A_240 = vector.shape_cast %swap3A_239 : vector<1x16xf32> to vector<16xf32>
        %swap3A_241 = vector.shape_cast %add3A_236 : vector<16xf32> to vector<1x16xf32>
        tpu.vector_store %arg13[%swap3A_237, %swap3A_238], %swap3A_241 {strides = array<i32>} : memref<128x128xf32, #tpu.memory_space<vmem>>, vector<1x16xf32>,
        %mul3A_242 = arith.constant 4 : i32
        %mul3A_243 = arith.muli %scan3A_127, %mul3A_242 : i32
        %add3A_244 = arith.constant 1 : i32
        %add3A_245 = arith.addi %mul3A_243, %add3A_244 : i32
        %get3A_246 = arith.index_cast %add3A_245 : i32 to index
        %get3A_247 = arith.constant 0 : index
        %get3A_248 = tpu.vector_load %arg9[%get3A_246, %get3A_247] {strides = array<i32>} : memref<128x128xf32, #tpu.memory_space<vmem>>, vector<1x16xf32>,
        %get3A_249 = vector.shape_cast %get3A_248 : vector<1x16xf32> to vector<16xf32>
        %get3A_250 = arith.index_cast %add3A_245 : i32 to index
        %get3A_251 = arith.constant 0 : index
        %get3A_252 = tpu.vector_load %arg11[%get3A_250, %get3A_251] {strides = array<i32>} : memref<128x128xf32, #tpu.memory_space<vmem>>, vector<1x16xf32>,
        %get3A_253 = vector.shape_cast %get3A_252 : vector<1x16xf32> to vector<16xf32>
        %add3A_254 = arith.addf %get3A_249, %get3A_253 : vector<16xf32>
        %swap3A_255 = arith.index_cast %add3A_245 : i32 to index
        %swap3A_256 = arith.constant 0 : index
        %swap3A_257 = tpu.vector_load %arg13[%swap3A_255, %swap3A_256] {strides = array<i32>} : memref<128x128xf32, #tpu.memory_space<vmem>>, vector<1x16xf32>,
        %swap3A_258 = vector.shape_cast %swap3A_257 : vector<1x16xf32> to vector<16xf32>
        %swap3A_259 = vector.shape_cast %add3A_254 : vector<16xf32> to vector<1x16xf32>
        tpu.vector_store %arg13[%swap3A_255, %swap3A_256], %swap3A_259 {strides = array<i32>} : memref<128x128xf32, #tpu.memory_space<vmem>>, vector<1x16xf32>,
        %get3A_260 = arith.index_cast %add3A_245 : i32 to index
        %get3A_261 = arith.constant 16 : index
        %get3A_262 = tpu.vector_load %arg9[%get3A_260, %get3A_261] {strides = array<i32>} : memref<128x128xf32, #tpu.memory_space<vmem>>, vector<1x16xf32>,
        %get3A_263 = vector.shape_cast %get3A_262 : vector<1x16xf32> to vector<16xf32>
        %get3A_264 = arith.index_cast %add3A_245 : i32 to index
        %get3A_265 = arith.constant 16 : index
        %get3A_266 = tpu.vector_load %arg11[%get3A_264, %get3A_265] {strides = array<i32>} : memref<128x128xf32, #tpu.memory_space<vmem>>, vector<1x16xf32>,
        %get3A_267 = vector.shape_cast %get3A_266 : vector<1x16xf32> to vector<16xf32>
        %add3A_268 = arith.addf %get3A_263, %get3A_267 : vector<16xf32>
        %swap3A_269 = arith.index_cast %add3A_245 : i32 to index
        %swap3A_270 = arith.constant 16 : index
        %swap3A_271 = tpu.vector_load %arg13[%swap3A_269, %swap3A_270] {strides = array<i32>} : memref<128x128xf32, #tpu.memory_space<vmem>>, vector<1x16xf32>,
        %swap3A_272 = vector.shape_cast %swap3A_271 : vector<1x16xf32> to vector<16xf32>
        %swap3A_273 = vector.shape_cast %add3A_268 : vector<16xf32> to vector<1x16xf32>
        tpu.vector_store %arg13[%swap3A_269, %swap3A_270], %swap3A_273 {strides = array<i32>} : memref<128x128xf32, #tpu.memory_space<vmem>>, vector<1x16xf32>,
        %get3A_274 = arith.index_cast %add3A_245 : i32 to index
        %get3A_275 = arith.constant 32 : index
        %get3A_276 = tpu.vector_load %arg9[%get3A_274, %get3A_275] {strides = array<i32>} : memref<128x128xf32, #tpu.memory_space<vmem>>, vector<1x16xf32>,
        %get3A_277 = vector.shape_cast %get3A_276 : vector<1x16xf32> to vector<16xf32>
        %get3A_278 = arith.index_cast %add3A_245 : i32 to index
        %get3A_279 = arith.constant 32 : index
        %get3A_280 = tpu.vector_load %arg11[%get3A_278, %get3A_279] {strides = array<i32>} : memref<128x128xf32, #tpu.memory_space<vmem>>, vector<1x16xf32>,
        %get3A_281 = vector.shape_cast %get3A_280 : vector<1x16xf32> to vector<16xf32>
        %add3A_282 = arith.addf %get3A_277, %get3A_281 : vector<16xf32>
        %swap3A_283 = arith.index_cast %add3A_245 : i32 to index
        %swap3A_284 = arith.constant 32 : index
        %swap3A_285 = tpu.vector_load %arg13[%swap3A_283, %swap3A_284] {strides = array<i32>} : memref<128x128xf32, #tpu.memory_space<vmem>>, vector<1x16xf32>,
        %swap3A_286 = vector.shape_cast %swap3A_285 : vector<1x16xf32> to vector<16xf32>
        %swap3A_287 = vector.shape_cast %add3A_282 : vector<16xf32> to vector<1x16xf32>
        tpu.vector_store %arg13[%swap3A_283, %swap3A_284], %swap3A_287 {strides = array<i32>} : memref<128x128xf32, #tpu.memory_space<vmem>>, vector<1x16xf32>,
        %get3A_288 = arith.index_cast %add3A_245 : i32 to index
        %get3A_289 = arith.constant 48 : index
        %get3A_290 = tpu.vector_load %arg9[%get3A_288, %get3A_289] {strides = array<i32>} : memref<128x128xf32, #tpu.memory_space<vmem>>, vector<1x16xf32>,
        %get3A_291 = vector.shape_cast %get3A_290 : vector<1x16xf32> to vector<16xf32>
        %get3A_292 = arith.index_cast %add3A_245 : i32 to index
        %get3A_293 = arith.constant 48 : index
        %get3A_294 = tpu.vector_load %arg11[%get3A_292, %get3A_293] {strides = array<i32>} : memref<128x128xf32, #tpu.memory_space<vmem>>, vector<1x16xf32>,
        %get3A_295 = vector.shape_cast %get3A_294 : vector<1x16xf32> to vector<16xf32>
        %add3A_296 = arith.addf %get3A_291, %get3A_295 : vector<16xf32>
        %swap3A_297 = arith.index_cast %add3A_245 : i32 to index
        %swap3A_298 = arith.constant 48 : index
        %swap3A_299 = tpu.vector_load %arg13[%swap3A_297, %swap3A_298] {strides = array<i32>} : memref<128x128xf32, #tpu.memory_space<vmem>>, vector<1x16xf32>,
        %swap3A_300 = vector.shape_cast %swap3A_299 : vector<1x16xf32> to vector<16xf32>
        %swap3A_301 = vector.shape_cast %add3A_296 : vector<16xf32> to vector<1x16xf32>
        tpu.vector_store %arg13[%swap3A_297, %swap3A_298], %swap3A_301 {strides = array<i32>} : memref<128x128xf32, #tpu.memory_space<vmem>>, vector<1x16xf32>,
        %get3A_302 = arith.index_cast %add3A_245 : i32 to index
        %get3A_303 = arith.constant 64 : index
        %get3A_304 = tpu.vector_load %arg9[%get3A_302, %get3A_303] {strides = array<i32>} : memref<128x128xf32, #tpu.memory_space<vmem>>, vector<1x16xf32>,
        %get3A_305 = vector.shape_cast %get3A_304 : vector<1x16xf32> to vector<16xf32>
        %get3A_306 = arith.index_cast %add3A_245 : i32 to index
        %get3A_307 = arith.constant 64 : index
        %get3A_308 = tpu.vector_load %arg11[%get3A_306, %get3A_307] {strides = array<i32>} : memref<128x128xf32, #tpu.memory_space<vmem>>, vector<1x16xf32>,
        %get3A_309 = vector.shape_cast %get3A_308 : vector<1x16xf32> to vector<16xf32>
        %add3A_310 = arith.addf %get3A_305, %get3A_309 : vector<16xf32>
        %swap3A_311 = arith.index_cast %add3A_245 : i32 to index
        %swap3A_312 = arith.constant 64 : index
        %swap3A_313 = tpu.vector_load %arg13[%swap3A_311, %swap3A_312] {strides = array<i32>} : memref<128x128xf32, #tpu.memory_space<vmem>>, vector<1x16xf32>,
        %swap3A_314 = vector.shape_cast %swap3A_313 : vector<1x16xf32> to vector<16xf32>
        %swap3A_315 = vector.shape_cast %add3A_310 : vector<16xf32> to vector<1x16xf32>
        tpu.vector_store %arg13[%swap3A_311, %swap3A_312], %swap3A_315 {strides = array<i32>} : memref<128x128xf32, #tpu.memory_space<vmem>>, vector<1x16xf32>,
        %get3A_316 = arith.index_cast %add3A_245 : i32 to index
        %get3A_317 = arith.constant 80 : index
        %get3A_318 = tpu.vector_load %arg9[%get3A_316, %get3A_317] {strides = array<i32>} : memref<128x128xf32, #tpu.memory_space<vmem>>, vector<1x16xf32>,
        %get3A_319 = vector.shape_cast %get3A_318 : vector<1x16xf32> to vector<16xf32>
        %get3A_320 = arith.index_cast %add3A_245 : i32 to index
        %get3A_321 = arith.constant 80 : index
        %get3A_322 = tpu.vector_load %arg11[%get3A_320, %get3A_321] {strides = array<i32>} : memref<128x128xf32, #tpu.memory_space<vmem>>, vector<1x16xf32>,
        %get3A_323 = vector.shape_cast %get3A_322 : vector<1x16xf32> to vector<16xf32>
        %add3A_324 = arith.addf %get3A_319, %get3A_323 : vector<16xf32>
        %swap3A_325 = arith.index_cast %add3A_245 : i32 to index
        %swap3A_326 = arith.constant 80 : index
        %swap3A_327 = tpu.vector_load %arg13[%swap3A_325, %swap3A_326] {strides = array<i32>} : memref<128x128xf32, #tpu.memory_space<vmem>>, vector<1x16xf32>,
        %swap3A_328 = vector.shape_cast %swap3A_327 : vector<1x16xf32> to vector<16xf32>
        %swap3A_329 = vector.shape_cast %add3A_324 : vector<16xf32> to vector<1x16xf32>
        tpu.vector_store %arg13[%swap3A_325, %swap3A_326], %swap3A_329 {strides = array<i32>} : memref<128x128xf32, #tpu.memory_space<vmem>>, vector<1x16xf32>,
        %get3A_330 = arith.index_cast %add3A_245 : i32 to index
        %get3A_331 = arith.constant 96 : index
        %get3A_332 = tpu.vector_load %arg9[%get3A_330, %get3A_331] {strides = array<i32>} : memref<128x128xf32, #tpu.memory_space<vmem>>, vector<1x16xf32>,
        %get3A_333 = vector.shape_cast %get3A_332 : vector<1x16xf32> to vector<16xf32>
        %get3A_334 = arith.index_cast %add3A_245 : i32 to index
        %get3A_335 = arith.constant 96 : index
        %get3A_336 = tpu.vector_load %arg11[%get3A_334, %get3A_335] {strides = array<i32>} : memref<128x128xf32, #tpu.memory_space<vmem>>, vector<1x16xf32>,
        %get3A_337 = vector.shape_cast %get3A_336 : vector<1x16xf32> to vector<16xf32>
        %add3A_338 = arith.addf %get3A_333, %get3A_337 : vector<16xf32>
        %swap3A_339 = arith.index_cast %add3A_245 : i32 to index
        %swap3A_340 = arith.constant 96 : index
        %swap3A_341 = tpu.vector_load %arg13[%swap3A_339, %swap3A_340] {strides = array<i32>} : memref<128x128xf32, #tpu.memory_space<vmem>>, vector<1x16xf32>,
        %swap3A_342 = vector.shape_cast %swap3A_341 : vector<1x16xf32> to vector<16xf32>
        %swap3A_343 = vector.shape_cast %add3A_338 : vector<16xf32> to vector<1x16xf32>
        tpu.vector_store %arg13[%swap3A_339, %swap3A_340], %swap3A_343 {strides = array<i32>} : memref<128x128xf32, #tpu.memory_space<vmem>>, vector<1x16xf32>,
        %get3A_344 = arith.index_cast %add3A_245 : i32 to index
        %get3A_345 = arith.constant 112 : index
        %get3A_346 = tpu.vector_load %arg9[%get3A_344, %get3A_345] {strides = array<i32>} : memref<128x128xf32, #tpu.memory_space<vmem>>, vector<1x16xf32>,
        %get3A_347 = vector.shape_cast %get3A_346 : vector<1x16xf32> to vector<16xf32>
        %get3A_348 = arith.index_cast %add3A_245 : i32 to index
        %get3A_349 = arith.constant 112 : index
        %get3A_350 = tpu.vector_load %arg11[%get3A_348, %get3A_349] {strides = array<i32>} : memref<128x128xf32, #tpu.memory_space<vmem>>, vector<1x16xf32>,
        %get3A_351 = vector.shape_cast %get3A_350 : vector<1x16xf32> to vector<16xf32>
        %add3A_352 = arith.addf %get3A_347, %get3A_351 : vector<16xf32>
        %swap3A_353 = arith.index_cast %add3A_245 : i32 to index
        %swap3A_354 = arith.constant 112 : index
        %swap3A_355 = tpu.vector_load %arg13[%swap3A_353, %swap3A_354] {strides = array<i32>} : memref<128x128xf32, #tpu.memory_space<vmem>>, vector<1x16xf32>,
        %swap3A_356 = vector.shape_cast %swap3A_355 : vector<1x16xf32> to vector<16xf32>
        %swap3A_357 = vector.shape_cast %add3A_352 : vector<16xf32> to vector<1x16xf32>
        tpu.vector_store %arg13[%swap3A_353, %swap3A_354], %swap3A_357 {strides = array<i32>} : memref<128x128xf32, #tpu.memory_space<vmem>>, vector<1x16xf32>,
        %mul3A_358 = arith.constant 4 : i32
        %mul3A_359 = arith.muli %scan3A_127, %mul3A_358 : i32
        %add3A_360 = arith.constant 2 : i32
        %add3A_361 = arith.addi %mul3A_359, %add3A_360 : i32
        %get3A_362 = arith.index_cast %add3A_361 : i32 to index
        %get3A_363 = arith.constant 0 : index
        %get3A_364 = tpu.vector_load %arg9[%get3A_362, %get3A_363] {strides = array<i32>} : memref<128x128xf32, #tpu.memory_space<vmem>>, vector<1x16xf32>,
        %get3A_365 = vector.shape_cast %get3A_364 : vector<1x16xf32> to vector<16xf32>
        %get3A_366 = arith.index_cast %add3A_361 : i32 to index
        %get3A_367 = arith.constant 0 : index
        %get3A_368 = tpu.vector_load %arg11[%get3A_366, %get3A_367] {strides = array<i32>} : memref<128x128xf32, #tpu.memory_space<vmem>>, vector<1x16xf32>,
        %get3A_369 = vector.shape_cast %get3A_368 : vector<1x16xf32> to vector<16xf32>
        %add3A_370 = arith.addf %get3A_365, %get3A_369 : vector<16xf32>
        %swap3A_371 = arith.index_cast %add3A_361 : i32 to index
        %swap3A_372 = arith.constant 0 : index
        %swap3A_373 = tpu.vector_load %arg13[%swap3A_371, %swap3A_372] {strides = array<i32>} : memref<128x128xf32, #tpu.memory_space<vmem>>, vector<1x16xf32>,
        %swap3A_374 = vector.shape_cast %swap3A_373 : vector<1x16xf32> to vector<16xf32>
        %swap3A_375 = vector.shape_cast %add3A_370 : vector<16xf32> to vector<1x16xf32>
        tpu.vector_store %arg13[%swap3A_371, %swap3A_372], %swap3A_375 {strides = array<i32>} : memref<128x128xf32, #tpu.memory_space<vmem>>, vector<1x16xf32>,
        %get3A_376 = arith.index_cast %add3A_361 : i32 to index
        %get3A_377 = arith.constant 16 : index
        %get3A_378 = tpu.vector_load %arg9[%get3A_376, %get3A_377] {strides = array<i32>} : memref<128x128xf32, #tpu.memory_space<vmem>>, vector<1x16xf32>,
        %get3A_379 = vector.shape_cast %get3A_378 : vector<1x16xf32> to vector<16xf32>
        %get3A_380 = arith.index_cast %add3A_361 : i32 to index
        %get3A_381 = arith.constant 16 : index
        %get3A_382 = tpu.vector_load %arg11[%get3A_380, %get3A_381] {strides = array<i32>} : memref<128x128xf32, #tpu.memory_space<vmem>>, vector<1x16xf32>,
        %get3A_383 = vector.shape_cast %get3A_382 : vector<1x16xf32> to vector<16xf32>
        %add3A_384 = arith.addf %get3A_379, %get3A_383 : vector<16xf32>
        %swap3A_385 = arith.index_cast %add3A_361 : i32 to index
        %swap3A_386 = arith.constant 16 : index
        %swap3A_387 = tpu.vector_load %arg13[%swap3A_385, %swap3A_386] {strides = array<i32>} : memref<128x128xf32, #tpu.memory_space<vmem>>, vector<1x16xf32>,
        %swap3A_388 = vector.shape_cast %swap3A_387 : vector<1x16xf32> to vector<16xf32>
        %swap3A_389 = vector.shape_cast %add3A_384 : vector<16xf32> to vector<1x16xf32>
        tpu.vector_store %arg13[%swap3A_385, %swap3A_386], %swap3A_389 {strides = array<i32>} : memref<128x128xf32, #tpu.memory_space<vmem>>, vector<1x16xf32>,
        %get3A_390 = arith.index_cast %add3A_361 : i32 to index
        %get3A_391 = arith.constant 32 : index
        %get3A_392 = tpu.vector_load %arg9[%get3A_390, %get3A_391] {strides = array<i32>} : memref<128x128xf32, #tpu.memory_space<vmem>>, vector<1x16xf32>,
        %get3A_393 = vector.shape_cast %get3A_392 : vector<1x16xf32> to vector<16xf32>
        %get3A_394 = arith.index_cast %add3A_361 : i32 to index
        %get3A_395 = arith.constant 32 : index
        %get3A_396 = tpu.vector_load %arg11[%get3A_394, %get3A_395] {strides = array<i32>} : memref<128x128xf32, #tpu.memory_space<vmem>>, vector<1x16xf32>,
        %get3A_397 = vector.shape_cast %get3A_396 : vector<1x16xf32> to vector<16xf32>
        %add3A_398 = arith.addf %get3A_393, %get3A_397 : vector<16xf32>
        %swap3A_399 = arith.index_cast %add3A_361 : i32 to index
        %swap3A_400 = arith.constant 32 : index
        %swap3A_401 = tpu.vector_load %arg13[%swap3A_399, %swap3A_400] {strides = array<i32>} : memref<128x128xf32, #tpu.memory_space<vmem>>, vector<1x16xf32>,
        %swap3A_402 = vector.shape_cast %swap3A_401 : vector<1x16xf32> to vector<16xf32>
        %swap3A_403 = vector.shape_cast %add3A_398 : vector<16xf32> to vector<1x16xf32>
        tpu.vector_store %arg13[%swap3A_399, %swap3A_400], %swap3A_403 {strides = array<i32>} : memref<128x128xf32, #tpu.memory_space<vmem>>, vector<1x16xf32>,
        %get3A_404 = arith.index_cast %add3A_361 : i32 to index
        %get3A_405 = arith.constant 48 : index
        %get3A_406 = tpu.vector_load %arg9[%get3A_404, %get3A_405] {strides = array<i32>} : memref<128x128xf32, #tpu.memory_space<vmem>>, vector<1x16xf32>,
        %get3A_407 = vector.shape_cast %get3A_406 : vector<1x16xf32> to vector<16xf32>
        %get3A_408 = arith.index_cast %add3A_361 : i32 to index
        %get3A_409 = arith.constant 48 : index
        %get3A_410 = tpu.vector_load %arg11[%get3A_408, %get3A_409] {strides = array<i32>} : memref<128x128xf32, #tpu.memory_space<vmem>>, vector<1x16xf32>,
        %get3A_411 = vector.shape_cast %get3A_410 : vector<1x16xf32> to vector<16xf32>
        %add3A_412 = arith.addf %get3A_407, %get3A_411 : vector<16xf32>
        %swap3A_413 = arith.index_cast %add3A_361 : i32 to index
        %swap3A_414 = arith.constant 48 : index
        %swap3A_415 = tpu.vector_load %arg13[%swap3A_413, %swap3A_414] {strides = array<i32>} : memref<128x128xf32, #tpu.memory_space<vmem>>, vector<1x16xf32>,
        %swap3A_416 = vector.shape_cast %swap3A_415 : vector<1x16xf32> to vector<16xf32>
        %swap3A_417 = vector.shape_cast %add3A_412 : vector<16xf32> to vector<1x16xf32>
        tpu.vector_store %arg13[%swap3A_413, %swap3A_414], %swap3A_417 {strides = array<i32>} : memref<128x128xf32, #tpu.memory_space<vmem>>, vector<1x16xf32>,
        %get3A_418 = arith.index_cast %add3A_361 : i32 to index
        %get3A_419 = arith.constant 64 : index
        %get3A_420 = tpu.vector_load %arg9[%get3A_418, %get3A_419] {strides = array<i32>} : memref<128x128xf32, #tpu.memory_space<vmem>>, vector<1x16xf32>,
        %get3A_421 = vector.shape_cast %get3A_420 : vector<1x16xf32> to vector<16xf32>
        %get3A_422 = arith.index_cast %add3A_361 : i32 to index
        %get3A_423 = arith.constant 64 : index
        %get3A_424 = tpu.vector_load %arg11[%get3A_422, %get3A_423] {strides = array<i32>} : memref<128x128xf32, #tpu.memory_space<vmem>>, vector<1x16xf32>,
        %get3A_425 = vector.shape_cast %get3A_424 : vector<1x16xf32> to vector<16xf32>
        %add3A_426 = arith.addf %get3A_421, %get3A_425 : vector<16xf32>
        %swap3A_427 = arith.index_cast %add3A_361 : i32 to index
        %swap3A_428 = arith.constant 64 : index
        %swap3A_429 = tpu.vector_load %arg13[%swap3A_427, %swap3A_428] {strides = array<i32>} : memref<128x128xf32, #tpu.memory_space<vmem>>, vector<1x16xf32>,
        %swap3A_430 = vector.shape_cast %swap3A_429 : vector<1x16xf32> to vector<16xf32>
        %swap3A_431 = vector.shape_cast %add3A_426 : vector<16xf32> to vector<1x16xf32>
        tpu.vector_store %arg13[%swap3A_427, %swap3A_428], %swap3A_431 {strides = array<i32>} : memref<128x128xf32, #tpu.memory_space<vmem>>, vector<1x16xf32>,
        %get3A_432 = arith.index_cast %add3A_361 : i32 to index
        %get3A_433 = arith.constant 80 : index
        %get3A_434 = tpu.vector_load %arg9[%get3A_432, %get3A_433] {strides = array<i32>} : memref<128x128xf32, #tpu.memory_space<vmem>>, vector<1x16xf32>,
        %get3A_435 = vector.shape_cast %get3A_434 : vector<1x16xf32> to vector<16xf32>
        %get3A_436 = arith.index_cast %add3A_361 : i32 to index
        %get3A_437 = arith.constant 80 : index
        %get3A_438 = tpu.vector_load %arg11[%get3A_436, %get3A_437] {strides = array<i32>} : memref<128x128xf32, #tpu.memory_space<vmem>>, vector<1x16xf32>,
        %get3A_439 = vector.shape_cast %get3A_438 : vector<1x16xf32> to vector<16xf32>
        %add3A_440 = arith.addf %get3A_435, %get3A_439 : vector<16xf32>
        %swap3A_441 = arith.index_cast %add3A_361 : i32 to index
        %swap3A_442 = arith.constant 80 : index
        %swap3A_443 = tpu.vector_load %arg13[%swap3A_441, %swap3A_442] {strides = array<i32>} : memref<128x128xf32, #tpu.memory_space<vmem>>, vector<1x16xf32>,
        %swap3A_444 = vector.shape_cast %swap3A_443 : vector<1x16xf32> to vector<16xf32>
        %swap3A_445 = vector.shape_cast %add3A_440 : vector<16xf32> to vector<1x16xf32>
        tpu.vector_store %arg13[%swap3A_441, %swap3A_442], %swap3A_445 {strides = array<i32>} : memref<128x128xf32, #tpu.memory_space<vmem>>, vector<1x16xf32>,
        %get3A_446 = arith.index_cast %add3A_361 : i32 to index
        %get3A_447 = arith.constant 96 : index
        %get3A_448 = tpu.vector_load %arg9[%get3A_446, %get3A_447] {strides = array<i32>} : memref<128x128xf32, #tpu.memory_space<vmem>>, vector<1x16xf32>,
        %get3A_449 = vector.shape_cast %get3A_448 : vector<1x16xf32> to vector<16xf32>
        %get3A_450 = arith.index_cast %add3A_361 : i32 to index
        %get3A_451 = arith.constant 96 : index
        %get3A_452 = tpu.vector_load %arg11[%get3A_450, %get3A_451] {strides = array<i32>} : memref<128x128xf32, #tpu.memory_space<vmem>>, vector<1x16xf32>,
        %get3A_453 = vector.shape_cast %get3A_452 : vector<1x16xf32> to vector<16xf32>
        %add3A_454 = arith.addf %get3A_449, %get3A_453 : vector<16xf32>
        %swap3A_455 = arith.index_cast %add3A_361 : i32 to index
        %swap3A_456 = arith.constant 96 : index
        %swap3A_457 = tpu.vector_load %arg13[%swap3A_455, %swap3A_456] {strides = array<i32>} : memref<128x128xf32, #tpu.memory_space<vmem>>, vector<1x16xf32>,
        %swap3A_458 = vector.shape_cast %swap3A_457 : vector<1x16xf32> to vector<16xf32>
        %swap3A_459 = vector.shape_cast %add3A_454 : vector<16xf32> to vector<1x16xf32>
        tpu.vector_store %arg13[%swap3A_455, %swap3A_456], %swap3A_459 {strides = array<i32>} : memref<128x128xf32, #tpu.memory_space<vmem>>, vector<1x16xf32>,
        %get3A_460 = arith.index_cast %add3A_361 : i32 to index
        %get3A_461 = arith.constant 112 : index
        %get3A_462 = tpu.vector_load %arg9[%get3A_460, %get3A_461] {strides = array<i32>} : memref<128x128xf32, #tpu.memory_space<vmem>>, vector<1x16xf32>,
        %get3A_463 = vector.shape_cast %get3A_462 : vector<1x16xf32> to vector<16xf32>
        %get3A_464 = arith.index_cast %add3A_361 : i32 to index
        %get3A_465 = arith.constant 112 : index
        %get3A_466 = tpu.vector_load %arg11[%get3A_464, %get3A_465] {strides = array<i32>} : memref<128x128xf32, #tpu.memory_space<vmem>>, vector<1x16xf32>,
        %get3A_467 = vector.shape_cast %get3A_466 : vector<1x16xf32> to vector<16xf32>
        %add3A_468 = arith.addf %get3A_463, %get3A_467 : vector<16xf32>
        %swap3A_469 = arith.index_cast %add3A_361 : i32 to index
        %swap3A_470 = arith.constant 112 : index
        %swap3A_471 = tpu.vector_load %arg13[%swap3A_469, %swap3A_470] {strides = array<i32>} : memref<128x128xf32, #tpu.memory_space<vmem>>, vector<1x16xf32>,
        %swap3A_472 = vector.shape_cast %swap3A_471 : vector<1x16xf32> to vector<16xf32>
        %swap3A_473 = vector.shape_cast %add3A_468 : vector<16xf32> to vector<1x16xf32>
        tpu.vector_store %arg13[%swap3A_469, %swap3A_470], %swap3A_473 {strides = array<i32>} : memref<128x128xf32, #tpu.memory_space<vmem>>, vector<1x16xf32>,
        %mul3A_474 = arith.constant 4 : i32
        %mul3A_475 = arith.muli %scan3A_127, %mul3A_474 : i32
        %add3A_476 = arith.constant 3 : i32
        %add3A_477 = arith.addi %mul3A_475, %add3A_476 : i32
        %get3A_478 = arith.index_cast %add3A_477 : i32 to index
        %get3A_479 = arith.constant 0 : index
        %get3A_480 = tpu.vector_load %arg9[%get3A_478, %get3A_479] {strides = array<i32>} : memref<128x128xf32, #tpu.memory_space<vmem>>, vector<1x16xf32>,
        %get3A_481 = vector.shape_cast %get3A_480 : vector<1x16xf32> to vector<16xf32>
        %get3A_482 = arith.index_cast %add3A_477 : i32 to index
        %get3A_483 = arith.constant 0 : index
        %get3A_484 = tpu.vector_load %arg11[%get3A_482, %get3A_483] {strides = array<i32>} : memref<128x128xf32, #tpu.memory_space<vmem>>, vector<1x16xf32>,
        %get3A_485 = vector.shape_cast %get3A_484 : vector<1x16xf32> to vector<16xf32>
        %add3A_486 = arith.addf %get3A_481, %get3A_485 : vector<16xf32>
        %swap3A_487 = arith.index_cast %add3A_477 : i32 to index
        %swap3A_488 = arith.constant 0 : index
        %swap3A_489 = tpu.vector_load %arg13[%swap3A_487, %swap3A_488] {strides = array<i32>} : memref<128x128xf32, #tpu.memory_space<vmem>>, vector<1x16xf32>,
        %swap3A_490 = vector.shape_cast %swap3A_489 : vector<1x16xf32> to vector<16xf32>
        %swap3A_491 = vector.shape_cast %add3A_486 : vector<16xf32> to vector<1x16xf32>
        tpu.vector_store %arg13[%swap3A_487, %swap3A_488], %swap3A_491 {strides = array<i32>} : memref<128x128xf32, #tpu.memory_space<vmem>>, vector<1x16xf32>,
        %get3A_492 = arith.index_cast %add3A_477 : i32 to index
        %get3A_493 = arith.constant 16 : index
        %get3A_494 = tpu.vector_load %arg9[%get3A_492, %get3A_493] {strides = array<i32>} : memref<128x128xf32, #tpu.memory_space<vmem>>, vector<1x16xf32>,
        %get3A_495 = vector.shape_cast %get3A_494 : vector<1x16xf32> to vector<16xf32>
        %get3A_496 = arith.index_cast %add3A_477 : i32 to index
        %get3A_497 = arith.constant 16 : index
        %get3A_498 = tpu.vector_load %arg11[%get3A_496, %get3A_497] {strides = array<i32>} : memref<128x128xf32, #tpu.memory_space<vmem>>, vector<1x16xf32>,
        %get3A_499 = vector.shape_cast %get3A_498 : vector<1x16xf32> to vector<16xf32>
        %add3A_500 = arith.addf %get3A_495, %get3A_499 : vector<16xf32>
        %swap3A_501 = arith.index_cast %add3A_477 : i32 to index
        %swap3A_502 = arith.constant 16 : index
        %swap3A_503 = tpu.vector_load %arg13[%swap3A_501, %swap3A_502] {strides = array<i32>} : memref<128x128xf32, #tpu.memory_space<vmem>>, vector<1x16xf32>,
        %swap3A_504 = vector.shape_cast %swap3A_503 : vector<1x16xf32> to vector<16xf32>
        %swap3A_505 = vector.shape_cast %add3A_500 : vector<16xf32> to vector<1x16xf32>
        tpu.vector_store %arg13[%swap3A_501, %swap3A_502], %swap3A_505 {strides = array<i32>} : memref<128x128xf32, #tpu.memory_space<vmem>>, vector<1x16xf32>,
        %get3A_506 = arith.index_cast %add3A_477 : i32 to index
        %get3A_507 = arith.constant 32 : index
        %get3A_508 = tpu.vector_load %arg9[%get3A_506, %get3A_507] {strides = array<i32>} : memref<128x128xf32, #tpu.memory_space<vmem>>, vector<1x16xf32>,
        %get3A_509 = vector.shape_cast %get3A_508 : vector<1x16xf32> to vector<16xf32>
        %get3A_510 = arith.index_cast %add3A_477 : i32 to index
        %get3A_511 = arith.constant 32 : index
        %get3A_512 = tpu.vector_load %arg11[%get3A_510, %get3A_511] {strides = array<i32>} : memref<128x128xf32, #tpu.memory_space<vmem>>, vector<1x16xf32>,
        %get3A_513 = vector.shape_cast %get3A_512 : vector<1x16xf32> to vector<16xf32>
        %add3A_514 = arith.addf %get3A_509, %get3A_513 : vector<16xf32>
        %swap3A_515 = arith.index_cast %add3A_477 : i32 to index
        %swap3A_516 = arith.constant 32 : index
        %swap3A_517 = tpu.vector_load %arg13[%swap3A_515, %swap3A_516] {strides = array<i32>} : memref<128x128xf32, #tpu.memory_space<vmem>>, vector<1x16xf32>,
        %swap3A_518 = vector.shape_cast %swap3A_517 : vector<1x16xf32> to vector<16xf32>
        %swap3A_519 = vector.shape_cast %add3A_514 : vector<16xf32> to vector<1x16xf32>
        tpu.vector_store %arg13[%swap3A_515, %swap3A_516], %swap3A_519 {strides = array<i32>} : memref<128x128xf32, #tpu.memory_space<vmem>>, vector<1x16xf32>,
        %get3A_520 = arith.index_cast %add3A_477 : i32 to index
        %get3A_521 = arith.constant 48 : index
        %get3A_522 = tpu.vector_load %arg9[%get3A_520, %get3A_521] {strides = array<i32>} : memref<128x128xf32, #tpu.memory_space<vmem>>, vector<1x16xf32>,
        %get3A_523 = vector.shape_cast %get3A_522 : vector<1x16xf32> to vector<16xf32>
        %get3A_524 = arith.index_cast %add3A_477 : i32 to index
        %get3A_525 = arith.constant 48 : index
        %get3A_526 = tpu.vector_load %arg11[%get3A_524, %get3A_525] {strides = array<i32>} : memref<128x128xf32, #tpu.memory_space<vmem>>, vector<1x16xf32>,
        %get3A_527 = vector.shape_cast %get3A_526 : vector<1x16xf32> to vector<16xf32>
        %add3A_528 = arith.addf %get3A_523, %get3A_527 : vector<16xf32>
        %swap3A_529 = arith.index_cast %add3A_477 : i32 to index
        %swap3A_530 = arith.constant 48 : index
        %swap3A_531 = tpu.vector_load %arg13[%swap3A_529, %swap3A_530] {strides = array<i32>} : memref<128x128xf32, #tpu.memory_space<vmem>>, vector<1x16xf32>,
        %swap3A_532 = vector.shape_cast %swap3A_531 : vector<1x16xf32> to vector<16xf32>
        %swap3A_533 = vector.shape_cast %add3A_528 : vector<16xf32> to vector<1x16xf32>
        tpu.vector_store %arg13[%swap3A_529, %swap3A_530], %swap3A_533 {strides = array<i32>} : memref<128x128xf32, #tpu.memory_space<vmem>>, vector<1x16xf32>,
        %get3A_534 = arith.index_cast %add3A_477 : i32 to index
        %get3A_535 = arith.constant 64 : index
        %get3A_536 = tpu.vector_load %arg9[%get3A_534, %get3A_535] {strides = array<i32>} : memref<128x128xf32, #tpu.memory_space<vmem>>, vector<1x16xf32>,
        %get3A_537 = vector.shape_cast %get3A_536 : vector<1x16xf32> to vector<16xf32>
        %get3A_538 = arith.index_cast %add3A_477 : i32 to index
        %get3A_539 = arith.constant 64 : index
        %get3A_540 = tpu.vector_load %arg11[%get3A_538, %get3A_539] {strides = array<i32>} : memref<128x128xf32, #tpu.memory_space<vmem>>, vector<1x16xf32>,
        %get3A_541 = vector.shape_cast %get3A_540 : vector<1x16xf32> to vector<16xf32>
        %add3A_542 = arith.addf %get3A_537, %get3A_541 : vector<16xf32>
        %swap3A_543 = arith.index_cast %add3A_477 : i32 to index
        %swap3A_544 = arith.constant 64 : index
        %swap3A_545 = tpu.vector_load %arg13[%swap3A_543, %swap3A_544] {strides = array<i32>} : memref<128x128xf32, #tpu.memory_space<vmem>>, vector<1x16xf32>,
        %swap3A_546 = vector.shape_cast %swap3A_545 : vector<1x16xf32> to vector<16xf32>
        %swap3A_547 = vector.shape_cast %add3A_542 : vector<16xf32> to vector<1x16xf32>
        tpu.vector_store %arg13[%swap3A_543, %swap3A_544], %swap3A_547 {strides = array<i32>} : memref<128x128xf32, #tpu.memory_space<vmem>>, vector<1x16xf32>,
        %get3A_548 = arith.index_cast %add3A_477 : i32 to index
        %get3A_549 = arith.constant 80 : index
        %get3A_550 = tpu.vector_load %arg9[%get3A_548, %get3A_549] {strides = array<i32>} : memref<128x128xf32, #tpu.memory_space<vmem>>, vector<1x16xf32>,
        %get3A_551 = vector.shape_cast %get3A_550 : vector<1x16xf32> to vector<16xf32>
        %get3A_552 = arith.index_cast %add3A_477 : i32 to index
        %get3A_553 = arith.constant 80 : index
        %get3A_554 = tpu.vector_load %arg11[%get3A_552, %get3A_553] {strides = array<i32>} : memref<128x128xf32, #tpu.memory_space<vmem>>, vector<1x16xf32>,
        %get3A_555 = vector.shape_cast %get3A_554 : vector<1x16xf32> to vector<16xf32>
        %add3A_556 = arith.addf %get3A_551, %get3A_555 : vector<16xf32>
        %swap3A_557 = arith.index_cast %add3A_477 : i32 to index
        %swap3A_558 = arith.constant 80 : index
        %swap3A_559 = tpu.vector_load %arg13[%swap3A_557, %swap3A_558] {strides = array<i32>} : memref<128x128xf32, #tpu.memory_space<vmem>>, vector<1x16xf32>,
        %swap3A_560 = vector.shape_cast %swap3A_559 : vector<1x16xf32> to vector<16xf32>
        %swap3A_561 = vector.shape_cast %add3A_556 : vector<16xf32> to vector<1x16xf32>
        tpu.vector_store %arg13[%swap3A_557, %swap3A_558], %swap3A_561 {strides = array<i32>} : memref<128x128xf32, #tpu.memory_space<vmem>>, vector<1x16xf32>,
        %get3A_562 = arith.index_cast %add3A_477 : i32 to index
        %get3A_563 = arith.constant 96 : index
        %get3A_564 = tpu.vector_load %arg9[%get3A_562, %get3A_563] {strides = array<i32>} : memref<128x128xf32, #tpu.memory_space<vmem>>, vector<1x16xf32>,
        %get3A_565 = vector.shape_cast %get3A_564 : vector<1x16xf32> to vector<16xf32>
        %get3A_566 = arith.index_cast %add3A_477 : i32 to index
        %get3A_567 = arith.constant 96 : index
        %get3A_568 = tpu.vector_load %arg11[%get3A_566, %get3A_567] {strides = array<i32>} : memref<128x128xf32, #tpu.memory_space<vmem>>, vector<1x16xf32>,
        %get3A_569 = vector.shape_cast %get3A_568 : vector<1x16xf32> to vector<16xf32>
        %add3A_570 = arith.addf %get3A_565, %get3A_569 : vector<16xf32>
        %swap3A_571 = arith.index_cast %add3A_477 : i32 to index
        %swap3A_572 = arith.constant 96 : index
        %swap3A_573 = tpu.vector_load %arg13[%swap3A_571, %swap3A_572] {strides = array<i32>} : memref<128x128xf32, #tpu.memory_space<vmem>>, vector<1x16xf32>,
        %swap3A_574 = vector.shape_cast %swap3A_573 : vector<1x16xf32> to vector<16xf32>
        %swap3A_575 = vector.shape_cast %add3A_570 : vector<16xf32> to vector<1x16xf32>
        tpu.vector_store %arg13[%swap3A_571, %swap3A_572], %swap3A_575 {strides = array<i32>} : memref<128x128xf32, #tpu.memory_space<vmem>>, vector<1x16xf32>,
        %get3A_576 = arith.index_cast %add3A_477 : i32 to index
        %get3A_577 = arith.constant 112 : index
        %get3A_578 = tpu.vector_load %arg9[%get3A_576, %get3A_577] {strides = array<i32>} : memref<128x128xf32, #tpu.memory_space<vmem>>, vector<1x16xf32>,
        %get3A_579 = vector.shape_cast %get3A_578 : vector<1x16xf32> to vector<16xf32>
        %get3A_580 = arith.index_cast %add3A_477 : i32 to index
        %get3A_581 = arith.constant 112 : index
        %get3A_582 = tpu.vector_load %arg11[%get3A_580, %get3A_581] {strides = array<i32>} : memref<128x128xf32, #tpu.memory_space<vmem>>, vector<1x16xf32>,
        %get3A_583 = vector.shape_cast %get3A_582 : vector<1x16xf32> to vector<16xf32>
        %add3A_584 = arith.addf %get3A_579, %get3A_583 : vector<16xf32>
        %swap3A_585 = arith.index_cast %add3A_477 : i32 to index
        %swap3A_586 = arith.constant 112 : index
        %swap3A_587 = tpu.vector_load %arg13[%swap3A_585, %swap3A_586] {strides = array<i32>} : memref<128x128xf32, #tpu.memory_space<vmem>>, vector<1x16xf32>,
        %swap3A_588 = vector.shape_cast %swap3A_587 : vector<1x16xf32> to vector<16xf32>
        %swap3A_589 = vector.shape_cast %add3A_584 : vector<16xf32> to vector<1x16xf32>
        tpu.vector_store %arg13[%swap3A_585, %swap3A_586], %swap3A_589 {strides = array<i32>} : memref<128x128xf32, #tpu.memory_space<vmem>>, vector<1x16xf32>,
      }
      %scan3A_72 = arith.constant 32 : i32
      %mul3A_73 = arith.constant 128 : i32
      %mul3A_74 = arith.muli %add3A_52, %mul3A_73 : i32
      %add3A_75 = arith.addi %mul3A_4, %mul3A_74 : i32
      %dma_start3A_76 = arith.constant 0 : i32
      %dma_start3A_77 = tpu.memref_slice %arg6[%add3A_75, %dma_start3A_76] : memref<327680x128xf32, #tpu.memory_space<hbm>> -> memref<128x128xf32, #tpu.memory_space<hbm>>
      %dma_start3A_78 = arith.constant 0 : i32
      %dma_start3A_79 = tpu.memref_slice %arg6[%add3A_75, %dma_start3A_78] : memref<327680x128xf32, #tpu.memory_space<hbm>> -> memref<128x128xf32, #tpu.memory_space<hbm>>
      tpu.enqueue_dma source(%arg13 : memref<128x128xf32, #tpu.memory_space<vmem>>) target(%dma_start3A_79 : memref<128x128xf32, #tpu.memory_space<hbm>>) target_semaphore(%arg19 : memref<!tpu.dma_semaphore, #tpu.memory_space<semaphore_mem>>)
      %add3A_80 = arith.constant 2 : i32
      %add3A_81 = arith.addi %add3A_52, %add3A_80 : i32
      %lt3A = arith.constant 80 : i32
      %lt3A_82 = arith.cmpi slt, %add3A_81, %lt3A : i32
      %convert_element_type3A_83 = arith.extui %lt3A_82 : i1 to i32
      %cond3A_84 = arith.constant 0 : i32
      %cond3A_85 = arith.cmpi ne, %convert_element_type3A_83, %cond3A_84 : i32
      scf.if %cond3A_85 {
        %add3A_127 = arith.constant 2 : i32
        %add3A_128 = arith.addi %add3A_52, %add3A_127 : i32
        %dma_start3A_129 = arith.constant 0 : i32
        %dma_start3A_130 = tpu.memref_slice %arg7[%add3A_128, %dma_start3A_129] : memref<80x128xi32, #tpu.memory_space<vmem>> -> memref<1x128xi32, #tpu.memory_space<vmem>>
        %dma_start3A_131 = tpu.memref_squeeze %dma_start3A_130 : memref<1x128xi32, #tpu.memory_space<vmem>> -> memref<128xi32, #tpu.memory_space<vmem>>
        %dma_start3A_132 = arith.constant 0 : i32
        %dma_start3A_133 = arith.constant 0 : i32
        %dma_start3A_134 = tpu.memref_slice %arg2[%dma_start3A_132, %dma_start3A_133] : memref<10000x128xf32, #tpu.memory_space<hbm>> -> memref<10000x128xf32, #tpu.memory_space<hbm>>
        tpu.enqueue_indirect_dma source(%dma_start3A_134 : memref<10000x128xf32, #tpu.memory_space<hbm>>) target(%arg9 : memref<128x128xf32, #tpu.memory_space<vmem>>) offsets(%dma_start3A_131 : memref<128xi32, #tpu.memory_space<vmem>>) semaphore(%arg15 : memref<!tpu.dma_semaphore, #tpu.memory_space<semaphore_mem>>)
        %add3A_135 = arith.constant 2 : i32
        %add3A_136 = arith.addi %add3A_52, %add3A_135 : i32
        %dma_start3A_137 = arith.constant 0 : i32
        %dma_start3A_138 = tpu.memref_slice %arg8[%add3A_136, %dma_start3A_137] : memref<80x128xi32, #tpu.memory_space<vmem>> -> memref<1x128xi32, #tpu.memory_space<vmem>>
        %dma_start3A_139 = tpu.memref_squeeze %dma_start3A_138 : memref<1x128xi32, #tpu.memory_space<vmem>> -> memref<128xi32, #tpu.memory_space<vmem>>
        %dma_start3A_140 = arith.constant 0 : i32
        %dma_start3A_141 = arith.constant 0 : i32
        %dma_start3A_142 = tpu.memref_slice %arg3[%dma_start3A_140, %dma_start3A_141] : memref<10000x128xf32, #tpu.memory_space<hbm>> -> memref<10000x128xf32, #tpu.memory_space<hbm>>
        tpu.enqueue_indirect_dma source(%dma_start3A_142 : memref<10000x128xf32, #tpu.memory_space<hbm>>) target(%arg11 : memref<128x128xf32, #tpu.memory_space<vmem>>) offsets(%dma_start3A_139 : memref<128xi32, #tpu.memory_space<vmem>>) semaphore(%arg17 : memref<!tpu.dma_semaphore, #tpu.memory_space<semaphore_mem>>)
      } else {
      }
      %mul3A_86 = arith.constant 2 : i32
      %mul3A_87 = arith.muli %scan3A_48, %mul3A_86 : i32
      %add3A_88 = arith.constant 1 : i32
      %add3A_89 = arith.addi %mul3A_87, %add3A_88 : i32
      %dma_wait3A_90 = arith.constant 0 : i32
      %dma_wait3A_91 = tpu.memref_slice %arg7[%add3A_89, %dma_wait3A_90] : memref<80x128xi32, #tpu.memory_space<vmem>> -> memref<1x128xi32, #tpu.memory_space<vmem>>
      %dma_wait3A_92 = tpu.memref_squeeze %dma_wait3A_91 : memref<1x128xi32, #tpu.memory_space<vmem>> -> memref<128xi32, #tpu.memory_space<vmem>>
      %dma_wait3A_93 = arith.constant 0 : i32
      %dma_wait3A_94 = arith.constant 0 : i32
      %dma_wait3A_95 = tpu.memref_slice %arg2[%dma_wait3A_93, %dma_wait3A_94] : memref<10000x128xf32, #tpu.memory_space<hbm>> -> memref<10000x128xf32, #tpu.memory_space<hbm>>
      tpu.wait_indirect_dma semaphore(%arg16 : memref<!tpu.dma_semaphore, #tpu.memory_space<semaphore_mem>>) src(%dma_wait3A_95 : memref<10000x128xf32, #tpu.memory_space<hbm>>) dst(%arg10 : memref<128x128xf32, #tpu.memory_space<vmem>>)
      %dma_wait3A_96 = arith.constant 0 : i32
      %dma_wait3A_97 = tpu.memref_slice %arg8[%add3A_89, %dma_wait3A_96] : memref<80x128xi32, #tpu.memory_space<vmem>> -> memref<1x128xi32, #tpu.memory_space<vmem>>
      %dma_wait3A_98 = tpu.memref_squeeze %dma_wait3A_97 : memref<1x128xi32, #tpu.memory_space<vmem>> -> memref<128xi32, #tpu.memory_space<vmem>>
      %dma_wait3A_99 = arith.constant 0 : i32
      %dma_wait3A_100 = arith.constant 0 : i32
      %dma_wait3A_101 = tpu.memref_slice %arg3[%dma_wait3A_99, %dma_wait3A_100] : memref<10000x128xf32, #tpu.memory_space<hbm>> -> memref<10000x128xf32, #tpu.memory_space<hbm>>
      tpu.wait_indirect_dma semaphore(%arg18 : memref<!tpu.dma_semaphore, #tpu.memory_space<semaphore_mem>>) src(%dma_wait3A_101 : memref<10000x128xf32, #tpu.memory_space<hbm>>) dst(%arg12 : memref<128x128xf32, #tpu.memory_space<vmem>>)
      %gt3A_102 = arith.constant 0 : i32
      %gt3A_103 = arith.cmpi sgt, %scan3A_48, %gt3A_102 : i32
      %convert_element_type3A_104 = arith.extui %gt3A_103 : i1 to i32
      %cond3A_105 = arith.constant 0 : i32
      %cond3A_106 = arith.cmpi ne, %convert_element_type3A_104, %cond3A_105 : i32
      scf.if %cond3A_106 {
        %dma_wait3A_127 = arith.constant 0 : i32
        %dma_wait3A_128 = arith.constant 0 : i32
        %dma_wait3A_129 = tpu.memref_slice %arg6[%dma_wait3A_127, %dma_wait3A_128] : memref<327680x128xf32, #tpu.memory_space<hbm>> -> memref<128x128xf32, #tpu.memory_space<hbm>>
        %dma_wait3A_130 = arith.constant 0 : i32
        %dma_wait3A_131 = arith.constant 0 : i32
        %dma_wait3A_132 = tpu.memref_slice %arg6[%dma_wait3A_130, %dma_wait3A_131] : memref<327680x128xf32, #tpu.memory_space<hbm>> -> memref<128x128xf32, #tpu.memory_space<hbm>>
        tpu.wait_dma2 semaphore(%arg20 : memref<!tpu.dma_semaphore, #tpu.memory_space<semaphore_mem>>) src(%arg14 : memref<128x128xf32, #tpu.memory_space<vmem>>) dst(%dma_wait3A_132 : memref<128x128xf32, #tpu.memory_space<hbm>>)
      } else {
      }
      %scan3A_107 = arith.constant 0 : i32
      %scan3A_108 = arith.constant 0 : i32
      %scan3A_109 = arith.constant 32 : i32
      %scan3A_110 = arith.addi %scan3A_108, %scan3A_109 : i32
      %scan3A_111 = arith.constant 1 : i32
      scf.for %scan3A_127 = %scan3A_108 to %scan3A_110 step %scan3A_111  : i32 {
        %mul3A_128 = arith.constant 4 : i32
        %mul3A_129 = arith.muli %scan3A_127, %mul3A_128 : i32
        %add3A_130 = arith.constant 0 : i32
        %add3A_131 = arith.addi %mul3A_129, %add3A_130 : i32
        %get3A = arith.index_cast %add3A_131 : i32 to index
        %get3A_132 = arith.constant 0 : index
        %get3A_133 = tpu.vector_load %arg10[%get3A, %get3A_132] {strides = array<i32>} : memref<128x128xf32, #tpu.memory_space<vmem>>, vector<1x16xf32>,
        %get3A_134 = vector.shape_cast %get3A_133 : vector<1x16xf32> to vector<16xf32>
        %get3A_135 = arith.index_cast %add3A_131 : i32 to index
        %get3A_136 = arith.constant 0 : index
        %get3A_137 = tpu.vector_load %arg12[%get3A_135, %get3A_136] {strides = array<i32>} : memref<128x128xf32, #tpu.memory_space<vmem>>, vector<1x16xf32>,
        %get3A_138 = vector.shape_cast %get3A_137 : vector<1x16xf32> to vector<16xf32>
        %add3A_139 = arith.addf %get3A_134, %get3A_138 : vector<16xf32>
        %swap3A = arith.index_cast %add3A_131 : i32 to index
        %swap3A_140 = arith.constant 0 : index
        %swap3A_141 = tpu.vector_load %arg14[%swap3A, %swap3A_140] {strides = array<i32>} : memref<128x128xf32, #tpu.memory_space<vmem>>, vector<1x16xf32>,
        %swap3A_142 = vector.shape_cast %swap3A_141 : vector<1x16xf32> to vector<16xf32>
        %swap3A_143 = vector.shape_cast %add3A_139 : vector<16xf32> to vector<1x16xf32>
        tpu.vector_store %arg14[%swap3A, %swap3A_140], %swap3A_143 {strides = array<i32>} : memref<128x128xf32, #tpu.memory_space<vmem>>, vector<1x16xf32>,
        %get3A_144 = arith.index_cast %add3A_131 : i32 to index
        %get3A_145 = arith.constant 16 : index
        %get3A_146 = tpu.vector_load %arg10[%get3A_144, %get3A_145] {strides = array<i32>} : memref<128x128xf32, #tpu.memory_space<vmem>>, vector<1x16xf32>,
        %get3A_147 = vector.shape_cast %get3A_146 : vector<1x16xf32> to vector<16xf32>
        %get3A_148 = arith.index_cast %add3A_131 : i32 to index
        %get3A_149 = arith.constant 16 : index
        %get3A_150 = tpu.vector_load %arg12[%get3A_148, %get3A_149] {strides = array<i32>} : memref<128x128xf32, #tpu.memory_space<vmem>>, vector<1x16xf32>,
        %get3A_151 = vector.shape_cast %get3A_150 : vector<1x16xf32> to vector<16xf32>
        %add3A_152 = arith.addf %get3A_147, %get3A_151 : vector<16xf32>
        %swap3A_153 = arith.index_cast %add3A_131 : i32 to index
        %swap3A_154 = arith.constant 16 : index
        %swap3A_155 = tpu.vector_load %arg14[%swap3A_153, %swap3A_154] {strides = array<i32>} : memref<128x128xf32, #tpu.memory_space<vmem>>, vector<1x16xf32>,
        %swap3A_156 = vector.shape_cast %swap3A_155 : vector<1x16xf32> to vector<16xf32>
        %swap3A_157 = vector.shape_cast %add3A_152 : vector<16xf32> to vector<1x16xf32>
        tpu.vector_store %arg14[%swap3A_153, %swap3A_154], %swap3A_157 {strides = array<i32>} : memref<128x128xf32, #tpu.memory_space<vmem>>, vector<1x16xf32>,
        %get3A_158 = arith.index_cast %add3A_131 : i32 to index
        %get3A_159 = arith.constant 32 : index
        %get3A_160 = tpu.vector_load %arg10[%get3A_158, %get3A_159] {strides = array<i32>} : memref<128x128xf32, #tpu.memory_space<vmem>>, vector<1x16xf32>,
        %get3A_161 = vector.shape_cast %get3A_160 : vector<1x16xf32> to vector<16xf32>
        %get3A_162 = arith.index_cast %add3A_131 : i32 to index
        %get3A_163 = arith.constant 32 : index
        %get3A_164 = tpu.vector_load %arg12[%get3A_162, %get3A_163] {strides = array<i32>} : memref<128x128xf32, #tpu.memory_space<vmem>>, vector<1x16xf32>,
        %get3A_165 = vector.shape_cast %get3A_164 : vector<1x16xf32> to vector<16xf32>
        %add3A_166 = arith.addf %get3A_161, %get3A_165 : vector<16xf32>
        %swap3A_167 = arith.index_cast %add3A_131 : i32 to index
        %swap3A_168 = arith.constant 32 : index
        %swap3A_169 = tpu.vector_load %arg14[%swap3A_167, %swap3A_168] {strides = array<i32>} : memref<128x128xf32, #tpu.memory_space<vmem>>, vector<1x16xf32>,
        %swap3A_170 = vector.shape_cast %swap3A_169 : vector<1x16xf32> to vector<16xf32>
        %swap3A_171 = vector.shape_cast %add3A_166 : vector<16xf32> to vector<1x16xf32>
        tpu.vector_store %arg14[%swap3A_167, %swap3A_168], %swap3A_171 {strides = array<i32>} : memref<128x128xf32, #tpu.memory_space<vmem>>, vector<1x16xf32>,
        %get3A_172 = arith.index_cast %add3A_131 : i32 to index
        %get3A_173 = arith.constant 48 : index
        %get3A_174 = tpu.vector_load %arg10[%get3A_172, %get3A_173] {strides = array<i32>} : memref<128x128xf32, #tpu.memory_space<vmem>>, vector<1x16xf32>,
        %get3A_175 = vector.shape_cast %get3A_174 : vector<1x16xf32> to vector<16xf32>
        %get3A_176 = arith.index_cast %add3A_131 : i32 to index
        %get3A_177 = arith.constant 48 : index
        %get3A_178 = tpu.vector_load %arg12[%get3A_176, %get3A_177] {strides = array<i32>} : memref<128x128xf32, #tpu.memory_space<vmem>>, vector<1x16xf32>,
        %get3A_179 = vector.shape_cast %get3A_178 : vector<1x16xf32> to vector<16xf32>
        %add3A_180 = arith.addf %get3A_175, %get3A_179 : vector<16xf32>
        %swap3A_181 = arith.index_cast %add3A_131 : i32 to index
        %swap3A_182 = arith.constant 48 : index
        %swap3A_183 = tpu.vector_load %arg14[%swap3A_181, %swap3A_182] {strides = array<i32>} : memref<128x128xf32, #tpu.memory_space<vmem>>, vector<1x16xf32>,
        %swap3A_184 = vector.shape_cast %swap3A_183 : vector<1x16xf32> to vector<16xf32>
        %swap3A_185 = vector.shape_cast %add3A_180 : vector<16xf32> to vector<1x16xf32>
        tpu.vector_store %arg14[%swap3A_181, %swap3A_182], %swap3A_185 {strides = array<i32>} : memref<128x128xf32, #tpu.memory_space<vmem>>, vector<1x16xf32>,
        %get3A_186 = arith.index_cast %add3A_131 : i32 to index
        %get3A_187 = arith.constant 64 : index
        %get3A_188 = tpu.vector_load %arg10[%get3A_186, %get3A_187] {strides = array<i32>} : memref<128x128xf32, #tpu.memory_space<vmem>>, vector<1x16xf32>,
        %get3A_189 = vector.shape_cast %get3A_188 : vector<1x16xf32> to vector<16xf32>
        %get3A_190 = arith.index_cast %add3A_131 : i32 to index
        %get3A_191 = arith.constant 64 : index
        %get3A_192 = tpu.vector_load %arg12[%get3A_190, %get3A_191] {strides = array<i32>} : memref<128x128xf32, #tpu.memory_space<vmem>>, vector<1x16xf32>,
        %get3A_193 = vector.shape_cast %get3A_192 : vector<1x16xf32> to vector<16xf32>
        %add3A_194 = arith.addf %get3A_189, %get3A_193 : vector<16xf32>
        %swap3A_195 = arith.index_cast %add3A_131 : i32 to index
        %swap3A_196 = arith.constant 64 : index
        %swap3A_197 = tpu.vector_load %arg14[%swap3A_195, %swap3A_196] {strides = array<i32>} : memref<128x128xf32, #tpu.memory_space<vmem>>, vector<1x16xf32>,
        %swap3A_198 = vector.shape_cast %swap3A_197 : vector<1x16xf32> to vector<16xf32>
        %swap3A_199 = vector.shape_cast %add3A_194 : vector<16xf32> to vector<1x16xf32>
        tpu.vector_store %arg14[%swap3A_195, %swap3A_196], %swap3A_199 {strides = array<i32>} : memref<128x128xf32, #tpu.memory_space<vmem>>, vector<1x16xf32>,
        %get3A_200 = arith.index_cast %add3A_131 : i32 to index
        %get3A_201 = arith.constant 80 : index
        %get3A_202 = tpu.vector_load %arg10[%get3A_200, %get3A_201] {strides = array<i32>} : memref<128x128xf32, #tpu.memory_space<vmem>>, vector<1x16xf32>,
        %get3A_203 = vector.shape_cast %get3A_202 : vector<1x16xf32> to vector<16xf32>
        %get3A_204 = arith.index_cast %add3A_131 : i32 to index
        %get3A_205 = arith.constant 80 : index
        %get3A_206 = tpu.vector_load %arg12[%get3A_204, %get3A_205] {strides = array<i32>} : memref<128x128xf32, #tpu.memory_space<vmem>>, vector<1x16xf32>,
        %get3A_207 = vector.shape_cast %get3A_206 : vector<1x16xf32> to vector<16xf32>
        %add3A_208 = arith.addf %get3A_203, %get3A_207 : vector<16xf32>
        %swap3A_209 = arith.index_cast %add3A_131 : i32 to index
        %swap3A_210 = arith.constant 80 : index
        %swap3A_211 = tpu.vector_load %arg14[%swap3A_209, %swap3A_210] {strides = array<i32>} : memref<128x128xf32, #tpu.memory_space<vmem>>, vector<1x16xf32>,
        %swap3A_212 = vector.shape_cast %swap3A_211 : vector<1x16xf32> to vector<16xf32>
        %swap3A_213 = vector.shape_cast %add3A_208 : vector<16xf32> to vector<1x16xf32>
        tpu.vector_store %arg14[%swap3A_209, %swap3A_210], %swap3A_213 {strides = array<i32>} : memref<128x128xf32, #tpu.memory_space<vmem>>, vector<1x16xf32>,
        %get3A_214 = arith.index_cast %add3A_131 : i32 to index
        %get3A_215 = arith.constant 96 : index
        %get3A_216 = tpu.vector_load %arg10[%get3A_214, %get3A_215] {strides = array<i32>} : memref<128x128xf32, #tpu.memory_space<vmem>>, vector<1x16xf32>,
        %get3A_217 = vector.shape_cast %get3A_216 : vector<1x16xf32> to vector<16xf32>
        %get3A_218 = arith.index_cast %add3A_131 : i32 to index
        %get3A_219 = arith.constant 96 : index
        %get3A_220 = tpu.vector_load %arg12[%get3A_218, %get3A_219] {strides = array<i32>} : memref<128x128xf32, #tpu.memory_space<vmem>>, vector<1x16xf32>,
        %get3A_221 = vector.shape_cast %get3A_220 : vector<1x16xf32> to vector<16xf32>
        %add3A_222 = arith.addf %get3A_217, %get3A_221 : vector<16xf32>
        %swap3A_223 = arith.index_cast %add3A_131 : i32 to index
        %swap3A_224 = arith.constant 96 : index
        %swap3A_225 = tpu.vector_load %arg14[%swap3A_223, %swap3A_224] {strides = array<i32>} : memref<128x128xf32, #tpu.memory_space<vmem>>, vector<1x16xf32>,
        %swap3A_226 = vector.shape_cast %swap3A_225 : vector<1x16xf32> to vector<16xf32>
        %swap3A_227 = vector.shape_cast %add3A_222 : vector<16xf32> to vector<1x16xf32>
        tpu.vector_store %arg14[%swap3A_223, %swap3A_224], %swap3A_227 {strides = array<i32>} : memref<128x128xf32, #tpu.memory_space<vmem>>, vector<1x16xf32>,
        %get3A_228 = arith.index_cast %add3A_131 : i32 to index
        %get3A_229 = arith.constant 112 : index
        %get3A_230 = tpu.vector_load %arg10[%get3A_228, %get3A_229] {strides = array<i32>} : memref<128x128xf32, #tpu.memory_space<vmem>>, vector<1x16xf32>,
        %get3A_231 = vector.shape_cast %get3A_230 : vector<1x16xf32> to vector<16xf32>
        %get3A_232 = arith.index_cast %add3A_131 : i32 to index
        %get3A_233 = arith.constant 112 : index
        %get3A_234 = tpu.vector_load %arg12[%get3A_232, %get3A_233] {strides = array<i32>} : memref<128x128xf32, #tpu.memory_space<vmem>>, vector<1x16xf32>,
        %get3A_235 = vector.shape_cast %get3A_234 : vector<1x16xf32> to vector<16xf32>
        %add3A_236 = arith.addf %get3A_231, %get3A_235 : vector<16xf32>
        %swap3A_237 = arith.index_cast %add3A_131 : i32 to index
        %swap3A_238 = arith.constant 112 : index
        %swap3A_239 = tpu.vector_load %arg14[%swap3A_237, %swap3A_238] {strides = array<i32>} : memref<128x128xf32, #tpu.memory_space<vmem>>, vector<1x16xf32>,
        %swap3A_240 = vector.shape_cast %swap3A_239 : vector<1x16xf32> to vector<16xf32>
        %swap3A_241 = vector.shape_cast %add3A_236 : vector<16xf32> to vector<1x16xf32>
        tpu.vector_store %arg14[%swap3A_237, %swap3A_238], %swap3A_241 {strides = array<i32>} : memref<128x128xf32, #tpu.memory_space<vmem>>, vector<1x16xf32>,
        %mul3A_242 = arith.constant 4 : i32
        %mul3A_243 = arith.muli %scan3A_127, %mul3A_242 : i32
        %add3A_244 = arith.constant 1 : i32
        %add3A_245 = arith.addi %mul3A_243, %add3A_244 : i32
        %get3A_246 = arith.index_cast %add3A_245 : i32 to index
        %get3A_247 = arith.constant 0 : index
        %get3A_248 = tpu.vector_load %arg10[%get3A_246, %get3A_247] {strides = array<i32>} : memref<128x128xf32, #tpu.memory_space<vmem>>, vector<1x16xf32>,
        %get3A_249 = vector.shape_cast %get3A_248 : vector<1x16xf32> to vector<16xf32>
        %get3A_250 = arith.index_cast %add3A_245 : i32 to index
        %get3A_251 = arith.constant 0 : index
        %get3A_252 = tpu.vector_load %arg12[%get3A_250, %get3A_251] {strides = array<i32>} : memref<128x128xf32, #tpu.memory_space<vmem>>, vector<1x16xf32>,
        %get3A_253 = vector.shape_cast %get3A_252 : vector<1x16xf32> to vector<16xf32>
        %add3A_254 = arith.addf %get3A_249, %get3A_253 : vector<16xf32>
        %swap3A_255 = arith.index_cast %add3A_245 : i32 to index
        %swap3A_256 = arith.constant 0 : index
        %swap3A_257 = tpu.vector_load %arg14[%swap3A_255, %swap3A_256] {strides = array<i32>} : memref<128x128xf32, #tpu.memory_space<vmem>>, vector<1x16xf32>,
        %swap3A_258 = vector.shape_cast %swap3A_257 : vector<1x16xf32> to vector<16xf32>
        %swap3A_259 = vector.shape_cast %add3A_254 : vector<16xf32> to vector<1x16xf32>
        tpu.vector_store %arg14[%swap3A_255, %swap3A_256], %swap3A_259 {strides = array<i32>} : memref<128x128xf32, #tpu.memory_space<vmem>>, vector<1x16xf32>,
        %get3A_260 = arith.index_cast %add3A_245 : i32 to index
        %get3A_261 = arith.constant 16 : index
        %get3A_262 = tpu.vector_load %arg10[%get3A_260, %get3A_261] {strides = array<i32>} : memref<128x128xf32, #tpu.memory_space<vmem>>, vector<1x16xf32>,
        %get3A_263 = vector.shape_cast %get3A_262 : vector<1x16xf32> to vector<16xf32>
        %get3A_264 = arith.index_cast %add3A_245 : i32 to index
        %get3A_265 = arith.constant 16 : index
        %get3A_266 = tpu.vector_load %arg12[%get3A_264, %get3A_265] {strides = array<i32>} : memref<128x128xf32, #tpu.memory_space<vmem>>, vector<1x16xf32>,
        %get3A_267 = vector.shape_cast %get3A_266 : vector<1x16xf32> to vector<16xf32>
        %add3A_268 = arith.addf %get3A_263, %get3A_267 : vector<16xf32>
        %swap3A_269 = arith.index_cast %add3A_245 : i32 to index
        %swap3A_270 = arith.constant 16 : index
        %swap3A_271 = tpu.vector_load %arg14[%swap3A_269, %swap3A_270] {strides = array<i32>} : memref<128x128xf32, #tpu.memory_space<vmem>>, vector<1x16xf32>,
        %swap3A_272 = vector.shape_cast %swap3A_271 : vector<1x16xf32> to vector<16xf32>
        %swap3A_273 = vector.shape_cast %add3A_268 : vector<16xf32> to vector<1x16xf32>
        tpu.vector_store %arg14[%swap3A_269, %swap3A_270], %swap3A_273 {strides = array<i32>} : memref<128x128xf32, #tpu.memory_space<vmem>>, vector<1x16xf32>,
        %get3A_274 = arith.index_cast %add3A_245 : i32 to index
        %get3A_275 = arith.constant 32 : index
        %get3A_276 = tpu.vector_load %arg10[%get3A_274, %get3A_275] {strides = array<i32>} : memref<128x128xf32, #tpu.memory_space<vmem>>, vector<1x16xf32>,
        %get3A_277 = vector.shape_cast %get3A_276 : vector<1x16xf32> to vector<16xf32>
        %get3A_278 = arith.index_cast %add3A_245 : i32 to index
        %get3A_279 = arith.constant 32 : index
        %get3A_280 = tpu.vector_load %arg12[%get3A_278, %get3A_279] {strides = array<i32>} : memref<128x128xf32, #tpu.memory_space<vmem>>, vector<1x16xf32>,
        %get3A_281 = vector.shape_cast %get3A_280 : vector<1x16xf32> to vector<16xf32>
        %add3A_282 = arith.addf %get3A_277, %get3A_281 : vector<16xf32>
        %swap3A_283 = arith.index_cast %add3A_245 : i32 to index
        %swap3A_284 = arith.constant 32 : index
        %swap3A_285 = tpu.vector_load %arg14[%swap3A_283, %swap3A_284] {strides = array<i32>} : memref<128x128xf32, #tpu.memory_space<vmem>>, vector<1x16xf32>,
        %swap3A_286 = vector.shape_cast %swap3A_285 : vector<1x16xf32> to vector<16xf32>
        %swap3A_287 = vector.shape_cast %add3A_282 : vector<16xf32> to vector<1x16xf32>
        tpu.vector_store %arg14[%swap3A_283, %swap3A_284], %swap3A_287 {strides = array<i32>} : memref<128x128xf32, #tpu.memory_space<vmem>>, vector<1x16xf32>,
        %get3A_288 = arith.index_cast %add3A_245 : i32 to index
        %get3A_289 = arith.constant 48 : index
        %get3A_290 = tpu.vector_load %arg10[%get3A_288, %get3A_289] {strides = array<i32>} : memref<128x128xf32, #tpu.memory_space<vmem>>, vector<1x16xf32>,
        %get3A_291 = vector.shape_cast %get3A_290 : vector<1x16xf32> to vector<16xf32>
        %get3A_292 = arith.index_cast %add3A_245 : i32 to index
        %get3A_293 = arith.constant 48 : index
        %get3A_294 = tpu.vector_load %arg12[%get3A_292, %get3A_293] {strides = array<i32>} : memref<128x128xf32, #tpu.memory_space<vmem>>, vector<1x16xf32>,
        %get3A_295 = vector.shape_cast %get3A_294 : vector<1x16xf32> to vector<16xf32>
        %add3A_296 = arith.addf %get3A_291, %get3A_295 : vector<16xf32>
        %swap3A_297 = arith.index_cast %add3A_245 : i32 to index
        %swap3A_298 = arith.constant 48 : index
        %swap3A_299 = tpu.vector_load %arg14[%swap3A_297, %swap3A_298] {strides = array<i32>} : memref<128x128xf32, #tpu.memory_space<vmem>>, vector<1x16xf32>,
        %swap3A_300 = vector.shape_cast %swap3A_299 : vector<1x16xf32> to vector<16xf32>
        %swap3A_301 = vector.shape_cast %add3A_296 : vector<16xf32> to vector<1x16xf32>
        tpu.vector_store %arg14[%swap3A_297, %swap3A_298], %swap3A_301 {strides = array<i32>} : memref<128x128xf32, #tpu.memory_space<vmem>>, vector<1x16xf32>,
        %get3A_302 = arith.index_cast %add3A_245 : i32 to index
        %get3A_303 = arith.constant 64 : index
        %get3A_304 = tpu.vector_load %arg10[%get3A_302, %get3A_303] {strides = array<i32>} : memref<128x128xf32, #tpu.memory_space<vmem>>, vector<1x16xf32>,
        %get3A_305 = vector.shape_cast %get3A_304 : vector<1x16xf32> to vector<16xf32>
        %get3A_306 = arith.index_cast %add3A_245 : i32 to index
        %get3A_307 = arith.constant 64 : index
        %get3A_308 = tpu.vector_load %arg12[%get3A_306, %get3A_307] {strides = array<i32>} : memref<128x128xf32, #tpu.memory_space<vmem>>, vector<1x16xf32>,
        %get3A_309 = vector.shape_cast %get3A_308 : vector<1x16xf32> to vector<16xf32>
        %add3A_310 = arith.addf %get3A_305, %get3A_309 : vector<16xf32>
        %swap3A_311 = arith.index_cast %add3A_245 : i32 to index
        %swap3A_312 = arith.constant 64 : index
        %swap3A_313 = tpu.vector_load %arg14[%swap3A_311, %swap3A_312] {strides = array<i32>} : memref<128x128xf32, #tpu.memory_space<vmem>>, vector<1x16xf32>,
        %swap3A_314 = vector.shape_cast %swap3A_313 : vector<1x16xf32> to vector<16xf32>
        %swap3A_315 = vector.shape_cast %add3A_310 : vector<16xf32> to vector<1x16xf32>
        tpu.vector_store %arg14[%swap3A_311, %swap3A_312], %swap3A_315 {strides = array<i32>} : memref<128x128xf32, #tpu.memory_space<vmem>>, vector<1x16xf32>,
        %get3A_316 = arith.index_cast %add3A_245 : i32 to index
        %get3A_317 = arith.constant 80 : index
        %get3A_318 = tpu.vector_load %arg10[%get3A_316, %get3A_317] {strides = array<i32>} : memref<128x128xf32, #tpu.memory_space<vmem>>, vector<1x16xf32>,
        %get3A_319 = vector.shape_cast %get3A_318 : vector<1x16xf32> to vector<16xf32>
        %get3A_320 = arith.index_cast %add3A_245 : i32 to index
        %get3A_321 = arith.constant 80 : index
        %get3A_322 = tpu.vector_load %arg12[%get3A_320, %get3A_321] {strides = array<i32>} : memref<128x128xf32, #tpu.memory_space<vmem>>, vector<1x16xf32>,
        %get3A_323 = vector.shape_cast %get3A_322 : vector<1x16xf32> to vector<16xf32>
        %add3A_324 = arith.addf %get3A_319, %get3A_323 : vector<16xf32>
        %swap3A_325 = arith.index_cast %add3A_245 : i32 to index
        %swap3A_326 = arith.constant 80 : index
        %swap3A_327 = tpu.vector_load %arg14[%swap3A_325, %swap3A_326] {strides = array<i32>} : memref<128x128xf32, #tpu.memory_space<vmem>>, vector<1x16xf32>,
        %swap3A_328 = vector.shape_cast %swap3A_327 : vector<1x16xf32> to vector<16xf32>
        %swap3A_329 = vector.shape_cast %add3A_324 : vector<16xf32> to vector<1x16xf32>
        tpu.vector_store %arg14[%swap3A_325, %swap3A_326], %swap3A_329 {strides = array<i32>} : memref<128x128xf32, #tpu.memory_space<vmem>>, vector<1x16xf32>,
        %get3A_330 = arith.index_cast %add3A_245 : i32 to index
        %get3A_331 = arith.constant 96 : index
        %get3A_332 = tpu.vector_load %arg10[%get3A_330, %get3A_331] {strides = array<i32>} : memref<128x128xf32, #tpu.memory_space<vmem>>, vector<1x16xf32>,
        %get3A_333 = vector.shape_cast %get3A_332 : vector<1x16xf32> to vector<16xf32>
        %get3A_334 = arith.index_cast %add3A_245 : i32 to index
        %get3A_335 = arith.constant 96 : index
        %get3A_336 = tpu.vector_load %arg12[%get3A_334, %get3A_335] {strides = array<i32>} : memref<128x128xf32, #tpu.memory_space<vmem>>, vector<1x16xf32>,
        %get3A_337 = vector.shape_cast %get3A_336 : vector<1x16xf32> to vector<16xf32>
        %add3A_338 = arith.addf %get3A_333, %get3A_337 : vector<16xf32>
        %swap3A_339 = arith.index_cast %add3A_245 : i32 to index
        %swap3A_340 = arith.constant 96 : index
        %swap3A_341 = tpu.vector_load %arg14[%swap3A_339, %swap3A_340] {strides = array<i32>} : memref<128x128xf32, #tpu.memory_space<vmem>>, vector<1x16xf32>,
        %swap3A_342 = vector.shape_cast %swap3A_341 : vector<1x16xf32> to vector<16xf32>
        %swap3A_343 = vector.shape_cast %add3A_338 : vector<16xf32> to vector<1x16xf32>
        tpu.vector_store %arg14[%swap3A_339, %swap3A_340], %swap3A_343 {strides = array<i32>} : memref<128x128xf32, #tpu.memory_space<vmem>>, vector<1x16xf32>,
        %get3A_344 = arith.index_cast %add3A_245 : i32 to index
        %get3A_345 = arith.constant 112 : index
        %get3A_346 = tpu.vector_load %arg10[%get3A_344, %get3A_345] {strides = array<i32>} : memref<128x128xf32, #tpu.memory_space<vmem>>, vector<1x16xf32>,
        %get3A_347 = vector.shape_cast %get3A_346 : vector<1x16xf32> to vector<16xf32>
        %get3A_348 = arith.index_cast %add3A_245 : i32 to index
        %get3A_349 = arith.constant 112 : index
        %get3A_350 = tpu.vector_load %arg12[%get3A_348, %get3A_349] {strides = array<i32>} : memref<128x128xf32, #tpu.memory_space<vmem>>, vector<1x16xf32>,
        %get3A_351 = vector.shape_cast %get3A_350 : vector<1x16xf32> to vector<16xf32>
        %add3A_352 = arith.addf %get3A_347, %get3A_351 : vector<16xf32>
        %swap3A_353 = arith.index_cast %add3A_245 : i32 to index
        %swap3A_354 = arith.constant 112 : index
        %swap3A_355 = tpu.vector_load %arg14[%swap3A_353, %swap3A_354] {strides = array<i32>} : memref<128x128xf32, #tpu.memory_space<vmem>>, vector<1x16xf32>,
        %swap3A_356 = vector.shape_cast %swap3A_355 : vector<1x16xf32> to vector<16xf32>
        %swap3A_357 = vector.shape_cast %add3A_352 : vector<16xf32> to vector<1x16xf32>
        tpu.vector_store %arg14[%swap3A_353, %swap3A_354], %swap3A_357 {strides = array<i32>} : memref<128x128xf32, #tpu.memory_space<vmem>>, vector<1x16xf32>,
        %mul3A_358 = arith.constant 4 : i32
        %mul3A_359 = arith.muli %scan3A_127, %mul3A_358 : i32
        %add3A_360 = arith.constant 2 : i32
        %add3A_361 = arith.addi %mul3A_359, %add3A_360 : i32
        %get3A_362 = arith.index_cast %add3A_361 : i32 to index
        %get3A_363 = arith.constant 0 : index
        %get3A_364 = tpu.vector_load %arg10[%get3A_362, %get3A_363] {strides = array<i32>} : memref<128x128xf32, #tpu.memory_space<vmem>>, vector<1x16xf32>,
        %get3A_365 = vector.shape_cast %get3A_364 : vector<1x16xf32> to vector<16xf32>
        %get3A_366 = arith.index_cast %add3A_361 : i32 to index
        %get3A_367 = arith.constant 0 : index
        %get3A_368 = tpu.vector_load %arg12[%get3A_366, %get3A_367] {strides = array<i32>} : memref<128x128xf32, #tpu.memory_space<vmem>>, vector<1x16xf32>,
        %get3A_369 = vector.shape_cast %get3A_368 : vector<1x16xf32> to vector<16xf32>
        %add3A_370 = arith.addf %get3A_365, %get3A_369 : vector<16xf32>
        %swap3A_371 = arith.index_cast %add3A_361 : i32 to index
        %swap3A_372 = arith.constant 0 : index
        %swap3A_373 = tpu.vector_load %arg14[%swap3A_371, %swap3A_372] {strides = array<i32>} : memref<128x128xf32, #tpu.memory_space<vmem>>, vector<1x16xf32>,
        %swap3A_374 = vector.shape_cast %swap3A_373 : vector<1x16xf32> to vector<16xf32>
        %swap3A_375 = vector.shape_cast %add3A_370 : vector<16xf32> to vector<1x16xf32>
        tpu.vector_store %arg14[%swap3A_371, %swap3A_372], %swap3A_375 {strides = array<i32>} : memref<128x128xf32, #tpu.memory_space<vmem>>, vector<1x16xf32>,
        %get3A_376 = arith.index_cast %add3A_361 : i32 to index
        %get3A_377 = arith.constant 16 : index
        %get3A_378 = tpu.vector_load %arg10[%get3A_376, %get3A_377] {strides = array<i32>} : memref<128x128xf32, #tpu.memory_space<vmem>>, vector<1x16xf32>,
        %get3A_379 = vector.shape_cast %get3A_378 : vector<1x16xf32> to vector<16xf32>
        %get3A_380 = arith.index_cast %add3A_361 : i32 to index
        %get3A_381 = arith.constant 16 : index
        %get3A_382 = tpu.vector_load %arg12[%get3A_380, %get3A_381] {strides = array<i32>} : memref<128x128xf32, #tpu.memory_space<vmem>>, vector<1x16xf32>,
        %get3A_383 = vector.shape_cast %get3A_382 : vector<1x16xf32> to vector<16xf32>
        %add3A_384 = arith.addf %get3A_379, %get3A_383 : vector<16xf32>
        %swap3A_385 = arith.index_cast %add3A_361 : i32 to index
        %swap3A_386 = arith.constant 16 : index
        %swap3A_387 = tpu.vector_load %arg14[%swap3A_385, %swap3A_386] {strides = array<i32>} : memref<128x128xf32, #tpu.memory_space<vmem>>, vector<1x16xf32>,
        %swap3A_388 = vector.shape_cast %swap3A_387 : vector<1x16xf32> to vector<16xf32>
        %swap3A_389 = vector.shape_cast %add3A_384 : vector<16xf32> to vector<1x16xf32>
        tpu.vector_store %arg14[%swap3A_385, %swap3A_386], %swap3A_389 {strides = array<i32>} : memref<128x128xf32, #tpu.memory_space<vmem>>, vector<1x16xf32>,
        %get3A_390 = arith.index_cast %add3A_361 : i32 to index
        %get3A_391 = arith.constant 32 : index
        %get3A_392 = tpu.vector_load %arg10[%get3A_390, %get3A_391] {strides = array<i32>} : memref<128x128xf32, #tpu.memory_space<vmem>>, vector<1x16xf32>,
        %get3A_393 = vector.shape_cast %get3A_392 : vector<1x16xf32> to vector<16xf32>
        %get3A_394 = arith.index_cast %add3A_361 : i32 to index
        %get3A_395 = arith.constant 32 : index
        %get3A_396 = tpu.vector_load %arg12[%get3A_394, %get3A_395] {strides = array<i32>} : memref<128x128xf32, #tpu.memory_space<vmem>>, vector<1x16xf32>,
        %get3A_397 = vector.shape_cast %get3A_396 : vector<1x16xf32> to vector<16xf32>
        %add3A_398 = arith.addf %get3A_393, %get3A_397 : vector<16xf32>
        %swap3A_399 = arith.index_cast %add3A_361 : i32 to index
        %swap3A_400 = arith.constant 32 : index
        %swap3A_401 = tpu.vector_load %arg14[%swap3A_399, %swap3A_400] {strides = array<i32>} : memref<128x128xf32, #tpu.memory_space<vmem>>, vector<1x16xf32>,
        %swap3A_402 = vector.shape_cast %swap3A_401 : vector<1x16xf32> to vector<16xf32>
        %swap3A_403 = vector.shape_cast %add3A_398 : vector<16xf32> to vector<1x16xf32>
        tpu.vector_store %arg14[%swap3A_399, %swap3A_400], %swap3A_403 {strides = array<i32>} : memref<128x128xf32, #tpu.memory_space<vmem>>, vector<1x16xf32>,
        %get3A_404 = arith.index_cast %add3A_361 : i32 to index
        %get3A_405 = arith.constant 48 : index
        %get3A_406 = tpu.vector_load %arg10[%get3A_404, %get3A_405] {strides = array<i32>} : memref<128x128xf32, #tpu.memory_space<vmem>>, vector<1x16xf32>,
        %get3A_407 = vector.shape_cast %get3A_406 : vector<1x16xf32> to vector<16xf32>
        %get3A_408 = arith.index_cast %add3A_361 : i32 to index
        %get3A_409 = arith.constant 48 : index
        %get3A_410 = tpu.vector_load %arg12[%get3A_408, %get3A_409] {strides = array<i32>} : memref<128x128xf32, #tpu.memory_space<vmem>>, vector<1x16xf32>,
        %get3A_411 = vector.shape_cast %get3A_410 : vector<1x16xf32> to vector<16xf32>
        %add3A_412 = arith.addf %get3A_407, %get3A_411 : vector<16xf32>
        %swap3A_413 = arith.index_cast %add3A_361 : i32 to index
        %swap3A_414 = arith.constant 48 : index
        %swap3A_415 = tpu.vector_load %arg14[%swap3A_413, %swap3A_414] {strides = array<i32>} : memref<128x128xf32, #tpu.memory_space<vmem>>, vector<1x16xf32>,
        %swap3A_416 = vector.shape_cast %swap3A_415 : vector<1x16xf32> to vector<16xf32>
        %swap3A_417 = vector.shape_cast %add3A_412 : vector<16xf32> to vector<1x16xf32>
        tpu.vector_store %arg14[%swap3A_413, %swap3A_414], %swap3A_417 {strides = array<i32>} : memref<128x128xf32, #tpu.memory_space<vmem>>, vector<1x16xf32>,
        %get3A_418 = arith.index_cast %add3A_361 : i32 to index
        %get3A_419 = arith.constant 64 : index
        %get3A_420 = tpu.vector_load %arg10[%get3A_418, %get3A_419] {strides = array<i32>} : memref<128x128xf32, #tpu.memory_space<vmem>>, vector<1x16xf32>,
        %get3A_421 = vector.shape_cast %get3A_420 : vector<1x16xf32> to vector<16xf32>
        %get3A_422 = arith.index_cast %add3A_361 : i32 to index
        %get3A_423 = arith.constant 64 : index
        %get3A_424 = tpu.vector_load %arg12[%get3A_422, %get3A_423] {strides = array<i32>} : memref<128x128xf32, #tpu.memory_space<vmem>>, vector<1x16xf32>,
        %get3A_425 = vector.shape_cast %get3A_424 : vector<1x16xf32> to vector<16xf32>
        %add3A_426 = arith.addf %get3A_421, %get3A_425 : vector<16xf32>
        %swap3A_427 = arith.index_cast %add3A_361 : i32 to index
        %swap3A_428 = arith.constant 64 : index
        %swap3A_429 = tpu.vector_load %arg14[%swap3A_427, %swap3A_428] {strides = array<i32>} : memref<128x128xf32, #tpu.memory_space<vmem>>, vector<1x16xf32>,
        %swap3A_430 = vector.shape_cast %swap3A_429 : vector<1x16xf32> to vector<16xf32>
        %swap3A_431 = vector.shape_cast %add3A_426 : vector<16xf32> to vector<1x16xf32>
        tpu.vector_store %arg14[%swap3A_427, %swap3A_428], %swap3A_431 {strides = array<i32>} : memref<128x128xf32, #tpu.memory_space<vmem>>, vector<1x16xf32>,
        %get3A_432 = arith.index_cast %add3A_361 : i32 to index
        %get3A_433 = arith.constant 80 : index
        %get3A_434 = tpu.vector_load %arg10[%get3A_432, %get3A_433] {strides = array<i32>} : memref<128x128xf32, #tpu.memory_space<vmem>>, vector<1x16xf32>,
        %get3A_435 = vector.shape_cast %get3A_434 : vector<1x16xf32> to vector<16xf32>
        %get3A_436 = arith.index_cast %add3A_361 : i32 to index
        %get3A_437 = arith.constant 80 : index
        %get3A_438 = tpu.vector_load %arg12[%get3A_436, %get3A_437] {strides = array<i32>} : memref<128x128xf32, #tpu.memory_space<vmem>>, vector<1x16xf32>,
        %get3A_439 = vector.shape_cast %get3A_438 : vector<1x16xf32> to vector<16xf32>
        %add3A_440 = arith.addf %get3A_435, %get3A_439 : vector<16xf32>
        %swap3A_441 = arith.index_cast %add3A_361 : i32 to index
        %swap3A_442 = arith.constant 80 : index
        %swap3A_443 = tpu.vector_load %arg14[%swap3A_441, %swap3A_442] {strides = array<i32>} : memref<128x128xf32, #tpu.memory_space<vmem>>, vector<1x16xf32>,
        %swap3A_444 = vector.shape_cast %swap3A_443 : vector<1x16xf32> to vector<16xf32>
        %swap3A_445 = vector.shape_cast %add3A_440 : vector<16xf32> to vector<1x16xf32>
        tpu.vector_store %arg14[%swap3A_441, %swap3A_442], %swap3A_445 {strides = array<i32>} : memref<128x128xf32, #tpu.memory_space<vmem>>, vector<1x16xf32>,
        %get3A_446 = arith.index_cast %add3A_361 : i32 to index
        %get3A_447 = arith.constant 96 : index
        %get3A_448 = tpu.vector_load %arg10[%get3A_446, %get3A_447] {strides = array<i32>} : memref<128x128xf32, #tpu.memory_space<vmem>>, vector<1x16xf32>,
        %get3A_449 = vector.shape_cast %get3A_448 : vector<1x16xf32> to vector<16xf32>
        %get3A_450 = arith.index_cast %add3A_361 : i32 to index
        %get3A_451 = arith.constant 96 : index
        %get3A_452 = tpu.vector_load %arg12[%get3A_450, %get3A_451] {strides = array<i32>} : memref<128x128xf32, #tpu.memory_space<vmem>>, vector<1x16xf32>,
        %get3A_453 = vector.shape_cast %get3A_452 : vector<1x16xf32> to vector<16xf32>
        %add3A_454 = arith.addf %get3A_449, %get3A_453 : vector<16xf32>
        %swap3A_455 = arith.index_cast %add3A_361 : i32 to index
        %swap3A_456 = arith.constant 96 : index
        %swap3A_457 = tpu.vector_load %arg14[%swap3A_455, %swap3A_456] {strides = array<i32>} : memref<128x128xf32, #tpu.memory_space<vmem>>, vector<1x16xf32>,
        %swap3A_458 = vector.shape_cast %swap3A_457 : vector<1x16xf32> to vector<16xf32>
        %swap3A_459 = vector.shape_cast %add3A_454 : vector<16xf32> to vector<1x16xf32>
        tpu.vector_store %arg14[%swap3A_455, %swap3A_456], %swap3A_459 {strides = array<i32>} : memref<128x128xf32, #tpu.memory_space<vmem>>, vector<1x16xf32>,
        %get3A_460 = arith.index_cast %add3A_361 : i32 to index
        %get3A_461 = arith.constant 112 : index
        %get3A_462 = tpu.vector_load %arg10[%get3A_460, %get3A_461] {strides = array<i32>} : memref<128x128xf32, #tpu.memory_space<vmem>>, vector<1x16xf32>,
        %get3A_463 = vector.shape_cast %get3A_462 : vector<1x16xf32> to vector<16xf32>
        %get3A_464 = arith.index_cast %add3A_361 : i32 to index
        %get3A_465 = arith.constant 112 : index
        %get3A_466 = tpu.vector_load %arg12[%get3A_464, %get3A_465] {strides = array<i32>} : memref<128x128xf32, #tpu.memory_space<vmem>>, vector<1x16xf32>,
        %get3A_467 = vector.shape_cast %get3A_466 : vector<1x16xf32> to vector<16xf32>
        %add3A_468 = arith.addf %get3A_463, %get3A_467 : vector<16xf32>
        %swap3A_469 = arith.index_cast %add3A_361 : i32 to index
        %swap3A_470 = arith.constant 112 : index
        %swap3A_471 = tpu.vector_load %arg14[%swap3A_469, %swap3A_470] {strides = array<i32>} : memref<128x128xf32, #tpu.memory_space<vmem>>, vector<1x16xf32>,
        %swap3A_472 = vector.shape_cast %swap3A_471 : vector<1x16xf32> to vector<16xf32>
        %swap3A_473 = vector.shape_cast %add3A_468 : vector<16xf32> to vector<1x16xf32>
        tpu.vector_store %arg14[%swap3A_469, %swap3A_470], %swap3A_473 {strides = array<i32>} : memref<128x128xf32, #tpu.memory_space<vmem>>, vector<1x16xf32>,
        %mul3A_474 = arith.constant 4 : i32
        %mul3A_475 = arith.muli %scan3A_127, %mul3A_474 : i32
        %add3A_476 = arith.constant 3 : i32
        %add3A_477 = arith.addi %mul3A_475, %add3A_476 : i32
        %get3A_478 = arith.index_cast %add3A_477 : i32 to index
        %get3A_479 = arith.constant 0 : index
        %get3A_480 = tpu.vector_load %arg10[%get3A_478, %get3A_479] {strides = array<i32>} : memref<128x128xf32, #tpu.memory_space<vmem>>, vector<1x16xf32>,
        %get3A_481 = vector.shape_cast %get3A_480 : vector<1x16xf32> to vector<16xf32>
        %get3A_482 = arith.index_cast %add3A_477 : i32 to index
        %get3A_483 = arith.constant 0 : index
        %get3A_484 = tpu.vector_load %arg12[%get3A_482, %get3A_483] {strides = array<i32>} : memref<128x128xf32, #tpu.memory_space<vmem>>, vector<1x16xf32>,
        %get3A_485 = vector.shape_cast %get3A_484 : vector<1x16xf32> to vector<16xf32>
        %add3A_486 = arith.addf %get3A_481, %get3A_485 : vector<16xf32>
        %swap3A_487 = arith.index_cast %add3A_477 : i32 to index
        %swap3A_488 = arith.constant 0 : index
        %swap3A_489 = tpu.vector_load %arg14[%swap3A_487, %swap3A_488] {strides = array<i32>} : memref<128x128xf32, #tpu.memory_space<vmem>>, vector<1x16xf32>,
        %swap3A_490 = vector.shape_cast %swap3A_489 : vector<1x16xf32> to vector<16xf32>
        %swap3A_491 = vector.shape_cast %add3A_486 : vector<16xf32> to vector<1x16xf32>
        tpu.vector_store %arg14[%swap3A_487, %swap3A_488], %swap3A_491 {strides = array<i32>} : memref<128x128xf32, #tpu.memory_space<vmem>>, vector<1x16xf32>,
        %get3A_492 = arith.index_cast %add3A_477 : i32 to index
        %get3A_493 = arith.constant 16 : index
        %get3A_494 = tpu.vector_load %arg10[%get3A_492, %get3A_493] {strides = array<i32>} : memref<128x128xf32, #tpu.memory_space<vmem>>, vector<1x16xf32>,
        %get3A_495 = vector.shape_cast %get3A_494 : vector<1x16xf32> to vector<16xf32>
        %get3A_496 = arith.index_cast %add3A_477 : i32 to index
        %get3A_497 = arith.constant 16 : index
        %get3A_498 = tpu.vector_load %arg12[%get3A_496, %get3A_497] {strides = array<i32>} : memref<128x128xf32, #tpu.memory_space<vmem>>, vector<1x16xf32>,
        %get3A_499 = vector.shape_cast %get3A_498 : vector<1x16xf32> to vector<16xf32>
        %add3A_500 = arith.addf %get3A_495, %get3A_499 : vector<16xf32>
        %swap3A_501 = arith.index_cast %add3A_477 : i32 to index
        %swap3A_502 = arith.constant 16 : index
        %swap3A_503 = tpu.vector_load %arg14[%swap3A_501, %swap3A_502] {strides = array<i32>} : memref<128x128xf32, #tpu.memory_space<vmem>>, vector<1x16xf32>,
        %swap3A_504 = vector.shape_cast %swap3A_503 : vector<1x16xf32> to vector<16xf32>
        %swap3A_505 = vector.shape_cast %add3A_500 : vector<16xf32> to vector<1x16xf32>
        tpu.vector_store %arg14[%swap3A_501, %swap3A_502], %swap3A_505 {strides = array<i32>} : memref<128x128xf32, #tpu.memory_space<vmem>>, vector<1x16xf32>,
        %get3A_506 = arith.index_cast %add3A_477 : i32 to index
        %get3A_507 = arith.constant 32 : index
        %get3A_508 = tpu.vector_load %arg10[%get3A_506, %get3A_507] {strides = array<i32>} : memref<128x128xf32, #tpu.memory_space<vmem>>, vector<1x16xf32>,
        %get3A_509 = vector.shape_cast %get3A_508 : vector<1x16xf32> to vector<16xf32>
        %get3A_510 = arith.index_cast %add3A_477 : i32 to index
        %get3A_511 = arith.constant 32 : index
        %get3A_512 = tpu.vector_load %arg12[%get3A_510, %get3A_511] {strides = array<i32>} : memref<128x128xf32, #tpu.memory_space<vmem>>, vector<1x16xf32>,
        %get3A_513 = vector.shape_cast %get3A_512 : vector<1x16xf32> to vector<16xf32>
        %add3A_514 = arith.addf %get3A_509, %get3A_513 : vector<16xf32>
        %swap3A_515 = arith.index_cast %add3A_477 : i32 to index
        %swap3A_516 = arith.constant 32 : index
        %swap3A_517 = tpu.vector_load %arg14[%swap3A_515, %swap3A_516] {strides = array<i32>} : memref<128x128xf32, #tpu.memory_space<vmem>>, vector<1x16xf32>,
        %swap3A_518 = vector.shape_cast %swap3A_517 : vector<1x16xf32> to vector<16xf32>
        %swap3A_519 = vector.shape_cast %add3A_514 : vector<16xf32> to vector<1x16xf32>
        tpu.vector_store %arg14[%swap3A_515, %swap3A_516], %swap3A_519 {strides = array<i32>} : memref<128x128xf32, #tpu.memory_space<vmem>>, vector<1x16xf32>,
        %get3A_520 = arith.index_cast %add3A_477 : i32 to index
        %get3A_521 = arith.constant 48 : index
        %get3A_522 = tpu.vector_load %arg10[%get3A_520, %get3A_521] {strides = array<i32>} : memref<128x128xf32, #tpu.memory_space<vmem>>, vector<1x16xf32>,
        %get3A_523 = vector.shape_cast %get3A_522 : vector<1x16xf32> to vector<16xf32>
        %get3A_524 = arith.index_cast %add3A_477 : i32 to index
        %get3A_525 = arith.constant 48 : index
        %get3A_526 = tpu.vector_load %arg12[%get3A_524, %get3A_525] {strides = array<i32>} : memref<128x128xf32, #tpu.memory_space<vmem>>, vector<1x16xf32>,
        %get3A_527 = vector.shape_cast %get3A_526 : vector<1x16xf32> to vector<16xf32>
        %add3A_528 = arith.addf %get3A_523, %get3A_527 : vector<16xf32>
        %swap3A_529 = arith.index_cast %add3A_477 : i32 to index
        %swap3A_530 = arith.constant 48 : index
        %swap3A_531 = tpu.vector_load %arg14[%swap3A_529, %swap3A_530] {strides = array<i32>} : memref<128x128xf32, #tpu.memory_space<vmem>>, vector<1x16xf32>,
        %swap3A_532 = vector.shape_cast %swap3A_531 : vector<1x16xf32> to vector<16xf32>
        %swap3A_533 = vector.shape_cast %add3A_528 : vector<16xf32> to vector<1x16xf32>
        tpu.vector_store %arg14[%swap3A_529, %swap3A_530], %swap3A_533 {strides = array<i32>} : memref<128x128xf32, #tpu.memory_space<vmem>>, vector<1x16xf32>,
        %get3A_534 = arith.index_cast %add3A_477 : i32 to index
        %get3A_535 = arith.constant 64 : index
        %get3A_536 = tpu.vector_load %arg10[%get3A_534, %get3A_535] {strides = array<i32>} : memref<128x128xf32, #tpu.memory_space<vmem>>, vector<1x16xf32>,
        %get3A_537 = vector.shape_cast %get3A_536 : vector<1x16xf32> to vector<16xf32>
        %get3A_538 = arith.index_cast %add3A_477 : i32 to index
        %get3A_539 = arith.constant 64 : index
        %get3A_540 = tpu.vector_load %arg12[%get3A_538, %get3A_539] {strides = array<i32>} : memref<128x128xf32, #tpu.memory_space<vmem>>, vector<1x16xf32>,
        %get3A_541 = vector.shape_cast %get3A_540 : vector<1x16xf32> to vector<16xf32>
        %add3A_542 = arith.addf %get3A_537, %get3A_541 : vector<16xf32>
        %swap3A_543 = arith.index_cast %add3A_477 : i32 to index
        %swap3A_544 = arith.constant 64 : index
        %swap3A_545 = tpu.vector_load %arg14[%swap3A_543, %swap3A_544] {strides = array<i32>} : memref<128x128xf32, #tpu.memory_space<vmem>>, vector<1x16xf32>,
        %swap3A_546 = vector.shape_cast %swap3A_545 : vector<1x16xf32> to vector<16xf32>
        %swap3A_547 = vector.shape_cast %add3A_542 : vector<16xf32> to vector<1x16xf32>
        tpu.vector_store %arg14[%swap3A_543, %swap3A_544], %swap3A_547 {strides = array<i32>} : memref<128x128xf32, #tpu.memory_space<vmem>>, vector<1x16xf32>,
        %get3A_548 = arith.index_cast %add3A_477 : i32 to index
        %get3A_549 = arith.constant 80 : index
        %get3A_550 = tpu.vector_load %arg10[%get3A_548, %get3A_549] {strides = array<i32>} : memref<128x128xf32, #tpu.memory_space<vmem>>, vector<1x16xf32>,
        %get3A_551 = vector.shape_cast %get3A_550 : vector<1x16xf32> to vector<16xf32>
        %get3A_552 = arith.index_cast %add3A_477 : i32 to index
        %get3A_553 = arith.constant 80 : index
        %get3A_554 = tpu.vector_load %arg12[%get3A_552, %get3A_553] {strides = array<i32>} : memref<128x128xf32, #tpu.memory_space<vmem>>, vector<1x16xf32>,
        %get3A_555 = vector.shape_cast %get3A_554 : vector<1x16xf32> to vector<16xf32>
        %add3A_556 = arith.addf %get3A_551, %get3A_555 : vector<16xf32>
        %swap3A_557 = arith.index_cast %add3A_477 : i32 to index
        %swap3A_558 = arith.constant 80 : index
        %swap3A_559 = tpu.vector_load %arg14[%swap3A_557, %swap3A_558] {strides = array<i32>} : memref<128x128xf32, #tpu.memory_space<vmem>>, vector<1x16xf32>,
        %swap3A_560 = vector.shape_cast %swap3A_559 : vector<1x16xf32> to vector<16xf32>
        %swap3A_561 = vector.shape_cast %add3A_556 : vector<16xf32> to vector<1x16xf32>
        tpu.vector_store %arg14[%swap3A_557, %swap3A_558], %swap3A_561 {strides = array<i32>} : memref<128x128xf32, #tpu.memory_space<vmem>>, vector<1x16xf32>,
        %get3A_562 = arith.index_cast %add3A_477 : i32 to index
        %get3A_563 = arith.constant 96 : index
        %get3A_564 = tpu.vector_load %arg10[%get3A_562, %get3A_563] {strides = array<i32>} : memref<128x128xf32, #tpu.memory_space<vmem>>, vector<1x16xf32>,
        %get3A_565 = vector.shape_cast %get3A_564 : vector<1x16xf32> to vector<16xf32>
        %get3A_566 = arith.index_cast %add3A_477 : i32 to index
        %get3A_567 = arith.constant 96 : index
        %get3A_568 = tpu.vector_load %arg12[%get3A_566, %get3A_567] {strides = array<i32>} : memref<128x128xf32, #tpu.memory_space<vmem>>, vector<1x16xf32>,
        %get3A_569 = vector.shape_cast %get3A_568 : vector<1x16xf32> to vector<16xf32>
        %add3A_570 = arith.addf %get3A_565, %get3A_569 : vector<16xf32>
        %swap3A_571 = arith.index_cast %add3A_477 : i32 to index
        %swap3A_572 = arith.constant 96 : index
        %swap3A_573 = tpu.vector_load %arg14[%swap3A_571, %swap3A_572] {strides = array<i32>} : memref<128x128xf32, #tpu.memory_space<vmem>>, vector<1x16xf32>,
        %swap3A_574 = vector.shape_cast %swap3A_573 : vector<1x16xf32> to vector<16xf32>
        %swap3A_575 = vector.shape_cast %add3A_570 : vector<16xf32> to vector<1x16xf32>
        tpu.vector_store %arg14[%swap3A_571, %swap3A_572], %swap3A_575 {strides = array<i32>} : memref<128x128xf32, #tpu.memory_space<vmem>>, vector<1x16xf32>,
        %get3A_576 = arith.index_cast %add3A_477 : i32 to index
        %get3A_577 = arith.constant 112 : index
        %get3A_578 = tpu.vector_load %arg10[%get3A_576, %get3A_577] {strides = array<i32>} : memref<128x128xf32, #tpu.memory_space<vmem>>, vector<1x16xf32>,
        %get3A_579 = vector.shape_cast %get3A_578 : vector<1x16xf32> to vector<16xf32>
        %get3A_580 = arith.index_cast %add3A_477 : i32 to index
        %get3A_581 = arith.constant 112 : index
        %get3A_582 = tpu.vector_load %arg12[%get3A_580, %get3A_581] {strides = array<i32>} : memref<128x128xf32, #tpu.memory_space<vmem>>, vector<1x16xf32>,
        %get3A_583 = vector.shape_cast %get3A_582 : vector<1x16xf32> to vector<16xf32>
        %add3A_584 = arith.addf %get3A_579, %get3A_583 : vector<16xf32>
        %swap3A_585 = arith.index_cast %add3A_477 : i32 to index
        %swap3A_586 = arith.constant 112 : index
        %swap3A_587 = tpu.vector_load %arg14[%swap3A_585, %swap3A_586] {strides = array<i32>} : memref<128x128xf32, #tpu.memory_space<vmem>>, vector<1x16xf32>,
        %swap3A_588 = vector.shape_cast %swap3A_587 : vector<1x16xf32> to vector<16xf32>
        %swap3A_589 = vector.shape_cast %add3A_584 : vector<16xf32> to vector<1x16xf32>
        tpu.vector_store %arg14[%swap3A_585, %swap3A_586], %swap3A_589 {strides = array<i32>} : memref<128x128xf32, #tpu.memory_space<vmem>>, vector<1x16xf32>,
      }
      %scan3A_112 = arith.constant 32 : i32
      %mul3A_113 = arith.constant 128 : i32
      %mul3A_114 = arith.muli %add3A_89, %mul3A_113 : i32
      %add3A_115 = arith.addi %mul3A_4, %mul3A_114 : i32
      %dma_start3A_116 = arith.constant 0 : i32
      %dma_start3A_117 = tpu.memref_slice %arg6[%add3A_115, %dma_start3A_116] : memref<327680x128xf32, #tpu.memory_space<hbm>> -> memref<128x128xf32, #tpu.memory_space<hbm>>
      %dma_start3A_118 = arith.constant 0 : i32
      %dma_start3A_119 = tpu.memref_slice %arg6[%add3A_115, %dma_start3A_118] : memref<327680x128xf32, #tpu.memory_space<hbm>> -> memref<128x128xf32, #tpu.memory_space<hbm>>
      tpu.enqueue_dma source(%arg14 : memref<128x128xf32, #tpu.memory_space<vmem>>) target(%dma_start3A_119 : memref<128x128xf32, #tpu.memory_space<hbm>>) target_semaphore(%arg20 : memref<!tpu.dma_semaphore, #tpu.memory_space<semaphore_mem>>)
      %add3A_120 = arith.constant 2 : i32
      %add3A_121 = arith.addi %add3A_89, %add3A_120 : i32
      %lt3A_122 = arith.constant 80 : i32
      %lt3A_123 = arith.cmpi slt, %add3A_121, %lt3A_122 : i32
      %convert_element_type3A_124 = arith.extui %lt3A_123 : i1 to i32
      %cond3A_125 = arith.constant 0 : i32
      %cond3A_126 = arith.cmpi ne, %convert_element_type3A_124, %cond3A_125 : i32
      scf.if %cond3A_126 {
        %add3A_127 = arith.constant 2 : i32
        %add3A_128 = arith.addi %add3A_89, %add3A_127 : i32
        %dma_start3A_129 = arith.constant 0 : i32
        %dma_start3A_130 = tpu.memref_slice %arg7[%add3A_128, %dma_start3A_129] : memref<80x128xi32, #tpu.memory_space<vmem>> -> memref<1x128xi32, #tpu.memory_space<vmem>>
        %dma_start3A_131 = tpu.memref_squeeze %dma_start3A_130 : memref<1x128xi32, #tpu.memory_space<vmem>> -> memref<128xi32, #tpu.memory_space<vmem>>
        %dma_start3A_132 = arith.constant 0 : i32
        %dma_start3A_133 = arith.constant 0 : i32
        %dma_start3A_134 = tpu.memref_slice %arg2[%dma_start3A_132, %dma_start3A_133] : memref<10000x128xf32, #tpu.memory_space<hbm>> -> memref<10000x128xf32, #tpu.memory_space<hbm>>
        tpu.enqueue_indirect_dma source(%dma_start3A_134 : memref<10000x128xf32, #tpu.memory_space<hbm>>) target(%arg10 : memref<128x128xf32, #tpu.memory_space<vmem>>) offsets(%dma_start3A_131 : memref<128xi32, #tpu.memory_space<vmem>>) semaphore(%arg16 : memref<!tpu.dma_semaphore, #tpu.memory_space<semaphore_mem>>)
        %add3A_135 = arith.constant 2 : i32
        %add3A_136 = arith.addi %add3A_89, %add3A_135 : i32
        %dma_start3A_137 = arith.constant 0 : i32
        %dma_start3A_138 = tpu.memref_slice %arg8[%add3A_136, %dma_start3A_137] : memref<80x128xi32, #tpu.memory_space<vmem>> -> memref<1x128xi32, #tpu.memory_space<vmem>>
        %dma_start3A_139 = tpu.memref_squeeze %dma_start3A_138 : memref<1x128xi32, #tpu.memory_space<vmem>> -> memref<128xi32, #tpu.memory_space<vmem>>
        %dma_start3A_140 = arith.constant 0 : i32
        %dma_start3A_141 = arith.constant 0 : i32
        %dma_start3A_142 = tpu.memref_slice %arg3[%dma_start3A_140, %dma_start3A_141] : memref<10000x128xf32, #tpu.memory_space<hbm>> -> memref<10000x128xf32, #tpu.memory_space<hbm>>
        tpu.enqueue_indirect_dma source(%dma_start3A_142 : memref<10000x128xf32, #tpu.memory_space<hbm>>) target(%arg12 : memref<128x128xf32, #tpu.memory_space<vmem>>) offsets(%dma_start3A_139 : memref<128xi32, #tpu.memory_space<vmem>>) semaphore(%arg18 : memref<!tpu.dma_semaphore, #tpu.memory_space<semaphore_mem>>)
      } else {
      }
    }
    %scan3A_36 = arith.constant 40 : i32
    %dma_wait3A = arith.constant 0 : i32
    %dma_wait3A_37 = arith.constant 0 : i32
    %dma_wait3A_38 = tpu.memref_slice %arg6[%dma_wait3A, %dma_wait3A_37] : memref<327680x128xf32, #tpu.memory_space<hbm>> -> memref<128x128xf32, #tpu.memory_space<hbm>>
    %dma_wait3A_39 = arith.constant 0 : i32
    %dma_wait3A_40 = arith.constant 0 : i32
    %dma_wait3A_41 = tpu.memref_slice %arg6[%dma_wait3A_39, %dma_wait3A_40] : memref<327680x128xf32, #tpu.memory_space<hbm>> -> memref<128x128xf32, #tpu.memory_space<hbm>>
    tpu.wait_dma2 semaphore(%arg19 : memref<!tpu.dma_semaphore, #tpu.memory_space<semaphore_mem>>) src(%arg13 : memref<128x128xf32, #tpu.memory_space<vmem>>) dst(%dma_wait3A_41 : memref<128x128xf32, #tpu.memory_space<hbm>>)
    %dma_wait3A_42 = arith.constant 0 : i32
    %dma_wait3A_43 = arith.constant 0 : i32
    %dma_wait3A_44 = tpu.memref_slice %arg6[%dma_wait3A_42, %dma_wait3A_43] : memref<327680x128xf32, #tpu.memory_space<hbm>> -> memref<128x128xf32, #tpu.memory_space<hbm>>
    %dma_wait3A_45 = arith.constant 0 : i32
    %dma_wait3A_46 = arith.constant 0 : i32
    %dma_wait3A_47 = tpu.memref_slice %arg6[%dma_wait3A_45, %dma_wait3A_46] : memref<327680x128xf32, #tpu.memory_space<hbm>> -> memref<128x128xf32, #tpu.memory_space<hbm>>
    tpu.wait_dma2 semaphore(%arg20 : memref<!tpu.dma_semaphore, #tpu.memory_space<semaphore_mem>>) src(%arg14 : memref<128x128xf32, #tpu.memory_space<vmem>>) dst(%dma_wait3A_47 : memref<128x128xf32, #tpu.memory_space<hbm>>)
    return
  }
}

#map = affine_map<(d0, d1) -> (0, 0)>
#map1 = affine_map<(d0, d1) -> (0, 0, 0)>
module attributes {stable_mosaic.version = 14 : i64} {
  func.func @k(%arg0: i32, %arg1: i32, %arg2: memref<327680x8xf32, #tpu.memory_space<hbm>>, %arg3: memref<2560x128xi32, #tpu.memory_space<hbm>>, %arg4: memref<2x10016x8xf32, #tpu.memory_space<hbm>>, %arg5: memref<2x10016x8xf32, #tpu.memory_space<hbm>>, %arg6: memref<10240x8xf32, #tpu.memory_space<vmem>>, %arg7: memref<80x128xi32, #tpu.memory_space<vmem>>, %arg8: memref<10016x8xf32, #tpu.memory_space<vmem_shared>>) attributes {dimension_semantics = [#tpu.dimension_semantics<core_parallel>, #tpu.dimension_semantics<subcore_parallel>], iteration_bounds = array<i64: 2, 16>, scalar_prefetch = 0 : i64, scratch_operands = 3 : i64, tpu.core_type = #tpu.core_type<sc_vector_subcore>, window_params = [{transform_indices = #map}, {transform_indices = #map}, {transform_indices = #map1}, {transform_indices = #map1}]} {
    %mul3A = arith.constant 16 : i32
    %mul3A_0 = arith.muli %arg0, %mul3A : i32
    %add3A = arith.addi %mul3A_0, %arg1 : i32
    %mul3A_1 = arith.constant 80 : i32
    %mul3A_2 = arith.muli %add3A, %mul3A_1 : i32
    %eq3A = arith.constant 0 : i32
    %eq3A_3 = arith.cmpi eq, %arg1, %eq3A : i32
    %convert_element_type3A = arith.extui %eq3A_3 : i1 to i32
    %cond3A = arith.constant 0 : i32
    %cond3A_4 = arith.cmpi ne, %convert_element_type3A, %cond3A : i32
    scf.if %cond3A_4 {
      "tpu.region"() ({
        %run_scoped3A = tpu.sem_alloc : memref<!tpu.dma_semaphore, #tpu.memory_space<semaphore_mem>>
        %dma_start3A = arith.constant 0 : i32
        %dma_start3A_18 = arith.constant 0 : i32
        %dma_start3A_19 = tpu.memref_slice %arg4[%arg0, %dma_start3A, %dma_start3A_18] : memref<2x10016x8xf32, #tpu.memory_space<hbm>> -> memref<1x10016x8xf32, #tpu.memory_space<hbm>>
        %dma_start3A_20 = tpu.memref_squeeze %dma_start3A_19 : memref<1x10016x8xf32, #tpu.memory_space<hbm>> -> memref<10016x8xf32, #tpu.memory_space<hbm>>
        tpu.enqueue_dma source(%dma_start3A_20 : memref<10016x8xf32, #tpu.memory_space<hbm>>) target(%arg8 : memref<10016x8xf32, #tpu.memory_space<vmem_shared>>) target_semaphore(%run_scoped3A : memref<!tpu.dma_semaphore, #tpu.memory_space<semaphore_mem>>)
        %dma_wait3A = arith.constant 0 : i32
        %dma_wait3A_21 = arith.constant 0 : i32
        %dma_wait3A_22 = tpu.memref_slice %arg4[%arg0, %dma_wait3A, %dma_wait3A_21] : memref<2x10016x8xf32, #tpu.memory_space<hbm>> -> memref<1x10016x8xf32, #tpu.memory_space<hbm>>
        %dma_wait3A_23 = tpu.memref_squeeze %dma_wait3A_22 : memref<1x10016x8xf32, #tpu.memory_space<hbm>> -> memref<10016x8xf32, #tpu.memory_space<hbm>>
        tpu.wait_dma2 semaphore(%run_scoped3A : memref<!tpu.dma_semaphore, #tpu.memory_space<semaphore_mem>>) src(%dma_wait3A_23 : memref<10016x8xf32, #tpu.memory_space<hbm>>) dst(%arg8 : memref<10016x8xf32, #tpu.memory_space<vmem_shared>>)
        tpu.yield
      }) : () -> ()
    } else {
    }
    %mul3A_5 = arith.constant 128 : i32
    %mul3A_6 = arith.muli %mul3A_2, %mul3A_5 : i32
    "tpu.region"() ({
      %run_scoped3A = tpu.sem_alloc : memref<!tpu.dma_semaphore, #tpu.memory_space<semaphore_mem>>
      %dma_start3A = arith.constant 0 : i32
      %dma_start3A_18 = tpu.memref_slice %arg2[%mul3A_6, %dma_start3A] : memref<327680x8xf32, #tpu.memory_space<hbm>> -> memref<10240x8xf32, #tpu.memory_space<hbm>>
      %dma_start3A_19 = arith.constant 0 : i32
      %dma_start3A_20 = tpu.memref_slice %arg2[%mul3A_6, %dma_start3A_19] : memref<327680x8xf32, #tpu.memory_space<hbm>> -> memref<10240x8xf32, #tpu.memory_space<hbm>>
      tpu.enqueue_dma source(%dma_start3A_20 : memref<10240x8xf32, #tpu.memory_space<hbm>>) target(%arg6 : memref<10240x8xf32, #tpu.memory_space<vmem>>) target_semaphore(%run_scoped3A : memref<!tpu.dma_semaphore, #tpu.memory_space<semaphore_mem>>)
      %dma_wait3A = arith.constant 0 : i32
      %dma_wait3A_21 = tpu.memref_slice %arg2[%mul3A_6, %dma_wait3A] : memref<327680x8xf32, #tpu.memory_space<hbm>> -> memref<10240x8xf32, #tpu.memory_space<hbm>>
      %dma_wait3A_22 = arith.constant 0 : i32
      %dma_wait3A_23 = tpu.memref_slice %arg2[%mul3A_6, %dma_wait3A_22] : memref<327680x8xf32, #tpu.memory_space<hbm>> -> memref<10240x8xf32, #tpu.memory_space<hbm>>
      tpu.wait_dma2 semaphore(%run_scoped3A : memref<!tpu.dma_semaphore, #tpu.memory_space<semaphore_mem>>) src(%dma_wait3A_23 : memref<10240x8xf32, #tpu.memory_space<hbm>>) dst(%arg6 : memref<10240x8xf32, #tpu.memory_space<vmem>>)
      tpu.yield
    }) : () -> ()
    "tpu.region"() ({
      %run_scoped3A = tpu.sem_alloc : memref<!tpu.dma_semaphore, #tpu.memory_space<semaphore_mem>>
      %dma_start3A = arith.constant 0 : i32
      %dma_start3A_18 = tpu.memref_slice %arg3[%mul3A_2, %dma_start3A] : memref<2560x128xi32, #tpu.memory_space<hbm>> -> memref<80x128xi32, #tpu.memory_space<hbm>>
      %dma_start3A_19 = arith.constant 0 : i32
      %dma_start3A_20 = tpu.memref_slice %arg3[%mul3A_2, %dma_start3A_19] : memref<2560x128xi32, #tpu.memory_space<hbm>> -> memref<80x128xi32, #tpu.memory_space<hbm>>
      tpu.enqueue_dma source(%dma_start3A_20 : memref<80x128xi32, #tpu.memory_space<hbm>>) target(%arg7 : memref<80x128xi32, #tpu.memory_space<vmem>>) target_semaphore(%run_scoped3A : memref<!tpu.dma_semaphore, #tpu.memory_space<semaphore_mem>>)
      %dma_wait3A = arith.constant 0 : i32
      %dma_wait3A_21 = tpu.memref_slice %arg3[%mul3A_2, %dma_wait3A] : memref<2560x128xi32, #tpu.memory_space<hbm>> -> memref<80x128xi32, #tpu.memory_space<hbm>>
      %dma_wait3A_22 = arith.constant 0 : i32
      %dma_wait3A_23 = tpu.memref_slice %arg3[%mul3A_2, %dma_wait3A_22] : memref<2560x128xi32, #tpu.memory_space<hbm>> -> memref<80x128xi32, #tpu.memory_space<hbm>>
      tpu.wait_dma2 semaphore(%run_scoped3A : memref<!tpu.dma_semaphore, #tpu.memory_space<semaphore_mem>>) src(%dma_wait3A_23 : memref<80x128xi32, #tpu.memory_space<hbm>>) dst(%arg7 : memref<80x128xi32, #tpu.memory_space<vmem>>)
      tpu.yield
    }) : () -> ()
    %barrier3A = arith.constant 0 : index
    tpu.barrier barrier_id(%barrier3A)
    %scan3A = arith.constant 0 : i32
    %scan3A_7 = arith.constant 0 : i32
    %scan3A_8 = arith.constant 80 : i32
    %scan3A_9 = arith.addi %scan3A_7, %scan3A_8 : i32
    %scan3A_10 = arith.constant 1 : i32
    scf.for %scan3A_18 = %scan3A_7 to %scan3A_9 step %scan3A_10  : i32 {
      %mul3A_19 = arith.constant 128 : i32
      %mul3A_20 = arith.muli %scan3A_18, %mul3A_19 : i32
      "tpu.region"() ({
        %run_scoped3A = tpu.sem_alloc : memref<!tpu.dma_semaphore, #tpu.memory_space<semaphore_mem>>
        %dma_start3A = arith.constant 0 : i32
        %dma_start3A_21 = tpu.memref_slice %arg6[%mul3A_20, %dma_start3A] : memref<10240x8xf32, #tpu.memory_space<vmem>> -> memref<128x8xf32, #tpu.memory_space<vmem>>
        %dma_start3A_22 = arith.constant 0 : i32
        %dma_start3A_23 = tpu.memref_slice %arg7[%scan3A_18, %dma_start3A_22] : memref<80x128xi32, #tpu.memory_space<vmem>> -> memref<1x128xi32, #tpu.memory_space<vmem>>
        %dma_start3A_24 = tpu.memref_squeeze %dma_start3A_23 : memref<1x128xi32, #tpu.memory_space<vmem>> -> memref<128xi32, #tpu.memory_space<vmem>>
        %dma_start3A_25 = arith.constant 0 : i32
        %dma_start3A_26 = arith.constant 0 : i32
        %dma_start3A_27 = tpu.memref_slice %arg8[%dma_start3A_25, %dma_start3A_26] : memref<10016x8xf32, #tpu.memory_space<vmem_shared>> -> memref<10016x8xf32, #tpu.memory_space<vmem_shared>>
        tpu.enqueue_indirect_dma source(%dma_start3A_21 : memref<128x8xf32, #tpu.memory_space<vmem>>) target(%dma_start3A_27 : memref<10016x8xf32, #tpu.memory_space<vmem_shared>>) offsets(%dma_start3A_24 : memref<128xi32, #tpu.memory_space<vmem>>) semaphore(%run_scoped3A : memref<!tpu.dma_semaphore, #tpu.memory_space<semaphore_mem>>) {add = true}
        %dma_wait3A = arith.constant 0 : i32
        %dma_wait3A_28 = tpu.memref_slice %arg6[%mul3A_20, %dma_wait3A] : memref<10240x8xf32, #tpu.memory_space<vmem>> -> memref<128x8xf32, #tpu.memory_space<vmem>>
        %dma_wait3A_29 = arith.constant 0 : i32
        %dma_wait3A_30 = tpu.memref_slice %arg7[%scan3A_18, %dma_wait3A_29] : memref<80x128xi32, #tpu.memory_space<vmem>> -> memref<1x128xi32, #tpu.memory_space<vmem>>
        %dma_wait3A_31 = tpu.memref_squeeze %dma_wait3A_30 : memref<1x128xi32, #tpu.memory_space<vmem>> -> memref<128xi32, #tpu.memory_space<vmem>>
        %dma_wait3A_32 = arith.constant 0 : i32
        %dma_wait3A_33 = arith.constant 0 : i32
        %dma_wait3A_34 = tpu.memref_slice %arg8[%dma_wait3A_32, %dma_wait3A_33] : memref<10016x8xf32, #tpu.memory_space<vmem_shared>> -> memref<10016x8xf32, #tpu.memory_space<vmem_shared>>
        tpu.wait_indirect_dma semaphore(%run_scoped3A : memref<!tpu.dma_semaphore, #tpu.memory_space<semaphore_mem>>) src(%dma_wait3A_28 : memref<128x8xf32, #tpu.memory_space<vmem>>) dst(%dma_wait3A_34 : memref<10016x8xf32, #tpu.memory_space<vmem_shared>>)
        tpu.yield
      }) : () -> ()
    }
    %scan3A_11 = arith.constant 80 : i32
    %barrier3A_12 = arith.constant 0 : index
    tpu.barrier barrier_id(%barrier3A_12)
    %eq3A_13 = arith.constant 0 : i32
    %eq3A_14 = arith.cmpi eq, %arg1, %eq3A_13 : i32
    %convert_element_type3A_15 = arith.extui %eq3A_14 : i1 to i32
    %cond3A_16 = arith.constant 0 : i32
    %cond3A_17 = arith.cmpi ne, %convert_element_type3A_15, %cond3A_16 : i32
    scf.if %cond3A_17 {
      "tpu.region"() ({
        %run_scoped3A = tpu.sem_alloc : memref<!tpu.dma_semaphore, #tpu.memory_space<semaphore_mem>>
        %dma_start3A = arith.constant 0 : i32
        %dma_start3A_18 = arith.constant 0 : i32
        %dma_start3A_19 = tpu.memref_slice %arg5[%arg0, %dma_start3A, %dma_start3A_18] : memref<2x10016x8xf32, #tpu.memory_space<hbm>> -> memref<1x10016x8xf32, #tpu.memory_space<hbm>>
        %dma_start3A_20 = tpu.memref_squeeze %dma_start3A_19 : memref<1x10016x8xf32, #tpu.memory_space<hbm>> -> memref<10016x8xf32, #tpu.memory_space<hbm>>
        tpu.enqueue_dma source(%arg8 : memref<10016x8xf32, #tpu.memory_space<vmem_shared>>) target(%dma_start3A_20 : memref<10016x8xf32, #tpu.memory_space<hbm>>) target_semaphore(%run_scoped3A : memref<!tpu.dma_semaphore, #tpu.memory_space<semaphore_mem>>)
        %dma_wait3A = arith.constant 0 : i32
        %dma_wait3A_21 = arith.constant 0 : i32
        %dma_wait3A_22 = tpu.memref_slice %arg5[%arg0, %dma_wait3A, %dma_wait3A_21] : memref<2x10016x8xf32, #tpu.memory_space<hbm>> -> memref<1x10016x8xf32, #tpu.memory_space<hbm>>
        %dma_wait3A_23 = tpu.memref_squeeze %dma_wait3A_22 : memref<1x10016x8xf32, #tpu.memory_space<hbm>> -> memref<10016x8xf32, #tpu.memory_space<hbm>>
        tpu.wait_dma2 semaphore(%run_scoped3A : memref<!tpu.dma_semaphore, #tpu.memory_space<semaphore_mem>>) src(%arg8 : memref<10016x8xf32, #tpu.memory_space<vmem_shared>>) dst(%dma_wait3A_23 : memref<10016x8xf32, #tpu.memory_space<hbm>>)
        tpu.yield
      }) : () -> ()
    } else {
    }
    return
  }
}

module attributes {stable_mosaic.version = 14 : i64} {
  func.func @body(%arg0: memref<10000x128xf32, #tpu.memory_space<vmem>>, %arg1: memref<128x128xf32, #tpu.memory_space<vmem>>, %arg2: memref<128x128xf32, #tpu.memory_space<vmem>>, %arg3: memref<1x128xf32, #tpu.memory_space<vmem>>, %arg4: memref<10000x128xf32, #tpu.memory_space<vmem>>, %arg5: memref<10000x128xf32, #tpu.memory_space<vmem>>) attributes {dimension_semantics = [], scalar_prefetch = 0 : i64, scratch_operands = 0 : i64, tpu.core_type = #tpu.core_type<tc>} {
    %get3A = arith.constant 0 : index
    %get3A_0 = arith.constant 0 : index
    %get3A_1 = vector.load %arg0[%get3A, %get3A_0] : memref<10000x128xf32, #tpu.memory_space<vmem>>, vector<10000x128xf32>
    %get3A_2 = arith.constant 0 : index
    %get3A_3 = arith.constant 0 : index
    %get3A_4 = vector.load %arg1[%get3A_2, %get3A_3] : memref<128x128xf32, #tpu.memory_space<vmem>>, vector<128x128xf32>
    %dot_general3A = arith.constant dense<0.000000e+00> : vector<10000x128xf32>
    %dot_general3A_5 = tpu.matmul %get3A_1, %get3A_4, %dot_general3A {dimension_numbers = #tpu.dot_dimension_numbers<[1], [0], [0], [1], [0, 0, 1, 1], [], []>, transpose_lhs_hint = false} : vector<10000x128xf32>, vector<128x128xf32>, vector<10000x128xf32> -> vector<10000x128xf32>
    %get3A_6 = arith.constant 0 : index
    %get3A_7 = arith.constant 0 : index
    %get3A_8 = vector.load %arg3[%get3A_6, %get3A_7] : memref<1x128xf32, #tpu.memory_space<vmem>>, vector<1x128xf32>
    %add3A = vector.broadcast %get3A_8 : vector<1x128xf32> to vector<10000x128xf32>
    %add3A_9 = arith.addf %dot_general3A_5, %add3A : vector<10000x128xf32>
    %swap3A = arith.constant 0 : index
    %swap3A_10 = arith.constant 0 : index
    %swap3A_11 = vector.load %arg4[%swap3A, %swap3A_10] : memref<10000x128xf32, #tpu.memory_space<vmem>>, vector<10000x128xf32>
    tpu.vector_store %arg4[%swap3A, %swap3A_10], %add3A_9 {strides = array<i32>} : memref<10000x128xf32, #tpu.memory_space<vmem>>, vector<10000x128xf32>,
    %get3A_12 = arith.constant 0 : index
    %get3A_13 = arith.constant 0 : index
    %get3A_14 = vector.load %arg2[%get3A_12, %get3A_13] : memref<128x128xf32, #tpu.memory_space<vmem>>, vector<128x128xf32>
    %dot_general3A_15 = arith.constant dense<0.000000e+00> : vector<10000x128xf32>
    %dot_general3A_16 = tpu.matmul %get3A_1, %get3A_14, %dot_general3A_15 {dimension_numbers = #tpu.dot_dimension_numbers<[1], [0], [0], [1], [0, 0, 1, 1], [], []>, transpose_lhs_hint = false} : vector<10000x128xf32>, vector<128x128xf32>, vector<10000x128xf32> -> vector<10000x128xf32>
    %swap3A_17 = arith.constant 0 : index
    %swap3A_18 = arith.constant 0 : index
    %swap3A_19 = vector.load %arg5[%swap3A_17, %swap3A_18] : memref<10000x128xf32, #tpu.memory_space<vmem>>, vector<10000x128xf32>
    tpu.vector_store %arg5[%swap3A_17, %swap3A_18], %dot_general3A_16 {strides = array<i32>} : memref<10000x128xf32, #tpu.memory_space<vmem>>, vector<10000x128xf32>,
    return
  }
}

module attributes {stable_mosaic.version = 14 : i64} {
  func.func @body(%arg0: i32, %arg1: memref<2560x128xf32, #tpu.memory_space<vmem>>, %arg2: memref<2560x1xf32, #tpu.memory_space<vmem>>, %arg3: memref<2560x3xf32, #tpu.memory_space<vmem>>, %arg4: memref<2560x3xf32, #tpu.memory_space<vmem>>, %arg5: memref<2560x3xf32, #tpu.memory_space<vmem>>, %arg6: memref<1x128xf32, #tpu.memory_space<vmem>>, %arg7: memref<1x128xf32, #tpu.memory_space<vmem>>, %arg8: memref<1x128xf32, #tpu.memory_space<vmem>>, %arg9: memref<128x128xf32, #tpu.memory_space<vmem>>, %arg10: memref<1x128xf32, #tpu.memory_space<vmem>>, %arg11: memref<128x384xf32, #tpu.memory_space<vmem>>, %arg12: memref<1x384xf32, #tpu.memory_space<vmem>>, %arg13: memref<384x8xf32, #tpu.memory_space<vmem>>, %arg14: memref<1x8xf32, #tpu.memory_space<vmem>>, %arg15: memref<2560x8xf32, #tpu.memory_space<vmem>>) attributes {dimension_semantics = [#tpu.dimension_semantics<arbitrary>], iteration_bounds = array<i64: 128>, scalar_prefetch = 0 : i64, scratch_operands = 0 : i64, tpu.core_type = #tpu.core_type<tc>, window_params = [{transform_indices = @transform_0, window_bounds = array<i64: 2560, 128>}, {transform_indices = @transform_1, window_bounds = array<i64: 2560, 1>}, {transform_indices = @transform_2, window_bounds = array<i64: 2560, 3>}, {transform_indices = @transform_3, window_bounds = array<i64: 2560, 3>}, {transform_indices = @transform_4, window_bounds = array<i64: 2560, 3>}, {pipeline_mode = #tpu.pipeline_mode<synchronous>, transform_indices = @transform_5, window_bounds = array<i64: 1, 128>}, {pipeline_mode = #tpu.pipeline_mode<synchronous>, transform_indices = @transform_6, window_bounds = array<i64: 1, 128>}, {pipeline_mode = #tpu.pipeline_mode<synchronous>, transform_indices = @transform_7, window_bounds = array<i64: 1, 128>}, {pipeline_mode = #tpu.pipeline_mode<synchronous>, transform_indices = @transform_8, window_bounds = array<i64: 128, 128>}, {pipeline_mode = #tpu.pipeline_mode<synchronous>, transform_indices = @transform_9, window_bounds = array<i64: 1, 128>}, {pipeline_mode = #tpu.pipeline_mode<synchronous>, transform_indices = @transform_10, window_bounds = array<i64: 128, 384>}, {pipeline_mode = #tpu.pipeline_mode<synchronous>, transform_indices = @transform_11, window_bounds = array<i64: 1, 384>}, {pipeline_mode = #tpu.pipeline_mode<synchronous>, transform_indices = @transform_12, window_bounds = array<i64: 384, 8>}, {pipeline_mode = #tpu.pipeline_mode<synchronous>, transform_indices = @transform_13, window_bounds = array<i64: 1, 8>}, {transform_indices = @transform_14, window_bounds = array<i64: 2560, 8>}]} {
    %get3A = arith.constant 0 : index
    %get3A_0 = arith.constant 0 : index
    %get3A_1 = vector.load %arg1[%get3A, %get3A_0] : memref<2560x128xf32, #tpu.memory_space<vmem>>, vector<2560x128xf32>
    %get3A_2 = arith.constant 0 : index
    %get3A_3 = arith.constant 0 : index
    %get3A_4 = vector.load %arg2[%get3A_2, %get3A_3] : memref<2560x1xf32, #tpu.memory_space<vmem>>, vector<2560x1xf32>
    %get3A_5 = arith.constant 0 : index
    %get3A_6 = arith.constant 0 : index
    %get3A_7 = vector.load %arg6[%get3A_5, %get3A_6] : memref<1x128xf32, #tpu.memory_space<vmem>>, vector<1x128xf32>
    %mul3A = vector.broadcast %get3A_4 : vector<2560x1xf32> to vector<2560x128xf32>
    %mul3A_8 = vector.broadcast %get3A_7 : vector<1x128xf32> to vector<2560x128xf32>
    %mul3A_9 = arith.mulf %mul3A, %mul3A_8 : vector<2560x128xf32>
    %add3A = arith.addf %get3A_1, %mul3A_9 : vector<2560x128xf32>
    %logistic3A = arith.negf %add3A : vector<2560x128xf32>
    %logistic3A_10 = math.exp %logistic3A : vector<2560x128xf32>
    %logistic3A_11 = arith.constant 1.000000e+00 : f32
    %logistic3A_12 = vector.broadcast %logistic3A_11 : f32 to vector<2560x128xf32>
    %logistic3A_13 = arith.addf %logistic3A_12, %logistic3A_10 : vector<2560x128xf32>
    %logistic3A_14 = arith.divf %logistic3A_12, %logistic3A_13 : vector<2560x128xf32>
    %mul3A_15 = arith.mulf %add3A, %logistic3A_14 : vector<2560x128xf32>
    %broadcast_in_dim3A = arith.constant 7.812500e-03 : f32
    %broadcast_in_dim3A_16 = vector.broadcast %broadcast_in_dim3A : f32 to vector<128x1xf32>
    %dot_general3A = arith.constant dense<0.000000e+00> : vector<2560x1xf32>
    %dot_general3A_17 = tpu.matmul %mul3A_15, %broadcast_in_dim3A_16, %dot_general3A {dimension_numbers = #tpu.dot_dimension_numbers<[1], [0], [0], [1], [0, 0, 1, 1], [], []>, transpose_lhs_hint = false} : vector<2560x128xf32>, vector<128x1xf32>, vector<2560x1xf32> -> vector<2560x1xf32>
    %mul3A_18 = arith.mulf %mul3A_15, %mul3A_15 : vector<2560x128xf32>
    %dot_general3A_19 = arith.constant dense<0.000000e+00> : vector<2560x1xf32>
    %dot_general3A_20 = tpu.matmul %mul3A_18, %broadcast_in_dim3A_16, %dot_general3A_19 {dimension_numbers = #tpu.dot_dimension_numbers<[1], [0], [0], [1], [0, 0, 1, 1], [], []>, transpose_lhs_hint = false} : vector<2560x128xf32>, vector<128x1xf32>, vector<2560x1xf32> -> vector<2560x1xf32>
    %mul3A_21 = arith.mulf %dot_general3A_17, %dot_general3A_17 : vector<2560x1xf32>
    %sub3A = arith.subf %dot_general3A_20, %mul3A_21 : vector<2560x1xf32>
    %sub3A_22 = vector.broadcast %dot_general3A_17 : vector<2560x1xf32> to vector<2560x128xf32>
    %sub3A_23 = arith.subf %mul3A_15, %sub3A_22 : vector<2560x128xf32>
    %add3A_24 = arith.constant 9.99999974E-6 : f32
    %add3A_25 = vector.broadcast %add3A_24 : f32 to vector<2560x1xf32>
    %add3A_26 = arith.addf %sub3A, %add3A_25 : vector<2560x1xf32>
    %rsqrt3A = math.rsqrt %add3A_26 : vector<2560x1xf32>
    %mul3A_27 = vector.broadcast %rsqrt3A : vector<2560x1xf32> to vector<2560x128xf32>
    %mul3A_28 = arith.mulf %sub3A_23, %mul3A_27 : vector<2560x128xf32>
    %get3A_29 = arith.constant 0 : index
    %get3A_30 = arith.constant 0 : index
    %get3A_31 = vector.load %arg7[%get3A_29, %get3A_30] : memref<1x128xf32, #tpu.memory_space<vmem>>, vector<1x128xf32>
    %mul3A_32 = vector.broadcast %get3A_31 : vector<1x128xf32> to vector<2560x128xf32>
    %mul3A_33 = arith.mulf %mul3A_28, %mul3A_32 : vector<2560x128xf32>
    %get3A_34 = arith.constant 0 : index
    %get3A_35 = arith.constant 0 : index
    %get3A_36 = vector.load %arg8[%get3A_34, %get3A_35] : memref<1x128xf32, #tpu.memory_space<vmem>>, vector<1x128xf32>
    %add3A_37 = vector.broadcast %get3A_36 : vector<1x128xf32> to vector<2560x128xf32>
    %add3A_38 = arith.addf %mul3A_33, %add3A_37 : vector<2560x128xf32>
    %get3A_39 = arith.constant 0 : index
    %get3A_40 = arith.constant 0 : index
    %get3A_41 = vector.load %arg9[%get3A_39, %get3A_40] : memref<128x128xf32, #tpu.memory_space<vmem>>, vector<128x128xf32>
    %dot_general3A_42 = arith.constant dense<0.000000e+00> : vector<2560x128xf32>
    %dot_general3A_43 = tpu.matmul %add3A_38, %get3A_41, %dot_general3A_42 {dimension_numbers = #tpu.dot_dimension_numbers<[1], [0], [0], [1], [0, 0, 1, 1], [], []>, transpose_lhs_hint = false} : vector<2560x128xf32>, vector<128x128xf32>, vector<2560x128xf32> -> vector<2560x128xf32>
    %get3A_44 = arith.constant 0 : index
    %get3A_45 = arith.constant 0 : index
    %get3A_46 = vector.load %arg10[%get3A_44, %get3A_45] : memref<1x128xf32, #tpu.memory_space<vmem>>, vector<1x128xf32>
    %add3A_47 = vector.broadcast %get3A_46 : vector<1x128xf32> to vector<2560x128xf32>
    %add3A_48 = arith.addf %dot_general3A_43, %add3A_47 : vector<2560x128xf32>
    %logistic3A_49 = arith.negf %add3A_48 : vector<2560x128xf32>
    %logistic3A_50 = math.exp %logistic3A_49 : vector<2560x128xf32>
    %logistic3A_51 = arith.constant 1.000000e+00 : f32
    %logistic3A_52 = vector.broadcast %logistic3A_51 : f32 to vector<2560x128xf32>
    %logistic3A_53 = arith.addf %logistic3A_52, %logistic3A_50 : vector<2560x128xf32>
    %logistic3A_54 = arith.divf %logistic3A_52, %logistic3A_53 : vector<2560x128xf32>
    %mul3A_55 = arith.mulf %add3A_48, %logistic3A_54 : vector<2560x128xf32>
    %get3A_56 = arith.constant 0 : index
    %get3A_57 = arith.constant 0 : index
    %get3A_58 = vector.load %arg11[%get3A_56, %get3A_57] : memref<128x384xf32, #tpu.memory_space<vmem>>, vector<128x384xf32>
    %dot_general3A_59 = arith.constant dense<0.000000e+00> : vector<2560x384xf32>
    %dot_general3A_60 = tpu.matmul %mul3A_55, %get3A_58, %dot_general3A_59 {dimension_numbers = #tpu.dot_dimension_numbers<[1], [0], [0], [1], [0, 0, 1, 1], [], []>, transpose_lhs_hint = false} : vector<2560x128xf32>, vector<128x384xf32>, vector<2560x384xf32> -> vector<2560x384xf32>
    %get3A_61 = arith.constant 0 : index
    %get3A_62 = arith.constant 0 : index
    %get3A_63 = vector.load %arg12[%get3A_61, %get3A_62] : memref<1x384xf32, #tpu.memory_space<vmem>>, vector<1x384xf32>
    %add3A_64 = vector.broadcast %get3A_63 : vector<1x384xf32> to vector<2560x384xf32>
    %add3A_65 = arith.addf %dot_general3A_60, %add3A_64 : vector<2560x384xf32>
    %logistic3A_66 = arith.negf %add3A_65 : vector<2560x384xf32>
    %logistic3A_67 = math.exp %logistic3A_66 : vector<2560x384xf32>
    %logistic3A_68 = arith.constant 1.000000e+00 : f32
    %logistic3A_69 = vector.broadcast %logistic3A_68 : f32 to vector<2560x384xf32>
    %logistic3A_70 = arith.addf %logistic3A_69, %logistic3A_67 : vector<2560x384xf32>
    %logistic3A_71 = arith.divf %logistic3A_69, %logistic3A_70 : vector<2560x384xf32>
    %mul3A_72 = arith.mulf %add3A_65, %logistic3A_71 : vector<2560x384xf32>
    %get3A_73 = arith.constant 0 : index
    %get3A_74 = arith.constant 0 : index
    %get3A_75 = vector.load %arg13[%get3A_73, %get3A_74] : memref<384x8xf32, #tpu.memory_space<vmem>>, vector<384x8xf32>
    %dot_general3A_76 = arith.constant dense<0.000000e+00> : vector<2560x8xf32>
    %dot_general3A_77 = tpu.matmul %mul3A_72, %get3A_75, %dot_general3A_76 {dimension_numbers = #tpu.dot_dimension_numbers<[1], [0], [0], [1], [0, 0, 1, 1], [], []>, transpose_lhs_hint = false} : vector<2560x384xf32>, vector<384x8xf32>, vector<2560x8xf32> -> vector<2560x8xf32>
    %get3A_78 = arith.constant 0 : index
    %get3A_79 = arith.constant 0 : index
    %get3A_80 = vector.load %arg14[%get3A_78, %get3A_79] : memref<1x8xf32, #tpu.memory_space<vmem>>, vector<1x8xf32>
    %add3A_81 = vector.broadcast %get3A_80 : vector<1x8xf32> to vector<2560x8xf32>
    %add3A_82 = arith.addf %dot_general3A_77, %add3A_81 : vector<2560x8xf32>
    %get3A_83 = arith.constant 0 : index
    %get3A_84 = arith.constant 0 : index
    %get3A_85 = vector.load %arg3[%get3A_83, %get3A_84] : memref<2560x3xf32, #tpu.memory_space<vmem>>, vector<2560x3xf32>
    %slice3A = vector.extract_strided_slice %add3A_82 {offsets = [0, 0], sizes = [2560, 1], strides = [1, 1]} : vector<2560x8xf32> to vector<2560x1xf32>
    %mul3A_86 = vector.broadcast %slice3A : vector<2560x1xf32> to vector<2560x3xf32>
    %mul3A_87 = arith.mulf %get3A_85, %mul3A_86 : vector<2560x3xf32>
    %get3A_88 = arith.constant 0 : index
    %get3A_89 = arith.constant 0 : index
    %get3A_90 = vector.load %arg4[%get3A_88, %get3A_89] : memref<2560x3xf32, #tpu.memory_space<vmem>>, vector<2560x3xf32>
    %slice3A_91 = vector.extract_strided_slice %add3A_82 {offsets = [0, 1], sizes = [2560, 1], strides = [1, 1]} : vector<2560x8xf32> to vector<2560x1xf32>
    %mul3A_92 = vector.broadcast %slice3A_91 : vector<2560x1xf32> to vector<2560x3xf32>
    %mul3A_93 = arith.mulf %get3A_90, %mul3A_92 : vector<2560x3xf32>
    %add3A_94 = arith.addf %mul3A_87, %mul3A_93 : vector<2560x3xf32>
    %get3A_95 = arith.constant 0 : index
    %get3A_96 = arith.constant 0 : index
    %get3A_97 = vector.load %arg5[%get3A_95, %get3A_96] : memref<2560x3xf32, #tpu.memory_space<vmem>>, vector<2560x3xf32>
    %slice3A_98 = vector.extract_strided_slice %add3A_82 {offsets = [0, 2], sizes = [2560, 1], strides = [1, 1]} : vector<2560x8xf32> to vector<2560x1xf32>
    %mul3A_99 = vector.broadcast %slice3A_98 : vector<2560x1xf32> to vector<2560x3xf32>
    %mul3A_100 = arith.mulf %get3A_97, %mul3A_99 : vector<2560x3xf32>
    %add3A_101 = arith.addf %add3A_94, %mul3A_100 : vector<2560x3xf32>
    %broadcast_in_dim3A_102 = arith.constant 0.000000e+00 : f32
    %broadcast_in_dim3A_103 = vector.broadcast %broadcast_in_dim3A_102 : f32 to vector<2560x5xf32>
    %concatenate3A = tpu.concatenate %add3A_101, %broadcast_in_dim3A_103 in 1 : vector<2560x3xf32>, vector<2560x5xf32> -> vector<2560x8xf32>
    %swap3A = arith.constant 0 : index
    %swap3A_104 = arith.constant 0 : index
    %swap3A_105 = vector.load %arg15[%swap3A, %swap3A_104] : memref<2560x8xf32, #tpu.memory_space<vmem>>, vector<2560x8xf32>
    tpu.vector_store %arg15[%swap3A, %swap3A_104], %concatenate3A {strides = array<i32>} : memref<2560x8xf32, #tpu.memory_space<vmem>>, vector<2560x8xf32>,
    return
  }
  func.func @transform_0(%arg0: i32) -> (i32, i32) {
    %c0_i32 = arith.constant 0 : i32
    %c0_i32_0 = arith.constant 0 : i32
    return %arg0, %c0_i32 : i32, i32
  }
  func.func @transform_1(%arg0: i32) -> (i32, i32) {
    %add3A = arith.constant 0 : i32
    %add3A_0 = arith.addi %add3A, %arg0 : i32
    %min3A = arith.constant 124 : i32
    %min3A_1 = arith.minsi %add3A_0, %min3A : i32
    %c0_i32 = arith.constant 0 : i32
    %c0_i32_2 = arith.constant 0 : i32
    return %min3A_1, %c0_i32 : i32, i32
  }
  func.func @transform_2(%arg0: i32) -> (i32, i32) {
    %add3A = arith.constant 0 : i32
    %add3A_0 = arith.addi %add3A, %arg0 : i32
    %min3A = arith.constant 124 : i32
    %min3A_1 = arith.minsi %add3A_0, %min3A : i32
    %c0_i32 = arith.constant 0 : i32
    %c0_i32_2 = arith.constant 0 : i32
    return %min3A_1, %c0_i32 : i32, i32
  }
  func.func @transform_3(%arg0: i32) -> (i32, i32) {
    %add3A = arith.constant 0 : i32
    %add3A_0 = arith.addi %add3A, %arg0 : i32
    %min3A = arith.constant 124 : i32
    %min3A_1 = arith.minsi %add3A_0, %min3A : i32
    %c0_i32 = arith.constant 0 : i32
    %c0_i32_2 = arith.constant 0 : i32
    return %min3A_1, %c0_i32 : i32, i32
  }
  func.func @transform_4(%arg0: i32) -> (i32, i32) {
    %add3A = arith.constant 0 : i32
    %add3A_0 = arith.addi %add3A, %arg0 : i32
    %min3A = arith.constant 124 : i32
    %min3A_1 = arith.minsi %add3A_0, %min3A : i32
    %c0_i32 = arith.constant 0 : i32
    %c0_i32_2 = arith.constant 0 : i32
    return %min3A_1, %c0_i32 : i32, i32
  }
  func.func @transform_5(%arg0: i32) -> (i32, i32) {
    %c0_i32 = arith.constant 0 : i32
    %c0_i32_0 = arith.constant 0 : i32
    %c0_i32_1 = arith.constant 0 : i32
    return %c0_i32, %c0_i32_0 : i32, i32
  }
  func.func @transform_6(%arg0: i32) -> (i32, i32) {
    %c0_i32 = arith.constant 0 : i32
    %c0_i32_0 = arith.constant 0 : i32
    %c0_i32_1 = arith.constant 0 : i32
    return %c0_i32, %c0_i32_0 : i32, i32
  }
  func.func @transform_7(%arg0: i32) -> (i32, i32) {
    %c0_i32 = arith.constant 0 : i32
    %c0_i32_0 = arith.constant 0 : i32
    %c0_i32_1 = arith.constant 0 : i32
    return %c0_i32, %c0_i32_0 : i32, i32
  }
  func.func @transform_8(%arg0: i32) -> (i32, i32) {
    %c0_i32 = arith.constant 0 : i32
    %c0_i32_0 = arith.constant 0 : i32
    %c0_i32_1 = arith.constant 0 : i32
    return %c0_i32, %c0_i32_0 : i32, i32
  }
  func.func @transform_9(%arg0: i32) -> (i32, i32) {
    %c0_i32 = arith.constant 0 : i32
    %c0_i32_0 = arith.constant 0 : i32
    %c0_i32_1 = arith.constant 0 : i32
    return %c0_i32, %c0_i32_0 : i32, i32
  }
  func.func @transform_10(%arg0: i32) -> (i32, i32) {
    %c0_i32 = arith.constant 0 : i32
    %c0_i32_0 = arith.constant 0 : i32
    %c0_i32_1 = arith.constant 0 : i32
    return %c0_i32, %c0_i32_0 : i32, i32
  }
  func.func @transform_11(%arg0: i32) -> (i32, i32) {
    %c0_i32 = arith.constant 0 : i32
    %c0_i32_0 = arith.constant 0 : i32
    %c0_i32_1 = arith.constant 0 : i32
    return %c0_i32, %c0_i32_0 : i32, i32
  }
  func.func @transform_12(%arg0: i32) -> (i32, i32) {
    %c0_i32 = arith.constant 0 : i32
    %c0_i32_0 = arith.constant 0 : i32
    %c0_i32_1 = arith.constant 0 : i32
    return %c0_i32, %c0_i32_0 : i32, i32
  }
  func.func @transform_13(%arg0: i32) -> (i32, i32) {
    %c0_i32 = arith.constant 0 : i32
    %c0_i32_0 = arith.constant 0 : i32
    %c0_i32_1 = arith.constant 0 : i32
    return %c0_i32, %c0_i32_0 : i32, i32
  }
  func.func @transform_14(%arg0: i32) -> (i32, i32) {
    %c0_i32 = arith.constant 0 : i32
    %c0_i32_0 = arith.constant 0 : i32
    return %arg0, %c0_i32 : i32, i32
  }
}

</mosaic_0001>

<sc_bundles>
// kernel: kernel.6.cloned.1.call-start
scs
__scs_entry_jumppad:
0x0: {  	(pc) =	sbr.rel $0x88, $3  }
0x1: {  	(tag) =	ssettag $0x0;
	lr =	simm.s32 $0x1  }
0x2: {  	[smem:$0x3F88] =	sst lr;
	_ =	strace $0xD0000000  }
0x3: {  	_ = 	snop  }
0x4: {  	_ = 	snop  }
0x5: {  	_ = 	snop  }
0x6: {  	_ = 	snop  }
0x7: {  	_ = 	snop  }
__scs_overlays_trampoline_lowered:
0x8: {  	[smem:$0x3F97] =	sst s0  }
0x9: {  	[smem:$0x3F98] =	sst s1  }
0xa: {  	[smem:$0x3F99] =	sst s2  }
0xb: {  	[smem:$0x3F9A] =	sst s3  }
0xc: {  	[smem:$0x3F9B] =	sst s4  }
0xd: {  	[smem:$0x3F9C] =	sst s5  }
0xe: {  	[smem:$0x3F9D] =	sst s6  }
0xf: {  	[smem:$0x3F9E] =	sst s7  }
0x10: {  	[smem:$0x3F9F] =	sst s8  }
0x11: {  	[smem:$0x3FA0] =	sst s9;
	s0 =	simm.s32 @!p0 $0x0  }
0x12: {  	s1 =	sld [smem:$0x3F86];
	s0 =	simm.s32 @p0 $0x1  }
0x13: {  	[smem:$0x3FA1] =	sst s0;
	s0 =	simm.s32 @!p1 $0x0  }
0x14: {  	s2 =	sld [smem:$0x3F85];
	s0 =	simm.s32 @p1 $0x1  }
0x15: {  	[smem:$0x3FA2] =	sst s0;
	s0 =	simm.s32 @!p2 $0x0  }
0x16: {  	s3 =	sld [smem:$0x3FDB];
	s0 =	simm.s32 @p2 $0x1  }
0x17: {  	s4 =	simm.s32 $0x1BF5;
	[smem:$0x3FA4] =	sst s0  }
0x18: {  	s0 =	sld [smem:$0x3F87];
	_ =	swait.ge [sflag:s4], $0x0  }
0x19: {  	s7 =	sld [smem:$0x3F88]  }
0x1a: {  	s8 =	sadd.s32 $0xFFFFE003, lr  }
0x1b: {  	s9 =	sadd.s32 $0xFFFFFEF7, lr;
	s5 =	simm.s32 $0xFFFFFFFF;
	p2 =	slt.u32 s8, $0xFFFFF086  }
0x1c: {  	p1 =	slt.u32 s9, $0xF7A;
	s5 =	simm.s32 @!p2 $0x0  }
0x1d: {  	s5 =	simm.s32 @p1 $0x1;
	p0 =	seq.s32 s7, s2  }
0x1e: {  	s7 =	smul.u32 @!p0 $0xF7A, s2;
	p2 =	seq.s32 @!p0 s5, $0x0  }
0x1f: {  	s9 =	smul.u32 $0xF7A, s1;
	s8 =	simm.s32 @!p0 $0x1BF5;
	p2 =	por !p2, p0  }
0x20: {  	[sflag:s8] =	ssyncset.s32 @!p0 $0xFFFFF086;
	s6 =	sadd.s32 @!p0 s3, s7;
	s7 =	simm.s32 @!p0 $0x108  }
0x21: {  	s3 =	sadd.s32 s3, s9;
	s6 =	sadd.s32 @!p0 $0x88, s6;
	s7 =	simm.s32 @p2 $0x1082  }
0x22: {  	[simem:s7], [sflag:s8] =	dma.local @!p0 [hbm:s6], $0xF7A  }
0x23: {  	s9 =	sor.u32 $0xD0000000, s2;
	s6 =	simm.s32 $0x108;
	_ =	swait.ge @!p0 [sflag:s8], $0x0  }
0x24: {  	s3 =	sadd.s32 $0x88, s3;
	s6 =	simm.s32 @!p1 $0x1082;
	[sflag:s4] =	ssyncset.s32 $0xFFFFF086  }
0x25: {  	[simem:s6], [sflag:s4] =	dma.local [hbm:s3], $0xF7A  }
0x26: {  	[smem:$0x3F88] =	sst s1;
	(tag) =	ssettag s2;
	_ =	strace s9  }
0x27: {  	s1 =	sld [smem:$0x3F98]  }
0x28: {  	s2 =	sld [smem:$0x3F99]  }
0x29: {  	s4 =	sld [smem:$0x3F9B]  }
0x2a: {  	p0 =	seq.s32 s5, $0x0;
	s5 =	sld [smem:$0x3F9C]  }
0x2b: {  	s6 =	sld [smem:$0x3F9D]  }
0x2c: {  	s7 =	sld [smem:$0x3F9E]  }
0x2d: {  	s3 =	simm.s32 $0x108;
	s8 =	sld [smem:$0x3F9F]  }
0x2e: {  	s3 =	simm.s32 @!p0 $0x1082;
	s9 =	sld [smem:$0x3FA0]  }
0x2f: {  	lr =	sadd.s32 s0, s3;
	s0 =	sld [smem:$0x3F97]  }
0x30: {  	s3 =	sld [smem:$0x3F9A]  }
0x31: {  	[smem:$0x3FA3] =	sst s10  }
0x32: {  	s10 =	sld [smem:$0x3FA1];
	_ =	sdelay $0x3  }
0x33: {  	p0 =	seq.s32 s10, $0x1;
	s10 =	sld [smem:$0x3FA3];
	_ =	sdelay $0x3  }
0x34: {  	[smem:$0x3FA3] =	sst s10  }
0x35: {  	s10 =	sld [smem:$0x3FA2];
	_ =	sdelay $0x3  }
0x36: {  	p1 =	seq.s32 s10, $0x1;
	s10 =	sld [smem:$0x3FA3];
	_ =	sdelay $0x3  }
0x37: {  	[smem:$0x3FA3] =	sst s10  }
0x38: {  	s10 =	sld [smem:$0x3FA4]  }
0x39: {  	_ = 	snop;
	(pc) =	sbr.ind lr, $3  }
0x3a: {  	_ = 	snop  }
0x3b: {  	_ = 	snop  }
0x3c: {  	p2 =	seq.s32 s10, $0x1;
	s10 =	sld [smem:$0x3FA3]  }
0x3d: {  	_ =	shalt  }
0x3e: {  	_ =	shalt  }
0x3f: {  	_ =	shalt  }
0x40: {  	_ =	shalt  }
0x41: {  	_ =	shalt  }
0x42: {  	_ =	shalt  }
0x43: {  	_ =	shalt  }
0x44: {  	_ =	shalt  }
0x45: {  	_ =	shalt  }
0x46: {  	_ =	shalt  }
0x47: {  	_ =	shalt  }
0x48: {  	_ =	shalt  }
0x49: {  	_ =	shalt  }
0x4a: {  	_ =	shalt  }
0x4b: {  	_ =	shalt  }
0x4c: {  	_ =	shalt  }
0x4d: {  	_ =	shalt  }
0x4e: {  	_ =	shalt  }
0x4f: {  	_ =	shalt  }
0x50: {  	_ =	shalt  }
0x51: {  	_ =	shalt  }
0x52: {  	_ =	shalt  }
0x53: {  	_ =	shalt  }
0x54: {  	_ =	shalt  }
0x55: {  	_ =	shalt  }
0x56: {  	_ =	shalt  }
0x57: {  	_ =	shalt  }
0x58: {  	_ =	shalt  }
0x59: {  	_ =	shalt  }
0x5a: {  	_ =	shalt  }
0x5b: {  	_ =	shalt  }
0x5c: {  	_ =	shalt  }
0x5d: {  	_ =	shalt  }
0x5e: {  	_ =	shalt  }
0x5f: {  	_ =	shalt  }
0x60: {  	_ =	shalt  }
0x61: {  	_ =	shalt  }
0x62: {  	_ =	shalt  }
0x63: {  	_ =	shalt  }
0x64: {  	_ =	shalt  }
0x65: {  	_ =	shalt  }
0x66: {  	_ =	shalt  }
0x67: {  	_ =	shalt  }
0x68: {  	_ =	shalt  }
0x69: {  	_ =	shalt  }
0x6a: {  	_ =	shalt  }
0x6b: {  	_ =	shalt  }
0x6c: {  	_ =	shalt  }
0x6d: {  	_ =	shalt  }
0x6e: {  	_ =	shalt  }
0x6f: {  	_ =	shalt  }
0x70: {  	_ =	shalt  }
0x71: {  	_ =	shalt  }
0x72: {  	_ =	shalt  }
0x73: {  	_ =	shalt  }
0x74: {  	_ =	shalt  }
0x75: {  	_ =	shalt  }
0x76: {  	_ =	shalt  }
0x77: {  	_ =	shalt  }
0x78: {  	_ =	shalt  }
0x79: {  	_ =	shalt  }
0x7a: {  	_ =	shalt  }
0x7b: {  	_ =	shalt  }
0x7c: {  	_ =	shalt  }
0x7d: {  	_ =	shalt  }
0x7e: {  	_ =	shalt  }
0x7f: {  	_ =	shalt  }
0x80: {  	_ =	shalt  }
0x81: {  	_ =	shalt  }
0x82: {  	_ =	shalt  }
0x83: {  	_ =	shalt  }
0x84: {  	_ =	shalt  }
0x85: {  	_ =	shalt  }
0x86: {  	_ =	shalt  }
0x87: {  	_ =	shalt  }
.Lfunc_end0:
.L_simem_size_0:
called_computation_lowered:
.L_overlay_start_0:
0x88: {  	s2 =	sld [smem:$0x3FD9]  }
0x89: {  	s3 =	sld [smem:$0x3FFE];
	_ =	sdelay $0x1  }
0x8a: {  	s1 =	srdreg.scid  }
0x8b: {  	s0 =	sand.u32 $0x1, s1  }
0x8c: {  	s16 =	sshll.u32 s0, $0xA;
	s2 =	sadd.s32 s3, s2  }
0x8d: {  	s2 =	sadd.s32 s2, s16  }
0x8e: {  	[smem:$0x3FAF] =	sst s2  }
0x8f: {  	_ = 	snop  }
0x90: {  	(tm) =	ssettm $0x1  }
0x91: {  	s17 =	sld [smem:$0x3FFB];
	_ =	sdelay $0x3  }
0x92: {  	_ =	strace s17  }
0x93: {  	s2 =	sld [smem:$0x3FFC];
	_ =	sdelay $0x3  }
0x94: {  	_ =	strace s2  }
0x95: {  	s2 =	sld [smem:$0x3FFD];
	_ =	sdelay $0x3  }
0x96: {  	_ =	strace s2  }
0x97: {  	_ =	strace $0x8FFFFFFF  }
0x98: {  	s18 =	sld [smem:$0x3FDB];
	_ =	sdelay $0x1  }
0x99: {  	s19 =	simm.s32 $_scs_section_size  }
0x9a: {  	s4 =	simm.s32 $_size__tile_overlayer_lowered;
	s5 =	simm.s32 $_tile_overlayer_lowered  }
0x9b: {  	s22 =	simm.s32 $0x1BFF;
	s21 =	sshll.u32 s5, $0x1;
	s2 =	sadd.s32 s19, s18  }
0x9c: {  	s6 =	simm.s32 $0x0;
	s20 =	sshll.u32 s4, $0x1;
	s4 =	sadd.s32 s21, s2  }
0x9d: {  	[timem:s6], [sflag:s22] =	dma.local [hbm:s4], s20  }
0x9e: {  	_ =	swait.ge [sflag:s22], s20  }
0x9f: {  	s3 =	ssub.s32 $0x0, s20;
	[sflag:s22] =	ssyncset.done $0x0  }
0xa0: {  	[sflag:s22] =	ssyncadd.s32 s3;
	_ =	sdelay $0x1  }
0xa1: {  	s23 =	simm.s32 $0x1B8B  }
0xa2: {  	_ =	swait.ge [sflag:s23], $0x1  }
0xa3: {  	[sflag:s23] =	ssyncset.done $0x0  }
0xa4: {  	s25 =	simm.s32 $0x1B8E;
	s24 =	sld [smem:$0x3FFE];
	[sflag:s23] =	ssyncadd.s32 $0xFFFFFFFF  }
0xa5: {  	s26 =	simm.s32 $execute0_lowered;
	[smem:$0x3FD2] =	sst s25  }
0xa6: {  	s4 =	sshll.u32 s26, $0x1;
	_ =	strace $0x80000046;
	[dreg:$0x1] =	wrdreg $0xFFFFFFFF  }
0xa7: {  	s28 =	simm.s32 $_size_execute0_lowered;
	s2 =	sadd.s32 s2, s4;
	[dreg:$0x0] =	wrdreg $0x0  }
0xa8: {  	s4 =	sshll.u32 s28, $0x1;
	[dreg:$0x2] =	wrdreg s2  }
0xa9: {  	[dreg:$0x3] =	wrdreg s4  }
0xaa: {  	[dreg:$0x4] =	wrdreg $0xC0  }
0xab: {  	_ =	task [dreg:s6], $0x5FFFF  }
0xac: {  	[dreg:$0x1] =	wrdreg $0xFFFFFFFF  }
0xad: {  	[dreg:$0x0] =	wrdreg $0x60  }
0xae: {  	[dreg:$0x2] =	wrdreg s24  }
0xaf: {  	[dreg:$0x3] =	wrdreg $0x9  }
0xb0: {  	_ =	task.clear_ibuf [dreg:s6], $0x4FFFF;
	_ =	strace $0x90000046  }
0xb1: {  	s29 =	simm.s32 $0x9;
	_ =	strace $0x80000048  }
0xb2: {  	_ =	swait.ge [sflag:s29], $0x1  }
0xb3: {  	[sflag:s29] =	ssyncadd.s32 $0xFFFFFFFF  }
0xb4: {  	_ =	strace $0x90000048  }
0xb5: {  	_ =	sfence  }
0xb6: {  	s30 =	sld [smem:$0x0];
	_ =	sdelay $0x2  }
0xb7: {  	s31 =	sshll.u32 s1, $0xD;
	s1 =	sshrl.u32 s1, $0x2  }
0xb8: {  	s3 =	sand.u32 $0x4000, s31;
	s1 =	sadd.s32 s1, s30  }
0xb9: {  	s0 =	sor.u32 s3, s0;
	s1 =	sshll.u32 s1, $0x11  }
0xba: {  	s0 =	sor.u32 s1, s0  }
0xbb: {  	s0 =	sadd.s32 $0x8F2B, s0  }
0xbc: {  	[sflag:s0] =	ssyncadd.remote.s32 $0x1  }
0xbd: {  	_ =	sfence.sel $0xFFFF  }
0xbe: {  	[dreg:$0x0] =	wrdreg $0xFFFFFFFF;
	(pc) =	sbr.abs _section_cstart, $3  }
0xbf: {  	[dreg:$0x1] =	wrdreg $0xFFFFFFFF  }
0xc0: {  	_ =	task.clear_ibuf [dreg:s6], $0x2FFFF;
	_ =	strace $0x9FFFFFFF  }
0xc1: {  	(tm) =	ssettm $0x7FFFFFFF  }
tec
execute0_lowered:
.L_overlay_start_1:
0x0: {  	(tag) =	ssettag $0x1  }
0x1: {  	s0 =	rddreg [dreg:$0x0];
	s1 =	srdreg.scid  }
0x2: {  	s2 =	simm.s32 $0x0;
	s4 =	stileid.u32;
	s11 =	simm.s32 $0x7  }
0x3: {  	s12 =	simm.s32 $0x2800;
	s13 =	simm.s32 $0x80;
	s14 =	simm.s32 $0x5000  }
0x4: {  	s15 =	simm.s32 $0xD000;
	s16 =	simm.s32 $0x9000;
	s17 =	simm.s32 $0x2880  }
0x5: {  	s18 =	simm.s32 $0x11000;
	s19 =	simm.s32 $0x1;
	s20 =	simm.s32 $0x3  }
0x6: {  	s21 =	simm.s32 $0x15000;
	s22 =	simm.s32 $0x2;
	s1 =	sand.u32 $0x1, s1  }
0x7: {  	s23 =	simm.s32 $0x4;
	s24 =	simm.s32 $0x19000;
	s3 =	sshll.u32 s1, $0x4  }
0x8: {  	s25 =	simm.s32 $0x5;
	s26 =	simm.s32 $0x6;
	s8 =	sor.u32 s4, s3  }
0x9: {  	s28 =	simm.s32 $0x0;
	[smem:$0x7FF] =	sst s2;
	s5 =	smul.u32 $0x500, s8  }
.Ltmp0:
0xa: {  	_ =	strace $0x80000047;
	s1 =	ssub.s32 $0x2, s1;
	(pc) =	sbr.rel .LBB2_1-.Ltmp0, $4  }
0xb: {  	s3 =	sadd.s32 $0x21400, s0;
	s6 =	sshrl.u32 s1, $0x1;
	s9 =	smul.u32 $0x2800, s8  }
0xc: {  	s4 =	sadd.s32 $0x48600, s0;
	s31 =	ssub.s32 s1, s6;
	s8 =	smul.u32 $0x140000, s8  }
0xd: {  	s10 =	smax.u32 s31, $0x1;
	s7 =	sadd.s32 s5, s0;
	s5 =	sadd.s32 $0x6F800, s0  }
0xe: {  	s9 =	sor.u32 $0x80, s9;
	s6 =	sadd.s32 $0x3400, s7;
	s7 =	sadd.s32 $0x17400, s7  }
.LBB2_8:
0xf: {  	s28 =	sadd.s32 $0x1, s28  }
0x10: {  	_ =	swait.ge [sflag:s25], $0x4000;
	p0 =	sne.s32 s28, s10  }
.Ltmp1:
0x11: {  	[sflag:s25] =	ssyncset.done $0x0;
	(pc) =	sbr.rel @!p0 .LBB2_9-.Ltmp1, $4  }
0x12: {  	[sflag:s25] =	ssyncadd.s32 $0xFFFFC000  }
0x13: {  	_ =	swait.ge [sflag:s26], $0x4000  }
0x14: {  	[sflag:s26] =	ssyncset.done $0x0  }
0x15: {  	[sflag:s26] =	ssyncadd.s32 $0xFFFFC000  }
.LBB2_1:
0x16: {  	[tilespmem:s2], [sflag:$0x7] =	stream.linear.gather [hbm4b:s6+s2], $0x2800, $0x38;
	[tilespmem:$0x1D000] =	vst v63  }
0x17: {  	_ =	swait.ge [sflag:s11], $0x2800  }
0x18: {  	[sflag:s11] =	ssyncset.done $0x0  }
0x19: {  	[sflag:s11] =	ssyncadd.s32 $0xFFFFD800  }
0x1a: {  	[tilespmem:s12], [sflag:$0x7] =	stream.linear.gather [hbm4b:s7+s2], $0x2800, $0x38;
	[tilespmem:$0x1D000] =	vst v63  }
0x1b: {  	_ =	swait.ge [sflag:s11], $0x2800  }
0x1c: {  	[sflag:s11] =	ssyncset.done $0x0  }
0x1d: {  	[sflag:s11] =	ssyncadd.s32 $0xFFFFD800  }
0x1e: {  	[tilespmem:s14], [sflag:$0x1] =	stream.indirect.gather [hbm4b:s3+s13], $0x80, s2, s13, $0xb8;
	[tilespmem:$0x1D000] =	vst v63  }
0x1f: {  	_ = 	snop  }
0x20: {  	[tilespmem:s15], [sflag:$0x3] =	stream.indirect.gather [hbm4b:s4+s13], $0x80, s12, s13, $0xb8;
	[tilespmem:$0x1D000] =	vst v63  }
0x21: {  	_ = 	snop  }
0x22: {  	[tilespmem:s16], [sflag:$0x2] =	stream.indirect.gather [hbm4b:s3+s13], $0x80, s13, s13, $0xb8;
	[tilespmem:$0x1D000] =	vst v63  }
0x23: {  	s29 =	simm.s32 $0x0  }
0x24: {  	[tilespmem:s18], [sflag:$0x4] =	stream.indirect.gather [hbm4b:s4+s13], $0x80, s17, s13, $0xb8;
	[tilespmem:$0x1D000] =	vst v63  }
.LBB2_2:
0x25: {  	_ =	swait.ge [sflag:s19], $0x4000  }
0x26: {  	[sflag:s19] =	ssyncset.done $0x0  }
0x27: {  	[sflag:s19] =	ssyncadd.s32 $0xFFFFC000  }
0x28: {  	_ =	swait.ge [sflag:s20], $0x4000  }
0x29: {  	p0 =	seq.s32 s29, $0x0;
	[sflag:s20] =	ssyncset.done $0x0  }
0x2a: {  	s0 =	simm.s32 @!p0 $0x5;
	[sflag:s20] =	ssyncadd.s32 $0xFFFFC000  }
0x2b: {  	_ =	swait.ge @!p0 [sflag:s0], $0x4000  }
0x2c: {  	[sflag:s0] =	ssyncset.done @!p0 $0x0  }
0x2d: {  	s31 =	simm.s32 $0x0;
	[sflag:s0] =	ssyncadd.s32 @!p0 $0xFFFFC000  }
0x2e: {  	v0 =	vld [tilespmem:s31+$0x51F0]  }
0x2f: {  	v1 =	vld [tilespmem:s31+$0xD1F0]  }
0x30: {  	v2 =	vld [tilespmem:s31+$0x5000]  }
0x31: {  	v3 =	vld [tilespmem:s31+$0xD000]  }
0x32: {  	v4 =	vld [tilespmem:s31+$0x5010]  }
0x33: {  	v5 =	vld [tilespmem:s31+$0xD010]  }
0x34: {  	v6 =	vld [tilespmem:s31+$0x5020]  }
0x35: {  	v7 =	vld [tilespmem:s31+$0x5030];
	v0 =	vadd.f32 v1, v0  }
0x36: {  	v1 =	vld [tilespmem:s31+$0xD020]  }
0x37: {  	v2 =	vadd.f32 v3, v2;
	[tilespmem:s31+$0x151F0] =	vst v0;
	v0 =	vld [tilespmem:s31+$0xD030]  }
0x38: {  	v3 =	vld [tilespmem:s31+$0x5040]  }
0x39: {  	[tilespmem:s31+$0x15000] =	vst v2;
	v2 =	vadd.f32 v5, v4;
	v4 =	vld [tilespmem:s31+$0xD040]  }
0x3a: {  	v5 =	vld [tilespmem:s31+$0xD050]  }
0x3b: {  	[tilespmem:s31+$0x15010] =	vst v2;
	v2 =	vld [tilespmem:s31+$0x5050];
	v1 =	vadd.f32 v1, v6  }
0x3c: {  	v6 =	vld [tilespmem:s31+$0xD060];
	v0 =	vadd.f32 v0, v7  }
0x3d: {  	[tilespmem:s31+$0x15020] =	vst v1;
	v1 =	vld [tilespmem:s31+$0x5060]  }
0x3e: {  	[tilespmem:s31+$0x15030] =	vst v0;
	v0 =	vadd.f32 v4, v3;
	v3 =	vld [tilespmem:s31+$0x5070]  }
0x3f: {  	v4 =	vld [tilespmem:s31+$0xD070]  }
0x40: {  	[tilespmem:s31+$0x15040] =	vst v0;
	v0 =	vadd.f32 v5, v2;
	v2 =	vld [tilespmem:s31+$0x5080]  }
0x41: {  	v5 =	vld [tilespmem:s31+$0xD080]  }
0x42: {  	[tilespmem:s31+$0x15050] =	vst v0;
	v0 =	vadd.f32 v6, v1;
	v1 =	vld [tilespmem:s31+$0x5090]  }
0x43: {  	v6 =	vld [tilespmem:s31+$0xD090]  }
0x44: {  	[tilespmem:s31+$0x15060] =	vst v0;
	v0 =	vadd.f32 v4, v3;
	v3 =	vld [tilespmem:s31+$0x50A0]  }
0x45: {  	v4 =	vld [tilespmem:s31+$0xD0A0]  }
0x46: {  	[tilespmem:s31+$0x15070] =	vst v0;
	v0 =	vadd.f32 v5, v2;
	v2 =	vld [tilespmem:s31+$0x50B0]  }
0x47: {  	v5 =	vld [tilespmem:s31+$0xD0B0]  }
0x48: {  	[tilespmem:s31+$0x15080] =	vst v0;
	v0 =	vadd.f32 v6, v1;
	v1 =	vld [tilespmem:s31+$0x50C0]  }
0x49: {  	v6 =	vld [tilespmem:s31+$0xD0C0]  }
0x4a: {  	[tilespmem:s31+$0x15090] =	vst v0;
	v0 =	vadd.f32 v4, v3;
	v3 =	vld [tilespmem:s31+$0x50D0]  }
0x4b: {  	v4 =	vld [tilespmem:s31+$0xD0D0]  }
0x4c: {  	[tilespmem:s31+$0x150A0] =	vst v0;
	v0 =	vadd.f32 v5, v2;
	v2 =	vld [tilespmem:s31+$0x50E0]  }
0x4d: {  	v5 =	vld [tilespmem:s31+$0xD0E0]  }
0x4e: {  	[tilespmem:s31+$0x150B0] =	vst v0;
	v0 =	vadd.f32 v6, v1;
	v1 =	vld [tilespmem:s31+$0x50F0]  }
0x4f: {  	v6 =	vld [tilespmem:s31+$0xD0F0]  }
0x50: {  	[tilespmem:s31+$0x150C0] =	vst v0;
	v0 =	vadd.f32 v4, v3;
	v3 =	vld [tilespmem:s31+$0x5100]  }
0x51: {  	v4 =	vld [tilespmem:s31+$0xD100]  }
0x52: {  	[tilespmem:s31+$0x150D0] =	vst v0;
	v0 =	vadd.f32 v5, v2;
	v2 =	vld [tilespmem:s31+$0x5110]  }
0x53: {  	v5 =	vld [tilespmem:s31+$0xD110]  }
0x54: {  	[tilespmem:s31+$0x150E0] =	vst v0;
	v0 =	vadd.f32 v6, v1;
	v1 =	vld [tilespmem:s31+$0x5120]  }
0x55: {  	v6 =	vld [tilespmem:s31+$0xD120]  }
0x56: {  	[tilespmem:s31+$0x150F0] =	vst v0;
	v0 =	vadd.f32 v4, v3;
	v3 =	vld [tilespmem:s31+$0x5130]  }
0x57: {  	v4 =	vld [tilespmem:s31+$0xD130]  }
0x58: {  	[tilespmem:s31+$0x15100] =	vst v0;
	v0 =	vadd.f32 v5, v2;
	v2 =	vld [tilespmem:s31+$0x5140]  }
0x59: {  	v5 =	vld [tilespmem:s31+$0xD140]  }
0x5a: {  	[tilespmem:s31+$0x15110] =	vst v0;
	v0 =	vadd.f32 v6, v1;
	v1 =	vld [tilespmem:s31+$0x5150]  }
0x5b: {  	v6 =	vld [tilespmem:s31+$0xD150]  }
0x5c: {  	[tilespmem:s31+$0x15120] =	vst v0;
	v0 =	vadd.f32 v4, v3;
	v3 =	vld [tilespmem:s31+$0x5160]  }
0x5d: {  	v4 =	vld [tilespmem:s31+$0xD160]  }
0x5e: {  	[tilespmem:s31+$0x15130] =	vst v0;
	v0 =	vadd.f32 v5, v2;
	v2 =	vld [tilespmem:s31+$0x5170]  }
0x5f: {  	v5 =	vld [tilespmem:s31+$0xD170]  }
0x60: {  	[tilespmem:s31+$0x15140] =	vst v0;
	v0 =	vadd.f32 v6, v1;
	v1 =	vld [tilespmem:s31+$0x5180]  }
0x61: {  	v6 =	vld [tilespmem:s31+$0xD180]  }
0x62: {  	[tilespmem:s31+$0x15150] =	vst v0;
	v0 =	vadd.f32 v4, v3;
	v3 =	vld [tilespmem:s31+$0x5190]  }
0x63: {  	v4 =	vld [tilespmem:s31+$0xD190]  }
0x64: {  	[tilespmem:s31+$0x15160] =	vst v0;
	v0 =	vadd.f32 v5, v2;
	v2 =	vld [tilespmem:s31+$0x51A0]  }
0x65: {  	v5 =	vld [tilespmem:s31+$0xD1A0]  }
0x66: {  	[tilespmem:s31+$0x15170] =	vst v0;
	v0 =	vadd.f32 v6, v1;
	v1 =	vld [tilespmem:s31+$0x51B0]  }
0x67: {  	v6 =	vld [tilespmem:s31+$0xD1B0]  }
0x68: {  	v8 =	vld [tilespmem:s31+$0xD1C0]  }
0x69: {  	v7 =	vld [tilespmem:s31+$0x51C0];
	[tilespmem:s31+$0x15180] =	vst v0;
	v0 =	vadd.f32 v4, v3  }
0x6a: {  	v3 =	vld [tilespmem:s31+$0xD1D0]  }
0x6b: {  	[tilespmem:s31+$0x15190] =	vst v0;
	v0 =	vadd.f32 v5, v2;
	v2 =	vld [tilespmem:s31+$0x51D0]  }
0x6c: {  	v4 =	vld [tilespmem:s31+$0xD1E0];
	v5 =	vadd.f32 v6, v1  }
0x6d: {  	s1 =	simm.s32 $0x200;
	[tilespmem:s31+$0x151A0] =	vst v0;
	v0 =	vld [tilespmem:s31+$0x51E0]  }
0x6e: {  	s30 =	sshll.u32 s29, $0x8;
	s0 =	simm.s32 $0x1000;
	v1 =	vld [tilespmem:s1+$0x51F0];
	[tilespmem:s31+$0x151B0] =	vst v5;
	v5 =	vadd.f32 v8, v7  }
.LBB2_3:
0x6f: {  	p1 =	sne.s32 s0, $0xF800;
	v6 =	vld [tilespmem:s1+$0xD1F0]  }
0x70: {  	v7 =	vld [tilespmem:s1+$0x5000];
	[tilespmem:s31+$0x151C0] =	vst v5;
	v2 =	vadd.f32 v3, v2  }
0x71: {  	v3 =	vld [tilespmem:s1+$0xD000]  }
0x72: {  	v5 =	vld [tilespmem:s1+$0x5010];
	[tilespmem:s31+$0x151D0] =	vst v2;
	v0 =	vadd.f32 v4, v0  }
0x73: {  	v2 =	vld [tilespmem:s1+$0xD010]  }
0x74: {  	v4 =	vld [tilespmem:s1+$0x5020];
	v1 =	vadd.f32 v6, v1;
	[tilespmem:s31+$0x151E0] =	vst v0;
	s31 =	smov.u32 s1  }
0x75: {  	v0 =	vld [tilespmem:s31+$0xD020]  }
0x76: {  	v3 =	vadd.f32 v3, v7;
	v6 =	vld [tilespmem:s31+$0x5030];
	[tilespmem:s31+$0x151F0] =	vst v1  }
0x77: {  	v1 =	vld [tilespmem:s31+$0xD030]  }
0x78: {  	[tilespmem:s31+$0x15000] =	vst v3;
	v2 =	vadd.f32 v2, v5;
	v3 =	vld [tilespmem:s31+$0x5040]  }
0x79: {  	v5 =	vld [tilespmem:s31+$0xD040]  }
0x7a: {  	[tilespmem:s31+$0x15010] =	vst v2;
	v0 =	vadd.f32 v0, v4;
	v2 =	vld [tilespmem:s31+$0x5050]  }
0x7b: {  	v4 =	vld [tilespmem:s31+$0xD050]  }
0x7c: {  	[tilespmem:s31+$0x15020] =	vst v0;
	v0 =	vadd.f32 v1, v6;
	v1 =	vld [tilespmem:s31+$0x5060]  }
0x7d: {  	v6 =	vld [tilespmem:s31+$0xD060]  }
0x7e: {  	[tilespmem:s31+$0x15030] =	vst v0;
	v0 =	vadd.f32 v5, v3;
	v3 =	vld [tilespmem:s31+$0x5070]  }
0x7f: {  	v5 =	vld [tilespmem:s31+$0xD070]  }
0x80: {  	[tilespmem:s31+$0x15040] =	vst v0;
	v0 =	vadd.f32 v4, v2;
	v2 =	vld [tilespmem:s31+$0x5080]  }
0x81: {  	v4 =	vld [tilespmem:s31+$0xD080]  }
0x82: {  	[tilespmem:s31+$0x15050] =	vst v0;
	v0 =	vadd.f32 v6, v1;
	v1 =	vld [tilespmem:s31+$0x5090]  }
0x83: {  	v6 =	vld [tilespmem:s31+$0xD090]  }
0x84: {  	[tilespmem:s31+$0x15060] =	vst v0;
	v0 =	vadd.f32 v5, v3;
	v3 =	vld [tilespmem:s31+$0x50A0]  }
0x85: {  	v5 =	vld [tilespmem:s31+$0xD0A0]  }
0x86: {  	[tilespmem:s31+$0x15070] =	vst v0;
	v0 =	vadd.f32 v4, v2;
	v2 =	vld [tilespmem:s31+$0x50B0]  }
0x87: {  	v4 =	vld [tilespmem:s31+$0xD0B0]  }
0x88: {  	[tilespmem:s31+$0x15080] =	vst v0;
	v0 =	vadd.f32 v6, v1;
	v1 =	vld [tilespmem:s31+$0x50C0]  }
0x89: {  	v6 =	vld [tilespmem:s31+$0xD0C0]  }
0x8a: {  	[tilespmem:s31+$0x15090] =	vst v0;
	v0 =	vadd.f32 v5, v3;
	v3 =	vld [tilespmem:s31+$0x50D0]  }
0x8b: {  	v5 =	vld [tilespmem:s31+$0xD0D0]  }
0x8c: {  	[tilespmem:s31+$0x150A0] =	vst v0;
	v0 =	vadd.f32 v4, v2;
	v2 =	vld [tilespmem:s31+$0x50E0]  }
0x8d: {  	v4 =	vld [tilespmem:s31+$0xD0E0]  }
0x8e: {  	[tilespmem:s31+$0x150B0] =	vst v0;
	v0 =	vadd.f32 v6, v1;
	v1 =	vld [tilespmem:s31+$0x50F0]  }
0x8f: {  	v6 =	vld [tilespmem:s31+$0xD0F0]  }
0x90: {  	[tilespmem:s31+$0x150C0] =	vst v0;
	v0 =	vadd.f32 v5, v3;
	v3 =	vld [tilespmem:s31+$0x5100]  }
0x91: {  	v5 =	vld [tilespmem:s31+$0xD100]  }
0x92: {  	[tilespmem:s31+$0x150D0] =	vst v0;
	v0 =	vadd.f32 v4, v2;
	v2 =	vld [tilespmem:s31+$0x5110]  }
0x93: {  	v4 =	vld [tilespmem:s31+$0xD110]  }
0x94: {  	[tilespmem:s31+$0x150E0] =	vst v0;
	v0 =	vadd.f32 v6, v1;
	v1 =	vld [tilespmem:s31+$0x5120]  }
0x95: {  	v6 =	vld [tilespmem:s31+$0xD120]  }
0x96: {  	[tilespmem:s31+$0x150F0] =	vst v0;
	v0 =	vadd.f32 v5, v3;
	v3 =	vld [tilespmem:s31+$0x5130]  }
0x97: {  	v5 =	vld [tilespmem:s31+$0xD130]  }
0x98: {  	[tilespmem:s31+$0x15100] =	vst v0;
	v0 =	vadd.f32 v4, v2;
	v2 =	vld [tilespmem:s31+$0x5140]  }
0x99: {  	v4 =	vld [tilespmem:s31+$0xD140]  }
0x9a: {  	[tilespmem:s31+$0x15110] =	vst v0;
	v0 =	vadd.f32 v6, v1;
	v1 =	vld [tilespmem:s31+$0x5150]  }
0x9b: {  	v6 =	vld [tilespmem:s31+$0xD150]  }
0x9c: {  	[tilespmem:s31+$0x15120] =	vst v0;
	v0 =	vadd.f32 v5, v3;
	v3 =	vld [tilespmem:s31+$0x5160]  }
0x9d: {  	v5 =	vld [tilespmem:s31+$0xD160]  }
0x9e: {  	[tilespmem:s31+$0x15130] =	vst v0;
	v0 =	vadd.f32 v4, v2;
	v2 =	vld [tilespmem:s31+$0x5170]  }
0x9f: {  	v4 =	vld [tilespmem:s31+$0xD170]  }
0xa0: {  	[tilespmem:s31+$0x15140] =	vst v0;
	v0 =	vadd.f32 v6, v1;
	v1 =	vld [tilespmem:s31+$0x5180]  }
0xa1: {  	v6 =	vld [tilespmem:s31+$0xD180]  }
0xa2: {  	[tilespmem:s31+$0x15150] =	vst v0;
	v0 =	vadd.f32 v5, v3;
	v3 =	vld [tilespmem:s31+$0x5190]  }
0xa3: {  	v5 =	vld [tilespmem:s31+$0xD190]  }
0xa4: {  	[tilespmem:s31+$0x15160] =	vst v0;
	v0 =	vadd.f32 v4, v2;
	v2 =	vld [tilespmem:s31+$0x51A0]  }
0xa5: {  	v4 =	vld [tilespmem:s31+$0xD1A0]  }
0xa6: {  	[tilespmem:s31+$0x15170] =	vst v0;
	v0 =	vadd.f32 v6, v1;
	v1 =	vld [tilespmem:s31+$0x51B0]  }
0xa7: {  	v6 =	vld [tilespmem:s31+$0xD1B0]  }
0xa8: {  	[tilespmem:s31+$0x15180] =	vst v0;
	v0 =	vadd.f32 v5, v3;
	v5 =	vld [tilespmem:s31+$0x51C0]  }
0xa9: {  	v7 =	vld [tilespmem:s31+$0xD1C0]  }
.Ltmp2:
0xaa: {  	[tilespmem:s31+$0x15190] =	vst v0;
	v0 =	vadd.f32 v4, v2;
	v2 =	vld [tilespmem:s31+$0x51D0];
	(pc) =	sbr.rel @p1 .LBB2_3-.Ltmp2, $4  }
0xab: {  	v3 =	vld [tilespmem:s31+$0xD1D0]  }
0xac: {  	[tilespmem:s31+$0x151A0] =	vst v0;
	v6 =	vadd.f32 v6, v1;
	v0 =	vld [tilespmem:s31+$0x51E0]  }
0xad: {  	s1 =	sshra.s32 s0, $0x2;
	v4 =	vld [tilespmem:s31+$0xD1E0]  }
0xae: {  	s0 =	sadd.s32 $0x800, s0;
	v1 =	vld [tilespmem:s1+$0x51F0];
	[tilespmem:s31+$0x151B0] =	vst v6;
	v5 =	vadd.f32 v7, v5  }
0xaf: {  	v6 =	vld [tilespmem:s1+$0xD1F0]  }
0xb0: {  	v7 =	vld [tilespmem:s1+$0x5000];
	[tilespmem:s31+$0x151C0] =	vst v5;
	v2 =	vadd.f32 v3, v2  }
0xb1: {  	v3 =	vld [tilespmem:s1+$0xD000]  }
0xb2: {  	v5 =	vld [tilespmem:s1+$0x5010];
	[tilespmem:s31+$0x151D0] =	vst v2;
	v0 =	vadd.f32 v4, v0  }
0xb3: {  	v2 =	vld [tilespmem:s1+$0xD010]  }
0xb4: {  	v4 =	vld [tilespmem:s1+$0x5020];
	[tilespmem:s31+$0x151E0] =	vst v0  }
0xb5: {  	v0 =	vadd.f32 v6, v1;
	v1 =	vld [tilespmem:s1+$0xD020]  }
0xb6: {  	v6 =	vld [tilespmem:s1+$0x5030]  }
0xb7: {  	v3 =	vadd.f32 v3, v7;
	[tilespmem:s1+$0x151F0] =	vst v0;
	v0 =	vld [tilespmem:s1+$0xD030]  }
0xb8: {  	v7 =	vld [tilespmem:s1+$0xD1E0]  }
0xb9: {  	[tilespmem:s1+$0x15000] =	vst v3;
	v2 =	vadd.f32 v2, v5;
	v3 =	vld [tilespmem:s1+$0x5040]  }
0xba: {  	v5 =	vld [tilespmem:s1+$0xD040]  }
0xbb: {  	[tilespmem:s1+$0x15010] =	vst v2;
	v2 =	vld [tilespmem:s1+$0x5050]  }
0xbc: {  	v1 =	vadd.f32 v1, v4;
	v4 =	vld [tilespmem:s1+$0xD050]  }
0xbd: {  	v0 =	vadd.f32 v0, v6;
	v6 =	vld [tilespmem:s1+$0xD060]  }
0xbe: {  	[tilespmem:s1+$0x15020] =	vst v1;
	v1 =	vld [tilespmem:s1+$0x5060]  }
0xbf: {  	[tilespmem:s1+$0x15030] =	vst v0;
	v0 =	vadd.f32 v5, v3;
	v3 =	vld [tilespmem:s1+$0x5070]  }
0xc0: {  	v5 =	vld [tilespmem:s1+$0xD070]  }
0xc1: {  	[tilespmem:s1+$0x15040] =	vst v0;
	v0 =	vadd.f32 v4, v2;
	v2 =	vld [tilespmem:s1+$0x5080]  }
0xc2: {  	v4 =	vld [tilespmem:s1+$0xD080]  }
0xc3: {  	[tilespmem:s1+$0x15050] =	vst v0;
	v0 =	vadd.f32 v6, v1;
	v1 =	vld [tilespmem:s1+$0x5090]  }
0xc4: {  	v6 =	vld [tilespmem:s1+$0xD090]  }
0xc5: {  	[tilespmem:s1+$0x15060] =	vst v0;
	v0 =	vadd.f32 v5, v3;
	v3 =	vld [tilespmem:s1+$0x50A0]  }
0xc6: {  	v5 =	vld [tilespmem:s1+$0xD0A0]  }
0xc7: {  	[tilespmem:s1+$0x15070] =	vst v0;
	v0 =	vadd.f32 v4, v2;
	v2 =	vld [tilespmem:s1+$0x50B0]  }
0xc8: {  	v4 =	vld [tilespmem:s1+$0xD0B0]  }
0xc9: {  	[tilespmem:s1+$0x15080] =	vst v0;
	v0 =	vadd.f32 v6, v1;
	v1 =	vld [tilespmem:s1+$0x50C0]  }
0xca: {  	v6 =	vld [tilespmem:s1+$0xD0C0]  }
0xcb: {  	[tilespmem:s1+$0x15090] =	vst v0;
	v0 =	vadd.f32 v5, v3;
	v3 =	vld [tilespmem:s1+$0x50D0]  }
0xcc: {  	v5 =	vld [tilespmem:s1+$0xD0D0]  }
0xcd: {  	[tilespmem:s1+$0x150A0] =	vst v0;
	v0 =	vadd.f32 v4, v2;
	v2 =	vld [tilespmem:s1+$0x50E0]  }
0xce: {  	v4 =	vld [tilespmem:s1+$0xD0E0]  }
0xcf: {  	[tilespmem:s1+$0x150B0] =	vst v0;
	v0 =	vadd.f32 v6, v1;
	v1 =	vld [tilespmem:s1+$0x50F0]  }
0xd0: {  	v6 =	vld [tilespmem:s1+$0xD0F0]  }
0xd1: {  	[tilespmem:s1+$0x150C0] =	vst v0;
	v0 =	vadd.f32 v5, v3;
	v3 =	vld [tilespmem:s1+$0x5100]  }
0xd2: {  	v5 =	vld [tilespmem:s1+$0xD100]  }
0xd3: {  	[tilespmem:s1+$0x150D0] =	vst v0;
	v0 =	vadd.f32 v4, v2;
	v2 =	vld [tilespmem:s1+$0x5110]  }
0xd4: {  	v4 =	vld [tilespmem:s1+$0xD110]  }
0xd5: {  	[tilespmem:s1+$0x150E0] =	vst v0;
	v0 =	vadd.f32 v6, v1;
	v1 =	vld [tilespmem:s1+$0x5120]  }
0xd6: {  	v6 =	vld [tilespmem:s1+$0xD120]  }
0xd7: {  	[tilespmem:s1+$0x150F0] =	vst v0;
	v0 =	vadd.f32 v5, v3;
	v3 =	vld [tilespmem:s1+$0x5130]  }
0xd8: {  	v5 =	vld [tilespmem:s1+$0xD130]  }
0xd9: {  	[tilespmem:s1+$0x15100] =	vst v0;
	v0 =	vadd.f32 v4, v2;
	v2 =	vld [tilespmem:s1+$0x5140]  }
0xda: {  	v4 =	vld [tilespmem:s1+$0xD140]  }
0xdb: {  	[tilespmem:s1+$0x15110] =	vst v0;
	v0 =	vadd.f32 v6, v1;
	v1 =	vld [tilespmem:s1+$0x5150]  }
0xdc: {  	v6 =	vld [tilespmem:s1+$0xD150]  }
0xdd: {  	[tilespmem:s1+$0x15120] =	vst v0;
	v0 =	vadd.f32 v5, v3;
	v3 =	vld [tilespmem:s1+$0x5160]  }
0xde: {  	v5 =	vld [tilespmem:s1+$0xD160]  }
0xdf: {  	[tilespmem:s1+$0x15130] =	vst v0;
	v0 =	vadd.f32 v4, v2;
	v2 =	vld [tilespmem:s1+$0x5170]  }
0xe0: {  	v4 =	vld [tilespmem:s1+$0xD170]  }
0xe1: {  	[tilespmem:s1+$0x15140] =	vst v0;
	v0 =	vadd.f32 v6, v1;
	v1 =	vld [tilespmem:s1+$0x5180]  }
0xe2: {  	v6 =	vld [tilespmem:s1+$0xD180]  }
0xe3: {  	[tilespmem:s1+$0x15150] =	vst v0;
	v0 =	vadd.f32 v5, v3;
	v3 =	vld [tilespmem:s1+$0x5190]  }
0xe4: {  	v5 =	vld [tilespmem:s1+$0xD190]  }
0xe5: {  	[tilespmem:s1+$0x15160] =	vst v0;
	v0 =	vadd.f32 v4, v2;
	v2 =	vld [tilespmem:s1+$0x51A0]  }
0xe6: {  	v4 =	vld [tilespmem:s1+$0xD1A0]  }
0xe7: {  	[tilespmem:s1+$0x15170] =	vst v0;
	v0 =	vadd.f32 v6, v1;
	v1 =	vld [tilespmem:s1+$0x51B0]  }
0xe8: {  	v6 =	vld [tilespmem:s1+$0xD1B0]  }
0xe9: {  	[tilespmem:s1+$0x15180] =	vst v0;
	v0 =	vadd.f32 v5, v3;
	v3 =	vld [tilespmem:s1+$0x51C0]  }
0xea: {  	v5 =	vld [tilespmem:s1+$0xD1C0]  }
0xeb: {  	[tilespmem:s1+$0x15190] =	vst v0;
	v0 =	vadd.f32 v4, v2;
	v2 =	vld [tilespmem:s1+$0x51D0]  }
0xec: {  	v4 =	vld [tilespmem:s1+$0xD1D0]  }
0xed: {  	[tilespmem:s1+$0x151A0] =	vst v0;
	v0 =	vld [tilespmem:s1+$0x51E0];
	_ =	sdelay $0x1  }
0xee: {  	v1 =	vadd.f32 v6, v1  }
0xef: {  	v3 =	vadd.f32 v5, v3  }
0xf0: {  	s0 =	sshll.u32 s29, $0xF;
	[tilespmem:s1+$0x151B0] =	vst v1;
	v1 =	vadd.f32 v4, v2  }
0xf1: {  	s0 =	sadd.s32 s8, s0;
	[tilespmem:s1+$0x151C0] =	vst v3;
	v0 =	vadd.f32 v7, v0  }
0xf2: {  	s0 =	sshrl.u32 s0, $0x3;
	[tilespmem:s1+$0x151D0] =	vst v1  }
0xf3: {  	p1 =	seq.s32 s29, $0x27;
	s0 =	sadd.s32 s5, s0;
	[tilespmem:s1+$0x151E0] =	vst v0  }
0xf4: {  	[hbm4b:s0+s2] =	stream.linear.scatter [tilespmem:s21], [sflag:$0x5], $0x4000, $0x38;
	[tilespmem:$0x1D000] =	vst v63  }
0xf5: {  	s31 =	simm.s32 @!p1 $0x5000;
	s1 =	simm.s32 @!p1 $0x80;
	s0 =	sadd.s32 @!p1 $0x100, s30  }
0xf6: {  	[tilespmem:s31], [sflag:$0x1] =	stream.indirect.gather @!p1 [hbm4b:s3+s1], $0x80, s0, s1, $0xb8;
	[tilespmem:$0x1D000] =	vst v63  }
0xf7: {  	s0 =	sadd.s32 @!p1 $0x2900, s30;
	s31 =	simm.s32 @!p1 $0xD000  }
0xf8: {  	[tilespmem:s31], [sflag:$0x3] =	stream.indirect.gather @!p1 [hbm4b:s4+s1], $0x80, s0, s1, $0xb8;
	[tilespmem:$0x1D000] =	vst v63  }
0xf9: {  	_ =	swait.ge [sflag:s22], $0x4000  }
0xfa: {  	[sflag:s22] =	ssyncset.done $0x0  }
0xfb: {  	[sflag:s22] =	ssyncadd.s32 $0xFFFFC000  }
0xfc: {  	_ =	swait.ge [sflag:s23], $0x4000  }
0xfd: {  	[sflag:s23] =	ssyncset.done $0x0  }
0xfe: {  	s0 =	simm.s32 @!p0 $0x6;
	[sflag:s23] =	ssyncadd.s32 $0xFFFFC000  }
0xff: {  	_ =	swait.ge @!p0 [sflag:s0], $0x4000  }
0x100: {  	[sflag:s0] =	ssyncset.done @!p0 $0x0  }
0x101: {  	s31 =	simm.s32 $0x0;
	[sflag:s0] =	ssyncadd.s32 @!p0 $0xFFFFC000  }
0x102: {  	v0 =	vld [tilespmem:s31+$0x91F0]  }
0x103: {  	v1 =	vld [tilespmem:s31+$0x111F0]  }
0x104: {  	v2 =	vld [tilespmem:s31+$0x9000]  }
0x105: {  	v3 =	vld [tilespmem:s31+$0x11000]  }
0x106: {  	v4 =	vld [tilespmem:s31+$0x9010]  }
0x107: {  	v5 =	vld [tilespmem:s31+$0x11010]  }
0x108: {  	v6 =	vld [tilespmem:s31+$0x9020]  }
0x109: {  	v7 =	vld [tilespmem:s31+$0x9030];
	v0 =	vadd.f32 v1, v0  }
0x10a: {  	v1 =	vld [tilespmem:s31+$0x11020]  }
0x10b: {  	v2 =	vadd.f32 v3, v2;
	[tilespmem:s31+$0x191F0] =	vst v0;
	v0 =	vld [tilespmem:s31+$0x11030]  }
0x10c: {  	v3 =	vld [tilespmem:s31+$0x9040]  }
0x10d: {  	[tilespmem:s31+$0x19000] =	vst v2;
	v2 =	vadd.f32 v5, v4;
	v4 =	vld [tilespmem:s31+$0x11040]  }
0x10e: {  	v5 =	vld [tilespmem:s31+$0x11050]  }
0x10f: {  	[tilespmem:s31+$0x19010] =	vst v2;
	v2 =	vld [tilespmem:s31+$0x9050];
	v1 =	vadd.f32 v1, v6  }
0x110: {  	v6 =	vld [tilespmem:s31+$0x11060];
	v0 =	vadd.f32 v0, v7  }
0x111: {  	[tilespmem:s31+$0x19020] =	vst v1;
	v1 =	vld [tilespmem:s31+$0x9060]  }
0x112: {  	[tilespmem:s31+$0x19030] =	vst v0;
	v0 =	vadd.f32 v4, v3;
	v3 =	vld [tilespmem:s31+$0x9070]  }
0x113: {  	v4 =	vld [tilespmem:s31+$0x11070]  }
0x114: {  	[tilespmem:s31+$0x19040] =	vst v0;
	v0 =	vadd.f32 v5, v2;
	v2 =	vld [tilespmem:s31+$0x9080]  }
0x115: {  	v5 =	vld [tilespmem:s31+$0x11080]  }
0x116: {  	[tilespmem:s31+$0x19050] =	vst v0;
	v0 =	vadd.f32 v6, v1;
	v1 =	vld [tilespmem:s31+$0x9090]  }
0x117: {  	v6 =	vld [tilespmem:s31+$0x11090]  }
0x118: {  	[tilespmem:s31+$0x19060] =	vst v0;
	v0 =	vadd.f32 v4, v3;
	v3 =	vld [tilespmem:s31+$0x90A0]  }
0x119: {  	v4 =	vld [tilespmem:s31+$0x110A0]  }
0x11a: {  	[tilespmem:s31+$0x19070] =	vst v0;
	v0 =	vadd.f32 v5, v2;
	v2 =	vld [tilespmem:s31+$0x90B0]  }
0x11b: {  	v5 =	vld [tilespmem:s31+$0x110B0]  }
0x11c: {  	[tilespmem:s31+$0x19080] =	vst v0;
	v0 =	vadd.f32 v6, v1;
	v1 =	vld [tilespmem:s31+$0x90C0]  }
0x11d: {  	v6 =	vld [tilespmem:s31+$0x110C0]  }
0x11e: {  	[tilespmem:s31+$0x19090] =	vst v0;
	v0 =	vadd.f32 v4, v3;
	v3 =	vld [tilespmem:s31+$0x90D0]  }
0x11f: {  	v4 =	vld [tilespmem:s31+$0x110D0]  }
0x120: {  	[tilespmem:s31+$0x190A0] =	vst v0;
	v0 =	vadd.f32 v5, v2;
	v2 =	vld [tilespmem:s31+$0x90E0]  }
0x121: {  	v5 =	vld [tilespmem:s31+$0x110E0]  }
0x122: {  	[tilespmem:s31+$0x190B0] =	vst v0;
	v0 =	vadd.f32 v6, v1;
	v1 =	vld [tilespmem:s31+$0x90F0]  }
0x123: {  	v6 =	vld [tilespmem:s31+$0x110F0]  }
0x124: {  	[tilespmem:s31+$0x190C0] =	vst v0;
	v0 =	vadd.f32 v4, v3;
	v3 =	vld [tilespmem:s31+$0x9100]  }
0x125: {  	v4 =	vld [tilespmem:s31+$0x11100]  }
0x126: {  	[tilespmem:s31+$0x190D0] =	vst v0;
	v0 =	vadd.f32 v5, v2;
	v2 =	vld [tilespmem:s31+$0x9110]  }
0x127: {  	v5 =	vld [tilespmem:s31+$0x11110]  }
0x128: {  	[tilespmem:s31+$0x190E0] =	vst v0;
	v0 =	vadd.f32 v6, v1;
	v1 =	vld [tilespmem:s31+$0x9120]  }
0x129: {  	v6 =	vld [tilespmem:s31+$0x11120]  }
0x12a: {  	[tilespmem:s31+$0x190F0] =	vst v0;
	v0 =	vadd.f32 v4, v3;
	v3 =	vld [tilespmem:s31+$0x9130]  }
0x12b: {  	v4 =	vld [tilespmem:s31+$0x11130]  }
0x12c: {  	[tilespmem:s31+$0x19100] =	vst v0;
	v0 =	vadd.f32 v5, v2;
	v2 =	vld [tilespmem:s31+$0x9140]  }
0x12d: {  	v5 =	vld [tilespmem:s31+$0x11140]  }
0x12e: {  	[tilespmem:s31+$0x19110] =	vst v0;
	v0 =	vadd.f32 v6, v1;
	v1 =	vld [tilespmem:s31+$0x9150]  }
0x12f: {  	v6 =	vld [tilespmem:s31+$0x11150]  }
0x130: {  	[tilespmem:s31+$0x19120] =	vst v0;
	v0 =	vadd.f32 v4, v3;
	v3 =	vld [tilespmem:s31+$0x9160]  }
0x131: {  	v4 =	vld [tilespmem:s31+$0x11160]  }
0x132: {  	[tilespmem:s31+$0x19130] =	vst v0;
	v0 =	vadd.f32 v5, v2;
	v2 =	vld [tilespmem:s31+$0x9170]  }
0x133: {  	v5 =	vld [tilespmem:s31+$0x11170]  }
0x134: {  	[tilespmem:s31+$0x19140] =	vst v0;
	v0 =	vadd.f32 v6, v1;
	v1 =	vld [tilespmem:s31+$0x9180]  }
0x135: {  	v6 =	vld [tilespmem:s31+$0x11180]  }
0x136: {  	[tilespmem:s31+$0x19150] =	vst v0;
	v0 =	vadd.f32 v4, v3;
	v3 =	vld [tilespmem:s31+$0x9190]  }
0x137: {  	v4 =	vld [tilespmem:s31+$0x11190]  }
0x138: {  	[tilespmem:s31+$0x19160] =	vst v0;
	v0 =	vadd.f32 v5, v2;
	v2 =	vld [tilespmem:s31+$0x91A0]  }
0x139: {  	v5 =	vld [tilespmem:s31+$0x111A0]  }
0x13a: {  	[tilespmem:s31+$0x19170] =	vst v0;
	v0 =	vadd.f32 v6, v1;
	v1 =	vld [tilespmem:s31+$0x91B0]  }
0x13b: {  	v6 =	vld [tilespmem:s31+$0x111B0]  }
0x13c: {  	v8 =	vld [tilespmem:s31+$0x111C0]  }
0x13d: {  	v7 =	vld [tilespmem:s31+$0x91C0];
	[tilespmem:s31+$0x19180] =	vst v0;
	v0 =	vadd.f32 v4, v3  }
0x13e: {  	v3 =	vld [tilespmem:s31+$0x111D0]  }
0x13f: {  	[tilespmem:s31+$0x19190] =	vst v0;
	v0 =	vadd.f32 v5, v2;
	v2 =	vld [tilespmem:s31+$0x91D0]  }
0x140: {  	v4 =	vld [tilespmem:s31+$0x111E0];
	v5 =	vadd.f32 v6, v1  }
0x141: {  	s1 =	simm.s32 $0x200;
	[tilespmem:s31+$0x191A0] =	vst v0;
	v0 =	vld [tilespmem:s31+$0x91E0]  }
0x142: {  	s0 =	simm.s32 $0x1000;
	v1 =	vld [tilespmem:s1+$0x91F0];
	[tilespmem:s31+$0x191B0] =	vst v5;
	v5 =	vadd.f32 v8, v7  }
.LBB2_5:
0x143: {  	p0 =	sne.s32 s0, $0xF800;
	v6 =	vld [tilespmem:s1+$0x111F0]  }
0x144: {  	v7 =	vld [tilespmem:s1+$0x9000];
	[tilespmem:s31+$0x191C0] =	vst v5;
	v2 =	vadd.f32 v3, v2  }
0x145: {  	v3 =	vld [tilespmem:s1+$0x11000]  }
0x146: {  	v5 =	vld [tilespmem:s1+$0x9010];
	[tilespmem:s31+$0x191D0] =	vst v2;
	v0 =	vadd.f32 v4, v0  }
0x147: {  	v2 =	vld [tilespmem:s1+$0x11010]  }
0x148: {  	v4 =	vld [tilespmem:s1+$0x9020];
	v1 =	vadd.f32 v6, v1;
	[tilespmem:s31+$0x191E0] =	vst v0;
	s31 =	smov.u32 s1  }
0x149: {  	v0 =	vld [tilespmem:s31+$0x11020]  }
0x14a: {  	v3 =	vadd.f32 v3, v7;
	v6 =	vld [tilespmem:s31+$0x9030];
	[tilespmem:s31+$0x191F0] =	vst v1  }
0x14b: {  	v1 =	vld [tilespmem:s31+$0x11030]  }
0x14c: {  	[tilespmem:s31+$0x19000] =	vst v3;
	v2 =	vadd.f32 v2, v5;
	v3 =	vld [tilespmem:s31+$0x9040]  }
0x14d: {  	v5 =	vld [tilespmem:s31+$0x11040]  }
0x14e: {  	[tilespmem:s31+$0x19010] =	vst v2;
	v0 =	vadd.f32 v0, v4;
	v2 =	vld [tilespmem:s31+$0x9050]  }
0x14f: {  	v4 =	vld [tilespmem:s31+$0x11050]  }
0x150: {  	[tilespmem:s31+$0x19020] =	vst v0;
	v0 =	vadd.f32 v1, v6;
	v1 =	vld [tilespmem:s31+$0x9060]  }
0x151: {  	v6 =	vld [tilespmem:s31+$0x11060]  }
0x152: {  	[tilespmem:s31+$0x19030] =	vst v0;
	v0 =	vadd.f32 v5, v3;
	v3 =	vld [tilespmem:s31+$0x9070]  }
0x153: {  	v5 =	vld [tilespmem:s31+$0x11070]  }
0x154: {  	[tilespmem:s31+$0x19040] =	vst v0;
	v0 =	vadd.f32 v4, v2;
	v2 =	vld [tilespmem:s31+$0x9080]  }
0x155: {  	v4 =	vld [tilespmem:s31+$0x11080]  }
0x156: {  	[tilespmem:s31+$0x19050] =	vst v0;
	v0 =	vadd.f32 v6, v1;
	v1 =	vld [tilespmem:s31+$0x9090]  }
0x157: {  	v6 =	vld [tilespmem:s31+$0x11090]  }
0x158: {  	[tilespmem:s31+$0x19060] =	vst v0;
	v0 =	vadd.f32 v5, v3;
	v3 =	vld [tilespmem:s31+$0x90A0]  }
0x159: {  	v5 =	vld [tilespmem:s31+$0x110A0]  }
0x15a: {  	[tilespmem:s31+$0x19070] =	vst v0;
	v0 =	vadd.f32 v4, v2;
	v2 =	vld [tilespmem:s31+$0x90B0]  }
0x15b: {  	v4 =	vld [tilespmem:s31+$0x110B0]  }
0x15c: {  	[tilespmem:s31+$0x19080] =	vst v0;
	v0 =	vadd.f32 v6, v1;
	v1 =	vld [tilespmem:s31+$0x90C0]  }
0x15d: {  	v6 =	vld [tilespmem:s31+$0x110C0]  }
0x15e: {  	[tilespmem:s31+$0x19090] =	vst v0;
	v0 =	vadd.f32 v5, v3;
	v3 =	vld [tilespmem:s31+$0x90D0]  }
0x15f: {  	v5 =	vld [tilespmem:s31+$0x110D0]  }
0x160: {  	[tilespmem:s31+$0x190A0] =	vst v0;
	v0 =	vadd.f32 v4, v2;
	v2 =	vld [tilespmem:s31+$0x90E0]  }
0x161: {  	v4 =	vld [tilespmem:s31+$0x110E0]  }
0x162: {  	[tilespmem:s31+$0x190B0] =	vst v0;
	v0 =	vadd.f32 v6, v1;
	v1 =	vld [tilespmem:s31+$0x90F0]  }
0x163: {  	v6 =	vld [tilespmem:s31+$0x110F0]  }
0x164: {  	[tilespmem:s31+$0x190C0] =	vst v0;
	v0 =	vadd.f32 v5, v3;
	v3 =	vld [tilespmem:s31+$0x9100]  }
0x165: {  	v5 =	vld [tilespmem:s31+$0x11100]  }
0x166: {  	[tilespmem:s31+$0x190D0] =	vst v0;
	v0 =	vadd.f32 v4, v2;
	v2 =	vld [tilespmem:s31+$0x9110]  }
0x167: {  	v4 =	vld [tilespmem:s31+$0x11110]  }
0x168: {  	[tilespmem:s31+$0x190E0] =	vst v0;
	v0 =	vadd.f32 v6, v1;
	v1 =	vld [tilespmem:s31+$0x9120]  }
0x169: {  	v6 =	vld [tilespmem:s31+$0x11120]  }
0x16a: {  	[tilespmem:s31+$0x190F0] =	vst v0;
	v0 =	vadd.f32 v5, v3;
	v3 =	vld [tilespmem:s31+$0x9130]  }
0x16b: {  	v5 =	vld [tilespmem:s31+$0x11130]  }
0x16c: {  	[tilespmem:s31+$0x19100] =	vst v0;
	v0 =	vadd.f32 v4, v2;
	v2 =	vld [tilespmem:s31+$0x9140]  }
0x16d: {  	v4 =	vld [tilespmem:s31+$0x11140]  }
0x16e: {  	[tilespmem:s31+$0x19110] =	vst v0;
	v0 =	vadd.f32 v6, v1;
	v1 =	vld [tilespmem:s31+$0x9150]  }
0x16f: {  	v6 =	vld [tilespmem:s31+$0x11150]  }
0x170: {  	[tilespmem:s31+$0x19120] =	vst v0;
	v0 =	vadd.f32 v5, v3;
	v3 =	vld [tilespmem:s31+$0x9160]  }
0x171: {  	v5 =	vld [tilespmem:s31+$0x11160]  }
0x172: {  	[tilespmem:s31+$0x19130] =	vst v0;
	v0 =	vadd.f32 v4, v2;
	v2 =	vld [tilespmem:s31+$0x9170]  }
0x173: {  	v4 =	vld [tilespmem:s31+$0x11170]  }
0x174: {  	[tilespmem:s31+$0x19140] =	vst v0;
	v0 =	vadd.f32 v6, v1;
	v1 =	vld [tilespmem:s31+$0x9180]  }
0x175: {  	v6 =	vld [tilespmem:s31+$0x11180]  }
0x176: {  	[tilespmem:s31+$0x19150] =	vst v0;
	v0 =	vadd.f32 v5, v3;
	v3 =	vld [tilespmem:s31+$0x9190]  }
0x177: {  	v5 =	vld [tilespmem:s31+$0x11190]  }
0x178: {  	[tilespmem:s31+$0x19160] =	vst v0;
	v0 =	vadd.f32 v4, v2;
	v2 =	vld [tilespmem:s31+$0x91A0]  }
0x179: {  	v4 =	vld [tilespmem:s31+$0x111A0]  }
0x17a: {  	[tilespmem:s31+$0x19170] =	vst v0;
	v0 =	vadd.f32 v6, v1;
	v1 =	vld [tilespmem:s31+$0x91B0]  }
0x17b: {  	v6 =	vld [tilespmem:s31+$0x111B0]  }
0x17c: {  	[tilespmem:s31+$0x19180] =	vst v0;
	v0 =	vadd.f32 v5, v3;
	v5 =	vld [tilespmem:s31+$0x91C0]  }
0x17d: {  	v7 =	vld [tilespmem:s31+$0x111C0]  }
.Ltmp3:
0x17e: {  	[tilespmem:s31+$0x19190] =	vst v0;
	v0 =	vadd.f32 v4, v2;
	v2 =	vld [tilespmem:s31+$0x91D0];
	(pc) =	sbr.rel @p0 .LBB2_5-.Ltmp3, $4  }
0x17f: {  	v3 =	vld [tilespmem:s31+$0x111D0]  }
0x180: {  	[tilespmem:s31+$0x191A0] =	vst v0;
	v6 =	vadd.f32 v6, v1;
	v0 =	vld [tilespmem:s31+$0x91E0]  }
0x181: {  	s1 =	sshra.s32 s0, $0x2;
	v4 =	vld [tilespmem:s31+$0x111E0]  }
0x182: {  	s0 =	sadd.s32 $0x800, s0;
	v1 =	vld [tilespmem:s1+$0x91F0];
	[tilespmem:s31+$0x191B0] =	vst v6;
	v5 =	vadd.f32 v7, v5  }
0x183: {  	v6 =	vld [tilespmem:s1+$0x111F0]  }
0x184: {  	v7 =	vld [tilespmem:s1+$0x9000];
	[tilespmem:s31+$0x191C0] =	vst v5;
	v2 =	vadd.f32 v3, v2  }
0x185: {  	v35 =	vld [tilespmem:s1+$0x11000]  }
0x186: {  	v5 =	vld [tilespmem:s1+$0x9010];
	[tilespmem:s31+$0x191D0] =	vst v2;
	v0 =	vadd.f32 v4, v0  }
0x187: {  	v2 =	vld [tilespmem:s1+$0x11010]  }
0x188: {  	v36 =	vld [tilespmem:s1+$0x9020];
	[tilespmem:s31+$0x191E0] =	vst v0  }
0x189: {  	v38 =	vld [tilespmem:s1+$0x11020]  }
0x18a: {  	v39 =	vld [tilespmem:s1+$0x9030]  }
0x18b: {  	v40 =	vld [tilespmem:s1+$0x11030]  }
0x18c: {  	v41 =	vld [tilespmem:s1+$0x9040]  }
0x18d: {  	v42 =	vld [tilespmem:s1+$0x11040]  }
0x18e: {  	v43 =	vld [tilespmem:s1+$0x9050]  }
0x18f: {  	v44 =	vld [tilespmem:s1+$0x11050]  }
0x190: {  	v45 =	vld [tilespmem:s1+$0x9060]  }
0x191: {  	v46 =	vld [tilespmem:s1+$0x11060]  }
0x192: {  	v48 =	vld [tilespmem:s1+$0x9070]  }
0x193: {  	v49 =	vld [tilespmem:s1+$0x11070]  }
0x194: {  	v51 =	vld [tilespmem:s1+$0x9080]  }
0x195: {  	v52 =	vld [tilespmem:s1+$0x11080]  }
0x196: {  	v54 =	vld [tilespmem:s1+$0x9090]  }
0x197: {  	v55 =	vld [tilespmem:s1+$0x11090]  }
0x198: {  	v57 =	vld [tilespmem:s1+$0x90A0]  }
0x199: {  	v58 =	vld [tilespmem:s1+$0x110A0]  }
0x19a: {  	v60 =	vld [tilespmem:s1+$0x90B0]  }
0x19b: {  	v61 =	vld [tilespmem:s1+$0x110B0]  }
0x19c: {  	v63 =	vld [tilespmem:s1+$0x90C0]  }
0x19d: {  	v9 =	vld [tilespmem:s1+$0x110C0]  }
0x19e: {  	v11 =	vld [tilespmem:s1+$0x90D0]  }
0x19f: {  	v12 =	vld [tilespmem:s1+$0x110D0]  }
0x1a0: {  	v14 =	vld [tilespmem:s1+$0x90E0]  }
0x1a1: {  	v15 =	vld [tilespmem:s1+$0x110E0]  }
0x1a2: {  	v17 =	vld [tilespmem:s1+$0x90F0]  }
0x1a3: {  	v18 =	vld [tilespmem:s1+$0x110F0]  }
0x1a4: {  	v20 =	vld [tilespmem:s1+$0x9100]  }
0x1a5: {  	v21 =	vld [tilespmem:s1+$0x11100]  }
0x1a6: {  	v23 =	vld [tilespmem:s1+$0x9110]  }
0x1a7: {  	v37 =	vadd.f32 v6, v1;
	v24 =	vld [tilespmem:s1+$0x11110]  }
0x1a8: {  	v26 =	vld [tilespmem:s1+$0x9120];
	v3 =	vadd.f32 v35, v7  }
0x1a9: {  	v27 =	vld [tilespmem:s1+$0x11120];
	[tilespmem:s1+$0x191F0] =	vst v37;
	v2 =	vadd.f32 v2, v5  }
0x1aa: {  	v29 =	vld [tilespmem:s1+$0x9130];
	[tilespmem:s1+$0x19000] =	vst v3;
	v1 =	vadd.f32 v38, v36  }
0x1ab: {  	v30 =	vld [tilespmem:s1+$0x11130];
	[tilespmem:s1+$0x19010] =	vst v2;
	v0 =	vadd.f32 v40, v39  }
0x1ac: {  	v32 =	vld [tilespmem:s1+$0x9140];
	v47 =	vadd.f32 v42, v41;
	[tilespmem:s1+$0x19020] =	vst v1  }
0x1ad: {  	v33 =	vld [tilespmem:s1+$0x11140];
	v50 =	vadd.f32 v44, v43;
	[tilespmem:s1+$0x19030] =	vst v0  }
0x1ae: {  	v35 =	vld [tilespmem:s1+$0x9150];
	v53 =	vadd.f32 v46, v45;
	[tilespmem:s1+$0x19040] =	vst v47  }
0x1af: {  	v56 =	vadd.f32 v49, v48;
	v36 =	vld [tilespmem:s1+$0x11150];
	[tilespmem:s1+$0x19050] =	vst v50  }
0x1b0: {  	v59 =	vadd.f32 v52, v51;
	v38 =	vld [tilespmem:s1+$0x9160];
	[tilespmem:s1+$0x19060] =	vst v53  }
0x1b1: {  	v62 =	vadd.f32 v55, v54;
	v39 =	vld [tilespmem:s1+$0x11160];
	[tilespmem:s1+$0x19070] =	vst v56  }
0x1b2: {  	v10 =	vadd.f32 v58, v57;
	v41 =	vld [tilespmem:s1+$0x9170];
	[tilespmem:s1+$0x19080] =	vst v59  }
0x1b3: {  	v13 =	vadd.f32 v61, v60;
	v42 =	vld [tilespmem:s1+$0x11170];
	[tilespmem:s1+$0x19090] =	vst v62  }
0x1b4: {  	v16 =	vadd.f32 v9, v63;
	v44 =	vld [tilespmem:s1+$0x9180];
	[tilespmem:s1+$0x190A0] =	vst v10  }
0x1b5: {  	v19 =	vadd.f32 v12, v11;
	v45 =	vld [tilespmem:s1+$0x11180];
	[tilespmem:s1+$0x190B0] =	vst v13  }
0x1b6: {  	v22 =	vadd.f32 v15, v14;
	v48 =	vld [tilespmem:s1+$0x11190];
	[tilespmem:s1+$0x190C0] =	vst v16  }
0x1b7: {  	v25 =	vadd.f32 v18, v17;
	v51 =	vld [tilespmem:s1+$0x111A0];
	[tilespmem:s1+$0x190D0] =	vst v19  }
0x1b8: {  	v28 =	vadd.f32 v21, v20;
	v54 =	vld [tilespmem:s1+$0x111B0];
	[tilespmem:s1+$0x190E0] =	vst v22  }
0x1b9: {  	v31 =	vadd.f32 v24, v23;
	v57 =	vld [tilespmem:s1+$0x111C0];
	[tilespmem:s1+$0x190F0] =	vst v25  }
0x1ba: {  	v34 =	vadd.f32 v27, v26;
	v60 =	vld [tilespmem:s1+$0x111D0];
	[tilespmem:s1+$0x19100] =	vst v28  }
0x1bb: {  	v37 =	vadd.f32 v30, v29;
	v61 =	vld [tilespmem:s1+$0x91E0];
	[tilespmem:s1+$0x19110] =	vst v31  }
0x1bc: {  	v40 =	vadd.f32 v33, v32;
	[tilespmem:s1+$0x19120] =	vst v34;
	v47 =	vld [tilespmem:s1+$0x9190]  }
0x1bd: {  	[tilespmem:s1+$0x19130] =	vst v37;
	v50 =	vld [tilespmem:s1+$0x91A0];
	v43 =	vadd.f32 v36, v35  }
0x1be: {  	[tilespmem:s1+$0x19140] =	vst v40;
	v53 =	vld [tilespmem:s1+$0x91B0];
	v46 =	vadd.f32 v39, v38  }
0x1bf: {  	v56 =	vld [tilespmem:s1+$0x91C0];
	v49 =	vadd.f32 v42, v41;
	[tilespmem:s1+$0x19150] =	vst v43  }
0x1c0: {  	v59 =	vld [tilespmem:s1+$0x91D0];
	v52 =	vadd.f32 v45, v44;
	[tilespmem:s1+$0x19160] =	vst v46  }
0x1c1: {  	v62 =	vld [tilespmem:s1+$0x111E0];
	[tilespmem:s1+$0x19170] =	vst v49;
	v55 =	vadd.f32 v48, v47  }
0x1c2: {  	[tilespmem:s1+$0x19180] =	vst v52;
	v58 =	vadd.f32 v51, v50  }
0x1c3: {  	v1 =	vadd.f32 v54, v53;
	[tilespmem:s1+$0x19190] =	vst v55  }
0x1c4: {  	v3 =	vadd.f32 v57, v56;
	[tilespmem:s1+$0x191A0] =	vst v58  }
.Ltmp4:
0x1c5: {  	s0 =	sadd.s32 s30, s9;
	v63 =	vadd.f32 v60, v59;
	[tilespmem:s1+$0x191B0] =	vst v1;
	(pc) =	sbr.rel @p1 .LBB2_8-.Ltmp4, $4  }
0x1c6: {  	s0 =	sshll.u32 s0, $0x4;
	v0 =	vadd.f32 v62, v61;
	[tilespmem:s1+$0x191C0] =	vst v3  }
0x1c7: {  	s0 =	sand.u32 $0x1FFFF800, s0;
	[tilespmem:s1+$0x191D0] =	vst v63  }
0x1c8: {  	s0 =	sadd.s32 s5, s0;
	[tilespmem:s1+$0x191E0] =	vst v0  }
0x1c9: {  	[hbm4b:s0+s2] =	stream.linear.scatter [tilespmem:s24], [sflag:$0x6], $0x4000, $0x38;
	[tilespmem:$0x1D000] =	vst v63  }
.Ltmp5:
0x1ca: {  	(pc) =	sbr.rel .LBB2_2-.Ltmp5, $4  }
0x1cb: {  	s0 =	sadd.s32 $0x180, s30  }
0x1cc: {  	[tilespmem:s16], [sflag:$0x2] =	stream.indirect.gather [hbm4b:s3+s13], $0x80, s0, s13, $0xb8;
	[tilespmem:$0x1D000] =	vst v63  }
0x1cd: {  	s31 =	sadd.s32 $0x2980, s30;
	s29 =	sadd.s32 $0x1, s29  }
0x1ce: {  	[tilespmem:s18], [sflag:$0x4] =	stream.indirect.gather [hbm4b:s4+s13], $0x80, s31, s13, $0xb8;
	[tilespmem:$0x1D000] =	vst v63  }
.LBB2_9:
0x1cf: {  	_ =	sfence.sel $0x180000  }
0x1d0: {  	[bflag:$0x0] =	sbarrier.arrive $0xFFFF  }
0x1d1: {  	_ =	strace $0x90000047  }
0x1d2: {  	s0 =	stileid.u32;
	[bflag:$0x2] =	sbarrier.arrive $0xFFFF  }
0x1d3: {  	p0 =	sne.s32 s0, $0x0;
	s0 =	rddreg [dreg:$0x1]  }
0x1d4: {  	s0 =	sadd.s32 @!p0 $0x100000, s0  }
0x1d5: {  	[sflag:s0] =	ssyncadd.tile.s32 @!p0 $0x1;
	_ =	shalt  }
.Lfunc_end2:
_tile_overlayer_lowered:
.L_overlay_start_2:
0x1d6: {  	(tag) =	ssettag $0x2  }
0x1d7: {  	s0 =	rddreg [dreg:$0x0];
	s2 =	stileid.u32  }
0x1d8: {  	s1 =	rddreg [dreg:$0x1];
	p0 =	sne.s32 s2, $0x0  }
0x1d9: {  	s3 =	rddreg [dreg:$0x2];
	[bflag:$0x3] =	sbarrier.arrive $0xFFFF;
	s2 =	simm.s32 @!p0 $0x1C07  }
0x1da: {  	[timem:s3], [sflag:s2] =	dma.local @!p0 [hbm:s0], s1  }
0x1db: {  	s0 =	simm.s32 @!p0 $0x7  }
0x1dc: {  	_ =	swait.ge @!p0 [sflag:s0], s1  }
0x1dd: {  	s1 =	ssub.s32 @!p0 $0x0, s1;
	[sflag:s0] =	ssyncset.done @!p0 $0x0  }
0x1de: {  	[sflag:s0] =	ssyncadd.s32 @!p0 s1  }
0x1df: {  	[bflag:$0x3] =	sbarrier.arrive $0xFFFF  }
0x1e0: {  	_ =	shalt  }

// kernel: kernel.9.cloned.1.call-start
scs
__scs_entry_jumppad:
0x0: {  	(pc) =	sbr.rel $0x88, $3  }
0x1: {  	(tag) =	ssettag $0x0;
	lr =	simm.s32 $0x1  }
0x2: {  	[smem:$0x3F88] =	sst lr;
	_ =	strace $0xD0000000  }
0x3: {  	_ = 	snop  }
0x4: {  	_ = 	snop  }
0x5: {  	_ = 	snop  }
0x6: {  	_ = 	snop  }
0x7: {  	_ = 	snop  }
__scs_overlays_trampoline_lowered:
0x8: {  	[smem:$0x3F97] =	sst s0  }
0x9: {  	[smem:$0x3F98] =	sst s1  }
0xa: {  	[smem:$0x3F99] =	sst s2  }
0xb: {  	[smem:$0x3F9A] =	sst s3  }
0xc: {  	[smem:$0x3F9B] =	sst s4  }
0xd: {  	[smem:$0x3F9C] =	sst s5  }
0xe: {  	[smem:$0x3F9D] =	sst s6  }
0xf: {  	[smem:$0x3F9E] =	sst s7  }
0x10: {  	[smem:$0x3F9F] =	sst s8  }
0x11: {  	[smem:$0x3FA0] =	sst s9;
	s0 =	simm.s32 @!p0 $0x0  }
0x12: {  	s1 =	sld [smem:$0x3F86];
	s0 =	simm.s32 @p0 $0x1  }
0x13: {  	[smem:$0x3FA1] =	sst s0;
	s0 =	simm.s32 @!p1 $0x0  }
0x14: {  	s2 =	sld [smem:$0x3F85];
	s0 =	simm.s32 @p1 $0x1  }
0x15: {  	[smem:$0x3FA2] =	sst s0;
	s0 =	simm.s32 @!p2 $0x0  }
0x16: {  	s3 =	sld [smem:$0x3FDB];
	s0 =	simm.s32 @p2 $0x1  }
0x17: {  	s4 =	simm.s32 $0x1BF5;
	[smem:$0x3FA4] =	sst s0  }
0x18: {  	s0 =	sld [smem:$0x3F87];
	_ =	swait.ge [sflag:s4], $0x0  }
0x19: {  	s7 =	sld [smem:$0x3F88]  }
0x1a: {  	s8 =	sadd.s32 $0xFFFFE003, lr  }
0x1b: {  	s9 =	sadd.s32 $0xFFFFFEF7, lr;
	s5 =	simm.s32 $0xFFFFFFFF;
	p2 =	slt.u32 s8, $0xFFFFF086  }
0x1c: {  	p1 =	slt.u32 s9, $0xF7A;
	s5 =	simm.s32 @!p2 $0x0  }
0x1d: {  	s5 =	simm.s32 @p1 $0x1;
	p0 =	seq.s32 s7, s2  }
0x1e: {  	s7 =	smul.u32 @!p0 $0xF7A, s2;
	p2 =	seq.s32 @!p0 s5, $0x0  }
0x1f: {  	s9 =	smul.u32 $0xF7A, s1;
	s8 =	simm.s32 @!p0 $0x1BF5;
	p2 =	por !p2, p0  }
0x20: {  	[sflag:s8] =	ssyncset.s32 @!p0 $0xFFFFF086;
	s6 =	sadd.s32 @!p0 s3, s7;
	s7 =	simm.s32 @!p0 $0x108  }
0x21: {  	s3 =	sadd.s32 s3, s9;
	s6 =	sadd.s32 @!p0 $0x88, s6;
	s7 =	simm.s32 @p2 $0x1082  }
0x22: {  	[simem:s7], [sflag:s8] =	dma.local @!p0 [hbm:s6], $0xF7A  }
0x23: {  	s9 =	sor.u32 $0xD0000000, s2;
	s6 =	simm.s32 $0x108;
	_ =	swait.ge @!p0 [sflag:s8], $0x0  }
0x24: {  	s3 =	sadd.s32 $0x88, s3;
	s6 =	simm.s32 @!p1 $0x1082;
	[sflag:s4] =	ssyncset.s32 $0xFFFFF086  }
0x25: {  	[simem:s6], [sflag:s4] =	dma.local [hbm:s3], $0xF7A  }
0x26: {  	[smem:$0x3F88] =	sst s1;
	(tag) =	ssettag s2;
	_ =	strace s9  }
0x27: {  	s1 =	sld [smem:$0x3F98]  }
0x28: {  	s2 =	sld [smem:$0x3F99]  }
0x29: {  	s4 =	sld [smem:$0x3F9B]  }
0x2a: {  	p0 =	seq.s32 s5, $0x0;
	s5 =	sld [smem:$0x3F9C]  }
0x2b: {  	s6 =	sld [smem:$0x3F9D]  }
0x2c: {  	s7 =	sld [smem:$0x3F9E]  }
0x2d: {  	s3 =	simm.s32 $0x108;
	s8 =	sld [smem:$0x3F9F]  }
0x2e: {  	s3 =	simm.s32 @!p0 $0x1082;
	s9 =	sld [smem:$0x3FA0]  }
0x2f: {  	lr =	sadd.s32 s0, s3;
	s0 =	sld [smem:$0x3F97]  }
0x30: {  	s3 =	sld [smem:$0x3F9A]  }
0x31: {  	[smem:$0x3FA3] =	sst s10  }
0x32: {  	s10 =	sld [smem:$0x3FA1];
	_ =	sdelay $0x3  }
0x33: {  	p0 =	seq.s32 s10, $0x1;
	s10 =	sld [smem:$0x3FA3];
	_ =	sdelay $0x3  }
0x34: {  	[smem:$0x3FA3] =	sst s10  }
0x35: {  	s10 =	sld [smem:$0x3FA2];
	_ =	sdelay $0x3  }
0x36: {  	p1 =	seq.s32 s10, $0x1;
	s10 =	sld [smem:$0x3FA3];
	_ =	sdelay $0x3  }
0x37: {  	[smem:$0x3FA3] =	sst s10  }
0x38: {  	s10 =	sld [smem:$0x3FA4]  }
0x39: {  	_ = 	snop;
	(pc) =	sbr.ind lr, $3  }
0x3a: {  	_ = 	snop  }
0x3b: {  	_ = 	snop  }
0x3c: {  	p2 =	seq.s32 s10, $0x1;
	s10 =	sld [smem:$0x3FA3]  }
0x3d: {  	_ =	shalt  }
0x3e: {  	_ =	shalt  }
0x3f: {  	_ =	shalt  }
0x40: {  	_ =	shalt  }
0x41: {  	_ =	shalt  }
0x42: {  	_ =	shalt  }
0x43: {  	_ =	shalt  }
0x44: {  	_ =	shalt  }
0x45: {  	_ =	shalt  }
0x46: {  	_ =	shalt  }
0x47: {  	_ =	shalt  }
0x48: {  	_ =	shalt  }
0x49: {  	_ =	shalt  }
0x4a: {  	_ =	shalt  }
0x4b: {  	_ =	shalt  }
0x4c: {  	_ =	shalt  }
0x4d: {  	_ =	shalt  }
0x4e: {  	_ =	shalt  }
0x4f: {  	_ =	shalt  }
0x50: {  	_ =	shalt  }
0x51: {  	_ =	shalt  }
0x52: {  	_ =	shalt  }
0x53: {  	_ =	shalt  }
0x54: {  	_ =	shalt  }
0x55: {  	_ =	shalt  }
0x56: {  	_ =	shalt  }
0x57: {  	_ =	shalt  }
0x58: {  	_ =	shalt  }
0x59: {  	_ =	shalt  }
0x5a: {  	_ =	shalt  }
0x5b: {  	_ =	shalt  }
0x5c: {  	_ =	shalt  }
0x5d: {  	_ =	shalt  }
0x5e: {  	_ =	shalt  }
0x5f: {  	_ =	shalt  }
0x60: {  	_ =	shalt  }
0x61: {  	_ =	shalt  }
0x62: {  	_ =	shalt  }
0x63: {  	_ =	shalt  }
0x64: {  	_ =	shalt  }
0x65: {  	_ =	shalt  }
0x66: {  	_ =	shalt  }
0x67: {  	_ =	shalt  }
0x68: {  	_ =	shalt  }
0x69: {  	_ =	shalt  }
0x6a: {  	_ =	shalt  }
0x6b: {  	_ =	shalt  }
0x6c: {  	_ =	shalt  }
0x6d: {  	_ =	shalt  }
0x6e: {  	_ =	shalt  }
0x6f: {  	_ =	shalt  }
0x70: {  	_ =	shalt  }
0x71: {  	_ =	shalt  }
0x72: {  	_ =	shalt  }
0x73: {  	_ =	shalt  }
0x74: {  	_ =	shalt  }
0x75: {  	_ =	shalt  }
0x76: {  	_ =	shalt  }
0x77: {  	_ =	shalt  }
0x78: {  	_ =	shalt  }
0x79: {  	_ =	shalt  }
0x7a: {  	_ =	shalt  }
0x7b: {  	_ =	shalt  }
0x7c: {  	_ =	shalt  }
0x7d: {  	_ =	shalt  }
0x7e: {  	_ =	shalt  }
0x7f: {  	_ =	shalt  }
0x80: {  	_ =	shalt  }
0x81: {  	_ =	shalt  }
0x82: {  	_ =	shalt  }
0x83: {  	_ =	shalt  }
0x84: {  	_ =	shalt  }
0x85: {  	_ =	shalt  }
0x86: {  	_ =	shalt  }
0x87: {  	_ =	shalt  }
.Lfunc_end0:
.L_simem_size_0:
called_computation.1_lowered:
.L_overlay_start_0:
0x88: {  	s2 =	sld [smem:$0x3FD9]  }
0x89: {  	s3 =	sld [smem:$0x3FFE];
	_ =	sdelay $0x1  }
0x8a: {  	s1 =	srdreg.scid  }
0x8b: {  	s0 =	sand.u32 $0x1, s1  }
0x8c: {  	s16 =	sshll.u32 s0, $0xA;
	s2 =	sadd.s32 s3, s2  }
0x8d: {  	s2 =	sadd.s32 s2, s16  }
0x8e: {  	[smem:$0x3FAF] =	sst s2  }
0x8f: {  	_ = 	snop  }
0x90: {  	(tm) =	ssettm $0x1  }
0x91: {  	s17 =	sld [smem:$0x3FFB];
	_ =	sdelay $0x3  }
0x92: {  	_ =	strace s17  }
0x93: {  	s2 =	sld [smem:$0x3FFC];
	_ =	sdelay $0x3  }
0x94: {  	_ =	strace s2  }
0x95: {  	s2 =	sld [smem:$0x3FFD];
	_ =	sdelay $0x3  }
0x96: {  	_ =	strace s2  }
0x97: {  	_ =	strace $0x8FFFFFFF  }
0x98: {  	s18 =	sld [smem:$0x3FDB];
	_ =	sdelay $0x1  }
0x99: {  	s19 =	simm.s32 $_scs_section_size  }
0x9a: {  	s4 =	simm.s32 $_size__tile_overlayer_lowered;
	s5 =	simm.s32 $_tile_overlayer_lowered  }
0x9b: {  	s22 =	simm.s32 $0x1BFF;
	s21 =	sshll.u32 s5, $0x1;
	s2 =	sadd.s32 s19, s18  }
0x9c: {  	s6 =	simm.s32 $0x0;
	s20 =	sshll.u32 s4, $0x1;
	s4 =	sadd.s32 s21, s2  }
0x9d: {  	[timem:s6], [sflag:s22] =	dma.local [hbm:s4], s20  }
0x9e: {  	_ =	swait.ge [sflag:s22], s20  }
0x9f: {  	s3 =	ssub.s32 $0x0, s20;
	[sflag:s22] =	ssyncset.done $0x0  }
0xa0: {  	[sflag:s22] =	ssyncadd.s32 s3;
	_ =	sdelay $0x1  }
0xa1: {  	s23 =	simm.s32 $0x1B8B  }
0xa2: {  	_ =	swait.ge [sflag:s23], $0x1  }
0xa3: {  	[sflag:s23] =	ssyncset.done $0x0  }
0xa4: {  	s25 =	simm.s32 $0x1B8E;
	s24 =	sld [smem:$0x3FFE];
	[sflag:s23] =	ssyncadd.s32 $0xFFFFFFFF  }
0xa5: {  	s26 =	simm.s32 $execute0_lowered;
	[smem:$0x3FD2] =	sst s25  }
0xa6: {  	s4 =	sshll.u32 s26, $0x1;
	_ =	strace $0x80000049;
	[dreg:$0x1] =	wrdreg $0xFFFFFFFF  }
0xa7: {  	s28 =	simm.s32 $_size_execute0_lowered;
	s2 =	sadd.s32 s2, s4;
	[dreg:$0x0] =	wrdreg $0x0  }
0xa8: {  	s4 =	sshll.u32 s28, $0x1;
	[dreg:$0x2] =	wrdreg s2  }
0xa9: {  	[dreg:$0x3] =	wrdreg s4  }
0xaa: {  	[dreg:$0x4] =	wrdreg $0xC0  }
0xab: {  	_ =	task [dreg:s6], $0x5FFFF  }
0xac: {  	[dreg:$0x1] =	wrdreg $0xFFFFFFFF  }
0xad: {  	[dreg:$0x0] =	wrdreg $0x60  }
0xae: {  	[dreg:$0x2] =	wrdreg s24  }
0xaf: {  	[dreg:$0x3] =	wrdreg $0x168000  }
0xb0: {  	[dreg:$0x4] =	wrdreg $0x9  }
0xb1: {  	_ =	task.clear_ibuf [dreg:s6], $0x5FFFF;
	_ =	strace $0x90000049  }
0xb2: {  	s29 =	simm.s32 $0x9;
	_ =	strace $0x8000004B  }
0xb3: {  	_ =	swait.ge [sflag:s29], $0x1  }
0xb4: {  	[sflag:s29] =	ssyncadd.s32 $0xFFFFFFFF  }
0xb5: {  	_ =	strace $0x9000004B  }
0xb6: {  	_ =	sfence  }
0xb7: {  	s30 =	sld [smem:$0x0];
	_ =	sdelay $0x2  }
0xb8: {  	s31 =	sshll.u32 s1, $0xD;
	s1 =	sshrl.u32 s1, $0x2  }
0xb9: {  	s3 =	sand.u32 $0x4000, s31;
	s1 =	sadd.s32 s1, s30  }
0xba: {  	s0 =	sor.u32 s3, s0;
	s1 =	sshll.u32 s1, $0x11  }
0xbb: {  	s0 =	sor.u32 s1, s0  }
0xbc: {  	s0 =	sadd.s32 $0x8F2B, s0  }
0xbd: {  	[sflag:s0] =	ssyncadd.remote.s32 $0x1  }
0xbe: {  	_ =	sfence.sel $0xFFFF  }
0xbf: {  	[dreg:$0x0] =	wrdreg $0xFFFFFFFF;
	(pc) =	sbr.abs _section_cstart, $3  }
0xc0: {  	[dreg:$0x1] =	wrdreg $0xFFFFFFFF  }
0xc1: {  	_ =	task.clear_ibuf [dreg:s6], $0x2FFFF;
	_ =	strace $0x9FFFFFFF  }
0xc2: {  	(tm) =	ssettm $0x7FFFFFFF  }
0xc3: {  	_ =	shalt  }
tec
execute0_lowered:
.L_overlay_start_1:
0x0: {  	(tag) =	ssettag $0x1  }
0x1: {  	s0 =	srdreg.scid;
	s4 =	rddreg [dreg:$0x0]  }
0x2: {  	s7 =	stileid.u32;
	s1 =	rddreg [dreg:$0x1]  }
0x3: {  	s2 =	simm.s32 $0x0;
	s10 =	simm.s32 $0x14000;
	s11 =	simm.s32 $0x80  }
0x4: {  	s12 =	simm.s32 $0x0;
	s3 =	sand.u32 $0x1, s0;
	[smem:$0x7FF] =	sst s2  }
0x5: {  	p0 =	sne.s32 s7, $0x0;
	s0 =	sshll.u32 s3, $0x4;
	s8 =	smul.u32 $0x2720, s3  }
0x6: {  	s3 =	ssub.s32 $0x2, s3;
	s5 =	sor.u32 s7, s0;
	s0 =	rddreg [dreg:$0x2]  }
0x7: {  	_ =	strace $0x8000004A;
	s31 =	sshrl.u32 s3, $0x1;
	s6 =	smul.u32 $0x2800, s5  }
0x8: {  	s5 =	smul.u32 $0x500, s5;
	s8 =	sadd.s32 s8, s4;
	s9 =	ssub.s32 s3, s31  }
0x9: {  	s3 =	sadd.s32 $0x18F7A00, s8;
	s7 =	smax.u32 s9, $0x1;
	s6 =	sadd.s32 s6, s4  }
0xa: {  	s9 =	simm.s32 $0x1;
	s5 =	sadd.s32 s5, s4;
	s4 =	sadd.s32 $0x17400, s6  }
0xb: {  	s5 =	sadd.s32 $0xD400, s5;
	s6 =	sadd.s32 $0x3400, s8;
	s8 =	sshrl.u32 @!p0 s1, $0x3  }
.LBB2_1:
0xc: {  	s13 =	simm.s32 @!p0 $0x1C01  }
0xd: {  	[spmem:s8], [sflag:s13] =	dma.local @!p0 [hbm:s3], $0x2720  }
0xe: {  	s13 =	simm.s32 @!p0 $0x1  }
0xf: {  	_ =	swait.ge @!p0 [sflag:s13], $0x2720  }
0x10: {  	[sflag:s13] =	ssyncset.done @!p0 $0x0  }
0x11: {  	[sflag:s13] =	ssyncadd.s32 @!p0 $0xFFFFD8E0  }
0x12: {  	[tilespmem:s2], [sflag:$0x1] =	stream.linear.gather [hbm4b:s4+s2], $0x14000, $0x38;
	[tilespmem:$0x17B90] =	vst v63  }
0x13: {  	_ =	swait.ge [sflag:s9], $0x14000  }
0x14: {  	[sflag:s9] =	ssyncset.done $0x0  }
0x15: {  	[sflag:s9] =	ssyncadd.s32 $0xFFFEC000  }
0x16: {  	[tilespmem:s10], [sflag:$0x1] =	stream.linear.gather [hbm4b:s5+s2], $0x2800, $0x38;
	[tilespmem:$0x17B90] =	vst v63  }
0x17: {  	_ =	swait.ge [sflag:s9], $0x2800  }
0x18: {  	[sflag:s9] =	ssyncset.done $0x0  }
0x19: {  	[sflag:s9] =	ssyncadd.s32 $0xFFFFD800  }
0x1a: {  	s31 =	simm.s32 $0x14000;
	[bflag:$0x0] =	sbarrier.arrive $0xFFFF  }
0x1b: {  	[spmem:s1] =	stream.indirect.scatter.add.f32 [tilespmem:s2], [sflag:$0x1], $0x8, s31, s11, $0xb8;
	[tilespmem:$0x17B90] =	vst v63  }
0x1c: {  	s14 =	simm.s32 $0x0;
	s13 =	simm.s32 $0x200;
	_ =	swait.ge [sflag:s9], $0x400  }
.LBB2_2:
0x1d: {  	s15 =	sshra.s32 s13, $0x2  }
0x1e: {  	[sflag:s9] =	ssyncset.done $0x0;
	s14 =	sadd.s32 $0x400, s14;
	p1 =	sne.s32 s13, $0x9E00  }
.Ltmp0:
0x1f: {  	s15 =	sadd.s32 $0x14000, s15;
	[sflag:s9] =	ssyncadd.s32 $0xFFFFFC00;
	(pc) =	sbr.rel @p1 .LBB2_2-.Ltmp0, $3  }
0x20: {  	[spmem:s1] =	stream.indirect.scatter.add.f32 [tilespmem:s14], [sflag:$0x1], $0x8, s15, s11, $0xb8;
	[tilespmem:$0x17B90] =	vst v63  }
0x21: {  	s13 =	sadd.s32 $0x200, s13;
	_ =	sdelay $0x1  }
0x22: {  	_ =	swait.ge [sflag:s9], $0x400  }
0x23: {  	[sflag:s9] =	ssyncset.done $0x0  }
0x24: {  	s12 =	sadd.s32 $0x1, s12;
	[sflag:s9] =	ssyncadd.s32 $0xFFFFFC00  }
0x25: {  	s13 =	simm.s32 @!p0 $0x1C01;
	p1 =	sne.s32 s12, s7;
	[bflag:$0x0] =	sbarrier.arrive $0xFFFF  }
0x26: {  	[hbm:s6], [sflag:s13] =	dma.local @!p0 [spmem:s8], $0x2720  }
.Ltmp1:
0x27: {  	_ = 	snop;
	(pc) =	sbr.rel @p1 .LBB2_1-.Ltmp1, $4  }
0x28: {  	s13 =	simm.s32 @!p0 $0x1  }
0x29: {  	_ =	swait.ge @!p0 [sflag:s13], $0x2720  }
0x2a: {  	[sflag:s13] =	ssyncset.done @!p0 $0x0  }
0x2b: {  	[sflag:s13] =	ssyncadd.s32 @!p0 $0xFFFFD8E0  }
0x2c: {  	_ =	sfence.sel $0x180000  }
0x2d: {  	[bflag:$0x0] =	sbarrier.arrive $0xFFFF  }
0x2e: {  	_ =	strace $0x9000004A  }
0x2f: {  	s0 =	sadd.s32 @!p0 $0x100000, s0;
	[bflag:$0x2] =	sbarrier.arrive $0xFFFF  }
0x30: {  	[sflag:s0] =	ssyncadd.tile.s32 @!p0 $0x1;
	_ =	shalt  }
.Lfunc_end2:
_tile_overlayer_lowered:
.L_overlay_start_2:
0x31: {  	(tag) =	ssettag $0x2  }
0x32: {  	s0 =	rddreg [dreg:$0x0];
	s2 =	stileid.u32  }
0x33: {  	s1 =	rddreg [dreg:$0x1];
	p0 =	sne.s32 s2, $0x0  }
0x34: {  	s3 =	rddreg [dreg:$0x2];
	[bflag:$0x3] =	sbarrier.arrive $0xFFFF;
	s2 =	simm.s32 @!p0 $0x1C01  }
0x35: {  	[timem:s3], [sflag:s2] =	dma.local @!p0 [hbm:s0], s1  }
0x36: {  	s0 =	simm.s32 @!p0 $0x1  }
0x37: {  	_ =	swait.ge @!p0 [sflag:s0], s1  }
0x38: {  	s1 =	ssub.s32 @!p0 $0x0, s1;
	[sflag:s0] =	ssyncset.done @!p0 $0x0  }
0x39: {  	[sflag:s0] =	ssyncadd.s32 @!p0 s1  }
0x3a: {  	[bflag:$0x3] =	sbarrier.arrive $0xFFFF  }
0x3b: {  	_ =	shalt  }

</sc_bundles>
